<compile_context>
chip_gen: v7x
topology: tpu7x:2x2x1
jax: 0.10.2.dev20260603
libtpu: 0.0.44.dev20260713+nightly
codegen_flags: <defaults>
</compile_context>

<pallas_src>
import functools

import jax
import jax.numpy as jnp
from jax import lax
from jax.experimental import pallas as pl
from jax.experimental.pallas import tpu as pltpu
from jax.experimental.pallas import tpu_sc as plsc

N = 10000
E = 320000
D_IN = 128
D_HID = 16
D_OUT = 7

N_PAD = 10240
NW = 32
EPW = E // NW
NCHUNK = 80
CW = EPW // NCHUNK
ROWS = N_PAD // 16

_mesh = plsc.VectorSubcoreMesh(core_axis_name="c", subcore_axis_name="s")


@functools.partial(
    pl.kernel,
    out_type=jax.ShapeDtypeStruct((NW, N_PAD), jnp.float32),
    mesh=_mesh,
    scratch_types=[
        pltpu.VMEM((EPW,), jnp.int32),
        pltpu.VMEM((N_PAD,), jnp.float32),
    ],
    compiler_params=pltpu.CompilerParams(needs_layout_passes=False,
                                         use_tc_tiling_on_sc=False),
)
def _deg_kernel(ei_hbm, out_hbm, dvm, deg_l):
    cid = lax.axis_index("c")
    sid = lax.axis_index("s")
    wid = cid * 16 + sid
    pltpu.sync_copy(ei_hbm.at[1, pl.ds(wid * EPW, EPW)], dvm)

    zero16 = jnp.zeros((16,), jnp.float32)
    ones16 = jnp.ones((16,), jnp.float32)

    def _zero_deg(i, c):
        deg_l[pl.ds(i * 16, 16)] = zero16
        return c
    lax.fori_loop(0, ROWS, _zero_deg, 0)

    def _hist16(g, c):
        idx = dvm[pl.ds(g * 16, 16)]
        plsc.addupdate_scatter(deg_l, [idx], ones16)
        return c
    lax.fori_loop(0, EPW // 16, _hist16, 0)

    pltpu.sync_copy(deg_l, out_hbm.at[wid])


@functools.partial(
    pl.kernel,
    out_type=jax.ShapeDtypeStruct((2, N_PAD, 16), jnp.float32),
    mesh=_mesh,
    scratch_types=[
        pltpu.VMEM((NCHUNK, CW), jnp.int32),
        pltpu.VMEM((NCHUNK, CW), jnp.int32),
        pltpu.VMEM((8 * CW, 16), jnp.float32),
        pltpu.VMEM((N_PAD // 16, 16), jnp.float32),
        pltpu.VMEM_SHARED((N_PAD, 16), jnp.float32),
        pltpu.SemaphoreType.DMA((8,)),
        pltpu.SemaphoreType.DMA((8,)),
    ],
    compiler_params=pltpu.CompilerParams(use_tc_tiling_on_sc=False),
)
def _agg_kernel(y_hbm, e4_hbm, out_hbm, svm, dvm, gb, obuf, agg, gsem, ssem):
    cid = lax.axis_index("c")
    sid = lax.axis_index("s")
    wid = cid * 16 + sid
    slab = N_PAD // 16
    pltpu.sync_copy(e4_hbm.at[0, wid], svm)
    pltpu.sync_copy(e4_hbm.at[1, wid], dvm)

    zero16 = jnp.zeros((16,), jnp.float32)

    def _zero_obuf(i, c):
        obuf[i, :] = zero16
        return c
    lax.fori_loop(0, slab, _zero_obuf, 0)
    pltpu.sync_copy(obuf, agg.at[pl.ds(sid * slab, slab)])
    plsc.subcore_barrier()

    NB = 8
    LEAD = 4

    def _group(i, c):
        base = i * NB
        for k in range(NB):
            j = base + k
            buf_k = gb.at[pl.ds(k * CW, CW)]
            km = (k - LEAD) % NB
            buf_m = gb.at[pl.ds(km * CW, CW)]

            @pl.when(j >= NB)
            def _():
                pltpu.make_async_copy(
                    buf_k, agg.at[dvm.at[j - NB]], ssem.at[k]).wait()

            @pl.when(j < NCHUNK)
            def _():
                pltpu.async_copy(y_hbm.at[svm.at[j]], buf_k, gsem.at[k])

            @pl.when(jnp.logical_and(j >= LEAD, j < NCHUNK + LEAD))
            def _():
                pltpu.make_async_copy(
                    y_hbm.at[svm.at[j - LEAD]], buf_m, gsem.at[km]).wait()
                pltpu.async_copy(
                    buf_m, agg.at[dvm.at[j - LEAD]], ssem.at[km], add=True)
        return c
    lax.fori_loop(0, (NCHUNK + NB) // NB, _group, 0)

    plsc.subcore_barrier()
    pltpu.sync_copy(agg.at[pl.ds(sid * slab, slab)], obuf)
    pltpu.sync_copy(obuf, out_hbm.at[cid, pl.ds(sid * slab, slab)])


NF = N * 16 // 128
AFC = N_PAD * 16 // 128


def _to_flat(v):
    return jnp.concatenate([v[NF * k:NF * (k + 1), :] for k in range(8)],
                           axis=1)


def _from_flat(f):
    return jnp.concatenate([f[:, 16 * k:16 * (k + 1)] for k in range(8)],
                           axis=0)


def _tc1_body(x_ref, w_ref, dall_ref, y_ref, dinv_ref):
    deg = jnp.sum(dall_ref[...], axis=0)[:N, None] + 1.0
    dv = lax.rsqrt(deg)
    xw = jnp.dot(x_ref[...], w_ref[...], preferred_element_type=jnp.float32)
    y_ref[...] = _to_flat(dv * xw)
    dinv_ref[...] = dv


_tc1 = pl.pallas_call(
    _tc1_body,
    out_shape=[
        jax.ShapeDtypeStruct((NF, 128), jnp.float32),
        jax.ShapeDtypeStruct((N, 1), jnp.float32),
    ],
)


def _tc2_body(a_ref, y1_ref, dinv_ref, b1_ref, w2_ref, y2_ref):
    a = _from_flat(a_ref[0, :NF] + a_ref[1, :NF])
    y1 = _from_flat(y1_ref[...])
    dv = dinv_ref[...]
    pre = (a + y1) * dv + b1_ref[...]
    h = jnp.maximum(pre, 0.0)
    hw = jnp.dot(h, w2_ref[...], preferred_element_type=jnp.float32)
    y2_ref[...] = _to_flat(dv * hw)


_tc2 = pl.pallas_call(
    _tc2_body,
    out_shape=jax.ShapeDtypeStruct((NF, 128), jnp.float32),
)


def _tc3_body(a_ref, y2_ref, dinv_ref, b2_ref, o_ref):
    a = _from_flat(a_ref[0, :NF] + a_ref[1, :NF])
    y2 = _from_flat(y2_ref[...])
    t = (a + y2) * dinv_ref[...] + b2_ref[...]
    col = lax.broadcasted_iota(jnp.int32, (N, 16), 1)
    valid = col < D_OUT
    tm = jnp.where(valid, t, jnp.float32(-1e30))
    mx = jnp.max(tm, axis=1, keepdims=True)
    e = jnp.where(valid, jnp.exp(t - mx), 0.0)
    s = jnp.sum(e, axis=1, keepdims=True)
    o_ref[...] = (t - mx - jnp.log(s))[:, :D_OUT]


_tc3 = pl.pallas_call(
    _tc3_body,
    out_shape=jax.ShapeDtypeStruct((N, D_OUT), jnp.float32),
)


def kernel(x, edge_index, W1, b1, W2, b2):
    ep = (edge_index % NF) * 8 + edge_index // NF
    e4p = ep.reshape(2, NW, NCHUNK, CW)

    w2p = jnp.pad(W2, ((0, 0), (0, 16 - D_OUT)))
    b1p = b1.reshape(1, 16)
    b2p = jnp.pad(b2, (0, 16 - D_OUT)).reshape(1, 16)

    d_all = _deg_kernel(edge_index)
    y1f, dinv = _tc1(x, W1, d_all)
    a = _agg_kernel(y1f.reshape(N, 16), e4p)
    y2f = _tc2(a.reshape(2, AFC, 128), y1f, dinv, b1p, w2p)
    a2 = _agg_kernel(y2f.reshape(N, 16), e4p)
    return _tc3(a2.reshape(2, AFC, 128), y2f, dinv, b2p)

# --- scband reference (transcript-rebuilt; emitter-appended) ---
"""Pipeline reference for scband-net-5471788335693 (READ-ONLY COPY).

The authoritative reference and input builder live on the scoring server;
editing this copy changes nothing except your own understanding.
"""

import jax, jax.numpy as jnp
import numpy as np

N = 10000
E = 320000
D_IN = 128
D_HID = 16
D_OUT = 7


def gcn_conv(x, src, dst, W, b):
    n = x.shape[0]
    loops = jnp.arange(n, dtype=src.dtype)
    s = jnp.concatenate([src, loops])
    d = jnp.concatenate([dst, loops])
    deg = jnp.zeros((n,), dtype=x.dtype).at[d].add(1.0)
    dinv = jnp.where(deg > 0, deg ** -0.5, 0.0)
    norm = dinv[s] * dinv[d]
    xw = x @ W
    msg = norm[:, None] * jnp.take(xw, s, axis=0)
    out = jnp.zeros((n, W.shape[1]), dtype=x.dtype).at[d].add(msg)
    return out + b


def setup_inputs(seed: int = 0) -> dict:
    key = jax.random.key(seed)
    k1, k2, k3, k4, k5, k6 = jax.random.split(key, 6)
    x = jax.random.normal(k1, (N, D_IN), dtype=jnp.float32)
    edge_index = jax.random.randint(k2, (2, E), 0, N, dtype=jnp.int32)
    W1 = jax.random.normal(k3, (D_IN, D_HID), dtype=jnp.float32) * (1.0 / np.sqrt(D_IN))
    b1 = jnp.zeros((D_HID,), dtype=jnp.float32)
    W2 = jax.random.normal(k4, (D_HID, D_OUT), dtype=jnp.float32) * (1.0 / np.sqrt(D_HID))
    b2 = jnp.zeros((D_OUT,), dtype=jnp.float32)
    return {"x": x, "edge_index": edge_index, "W1": W1, "b1": b1, "W2": W2, "b2": b2}


def reference(x, edge_index, W1, b1, W2, b2):
    src = edge_index[0]
    dst = edge_index[1]
    h = gcn_conv(x, src, dst, W1, b1)
    h = jax.nn.relu(h)
    # F.dropout with training=self.training: identity in eval mode
    out = gcn_conv(h, src, dst, W2, b2)
    return jax.nn.log_softmax(out, axis=1)

if __name__ == "__main__":
    import jax
    _d = setup_inputs()
    print(jax.jit(kernel)(*tuple(_d.values())))

</pallas_src>

<mosaic_0001>
#map = affine_map<(d0, d1) -> (0, 0)>
#map1 = affine_map<(d0, d1) -> (0, 0, 0, 0)>
#map2 = affine_map<(d0, d1) -> (0, 0, 0)>
module attributes {stable_mosaic.version = 14 : i64} {
  func.func @_agg_kernel(%arg0: i32, %arg1: i32, %arg2: memref<10000x16xf32, #tpu.memory_space<hbm>>, %arg3: memref<2x32x80x125xi32, #tpu.memory_space<hbm>>, %arg4: memref<2x10240x16xf32, #tpu.memory_space<hbm>>, %arg5: memref<80x125xi32, #tpu.memory_space<vmem>>, %arg6: memref<80x125xi32, #tpu.memory_space<vmem>>, %arg7: memref<1000x16xf32, #tpu.memory_space<vmem>>, %arg8: memref<640x16xf32, #tpu.memory_space<vmem>>, %arg9: memref<10240x16xf32, #tpu.memory_space<vmem_shared>>, %arg10: memref<8x!tpu.dma_semaphore, #tpu.memory_space<semaphore_mem>>, %arg11: memref<8x!tpu.dma_semaphore, #tpu.memory_space<semaphore_mem>>) attributes {dimension_semantics = [#tpu.dimension_semantics<core_parallel>, #tpu.dimension_semantics<subcore_parallel>], iteration_bounds = array<i64: 2, 16>, scalar_prefetch = 0 : i64, scratch_operands = 7 : i64, tpu.core_type = #tpu.core_type<sc_vector_subcore>, window_params = [{transform_indices = #map}, {transform_indices = #map1}, {transform_indices = #map2}]} {
    %mul3A = arith.constant 16 : i32
    %mul3A_0 = arith.muli %arg0, %mul3A : i32
    %add3A = arith.addi %mul3A_0, %arg1 : i32
    %run_scoped3A = arith.constant 0 : i32
    "tpu.region"() ({
      %run_scoped3A_21 = tpu.sem_alloc : memref<!tpu.dma_semaphore, #tpu.memory_space<semaphore_mem>>
      %dma_start3A = arith.constant 0 : i32
      %dma_start3A_22 = arith.constant 0 : i32
      %dma_start3A_23 = tpu.memref_slice %arg3[%run_scoped3A, %add3A, %dma_start3A, %dma_start3A_22] : memref<2x32x80x125xi32, #tpu.memory_space<hbm>> -> memref<1x1x80x125xi32, #tpu.memory_space<hbm>>
      %dma_start3A_24 = tpu.memref_squeeze %dma_start3A_23 : memref<1x1x80x125xi32, #tpu.memory_space<hbm>> -> memref<80x125xi32, #tpu.memory_space<hbm>>
      %dma_start3A_25 = arith.constant 0 : i32
      %dma_start3A_26 = arith.constant 0 : i32
      %dma_start3A_27 = tpu.memref_slice %arg3[%run_scoped3A, %add3A, %dma_start3A_25, %dma_start3A_26] : memref<2x32x80x125xi32, #tpu.memory_space<hbm>> -> memref<1x1x80x125xi32, #tpu.memory_space<hbm>>
      %dma_start3A_28 = tpu.memref_squeeze %dma_start3A_27 : memref<1x1x80x125xi32, #tpu.memory_space<hbm>> -> memref<80x125xi32, #tpu.memory_space<hbm>>
      tpu.enqueue_dma source(%dma_start3A_28 : memref<80x125xi32, #tpu.memory_space<hbm>>) target(%arg5 : memref<80x125xi32, #tpu.memory_space<vmem>>) target_semaphore(%run_scoped3A_21 : memref<!tpu.dma_semaphore, #tpu.memory_space<semaphore_mem>>)
      %dma_wait3A = arith.constant 0 : i32
      %dma_wait3A_29 = arith.constant 0 : i32
      %dma_wait3A_30 = tpu.memref_slice %arg3[%run_scoped3A, %add3A, %dma_wait3A, %dma_wait3A_29] : memref<2x32x80x125xi32, #tpu.memory_space<hbm>> -> memref<1x1x80x125xi32, #tpu.memory_space<hbm>>
      %dma_wait3A_31 = tpu.memref_squeeze %dma_wait3A_30 : memref<1x1x80x125xi32, #tpu.memory_space<hbm>> -> memref<80x125xi32, #tpu.memory_space<hbm>>
      %dma_wait3A_32 = arith.constant 0 : i32
      %dma_wait3A_33 = arith.constant 0 : i32
      %dma_wait3A_34 = tpu.memref_slice %arg3[%run_scoped3A, %add3A, %dma_wait3A_32, %dma_wait3A_33] : memref<2x32x80x125xi32, #tpu.memory_space<hbm>> -> memref<1x1x80x125xi32, #tpu.memory_space<hbm>>
      %dma_wait3A_35 = tpu.memref_squeeze %dma_wait3A_34 : memref<1x1x80x125xi32, #tpu.memory_space<hbm>> -> memref<80x125xi32, #tpu.memory_space<hbm>>
      tpu.wait_dma2 semaphore(%run_scoped3A_21 : memref<!tpu.dma_semaphore, #tpu.memory_space<semaphore_mem>>) src(%dma_wait3A_35 : memref<80x125xi32, #tpu.memory_space<hbm>>) dst(%arg5 : memref<80x125xi32, #tpu.memory_space<vmem>>)
      tpu.yield
    }) : () -> ()
    %run_scoped3A_1 = arith.constant 1 : i32
    "tpu.region"() ({
      %run_scoped3A_21 = tpu.sem_alloc : memref<!tpu.dma_semaphore, #tpu.memory_space<semaphore_mem>>
      %dma_start3A = arith.constant 0 : i32
      %dma_start3A_22 = arith.constant 0 : i32
      %dma_start3A_23 = tpu.memref_slice %arg3[%run_scoped3A_1, %add3A, %dma_start3A, %dma_start3A_22] : memref<2x32x80x125xi32, #tpu.memory_space<hbm>> -> memref<1x1x80x125xi32, #tpu.memory_space<hbm>>
      %dma_start3A_24 = tpu.memref_squeeze %dma_start3A_23 : memref<1x1x80x125xi32, #tpu.memory_space<hbm>> -> memref<80x125xi32, #tpu.memory_space<hbm>>
      %dma_start3A_25 = arith.constant 0 : i32
      %dma_start3A_26 = arith.constant 0 : i32
      %dma_start3A_27 = tpu.memref_slice %arg3[%run_scoped3A_1, %add3A, %dma_start3A_25, %dma_start3A_26] : memref<2x32x80x125xi32, #tpu.memory_space<hbm>> -> memref<1x1x80x125xi32, #tpu.memory_space<hbm>>
      %dma_start3A_28 = tpu.memref_squeeze %dma_start3A_27 : memref<1x1x80x125xi32, #tpu.memory_space<hbm>> -> memref<80x125xi32, #tpu.memory_space<hbm>>
      tpu.enqueue_dma source(%dma_start3A_28 : memref<80x125xi32, #tpu.memory_space<hbm>>) target(%arg6 : memref<80x125xi32, #tpu.memory_space<vmem>>) target_semaphore(%run_scoped3A_21 : memref<!tpu.dma_semaphore, #tpu.memory_space<semaphore_mem>>)
      %dma_wait3A = arith.constant 0 : i32
      %dma_wait3A_29 = arith.constant 0 : i32
      %dma_wait3A_30 = tpu.memref_slice %arg3[%run_scoped3A_1, %add3A, %dma_wait3A, %dma_wait3A_29] : memref<2x32x80x125xi32, #tpu.memory_space<hbm>> -> memref<1x1x80x125xi32, #tpu.memory_space<hbm>>
      %dma_wait3A_31 = tpu.memref_squeeze %dma_wait3A_30 : memref<1x1x80x125xi32, #tpu.memory_space<hbm>> -> memref<80x125xi32, #tpu.memory_space<hbm>>
      %dma_wait3A_32 = arith.constant 0 : i32
      %dma_wait3A_33 = arith.constant 0 : i32
      %dma_wait3A_34 = tpu.memref_slice %arg3[%run_scoped3A_1, %add3A, %dma_wait3A_32, %dma_wait3A_33] : memref<2x32x80x125xi32, #tpu.memory_space<hbm>> -> memref<1x1x80x125xi32, #tpu.memory_space<hbm>>
      %dma_wait3A_35 = tpu.memref_squeeze %dma_wait3A_34 : memref<1x1x80x125xi32, #tpu.memory_space<hbm>> -> memref<80x125xi32, #tpu.memory_space<hbm>>
      tpu.wait_dma2 semaphore(%run_scoped3A_21 : memref<!tpu.dma_semaphore, #tpu.memory_space<semaphore_mem>>) src(%dma_wait3A_35 : memref<80x125xi32, #tpu.memory_space<hbm>>) dst(%arg6 : memref<80x125xi32, #tpu.memory_space<vmem>>)
      tpu.yield
    }) : () -> ()
    %broadcast_in_dim3A = arith.constant 0.000000e+00 : f32
    %broadcast_in_dim3A_2 = vector.broadcast %broadcast_in_dim3A : f32 to vector<16xf32>
    %scan3A = arith.constant 0 : i32
    %scan3A_3 = arith.constant 0 : i32
    %scan3A_4 = arith.constant 640 : i32
    %scan3A_5 = arith.addi %scan3A_3, %scan3A_4 : i32
    %scan3A_6 = arith.constant 1 : i32
    scf.for %scan3A_21 = %scan3A_3 to %scan3A_5 step %scan3A_6  : i32 {
      %swap3A = arith.index_cast %scan3A_21 : i32 to index
      %swap3A_22 = arith.constant 0 : index
      %swap3A_23 = tpu.vector_load %arg8[%swap3A, %swap3A_22] {strides = array<i32>} : memref<640x16xf32, #tpu.memory_space<vmem>>, vector<1x16xf32>,
      %swap3A_24 = vector.shape_cast %swap3A_23 : vector<1x16xf32> to vector<16xf32>
      %swap3A_25 = vector.shape_cast %broadcast_in_dim3A_2 : vector<16xf32> to vector<1x16xf32>
      tpu.vector_store %arg8[%swap3A, %swap3A_22], %swap3A_25 {strides = array<i32>} : memref<640x16xf32, #tpu.memory_space<vmem>>, vector<1x16xf32>,
    }
    %scan3A_7 = arith.constant 640 : i32
    %mul3A_8 = arith.constant 640 : i32
    %mul3A_9 = arith.muli %arg1, %mul3A_8 : i32
    "tpu.region"() ({
      %run_scoped3A_21 = tpu.sem_alloc : memref<!tpu.dma_semaphore, #tpu.memory_space<semaphore_mem>>
      %dma_start3A = arith.constant 0 : i32
      %dma_start3A_22 = tpu.memref_slice %arg9[%mul3A_9, %dma_start3A] : memref<10240x16xf32, #tpu.memory_space<vmem_shared>> -> memref<640x16xf32, #tpu.memory_space<vmem_shared>>
      %dma_start3A_23 = arith.constant 0 : i32
      %dma_start3A_24 = tpu.memref_slice %arg9[%mul3A_9, %dma_start3A_23] : memref<10240x16xf32, #tpu.memory_space<vmem_shared>> -> memref<640x16xf32, #tpu.memory_space<vmem_shared>>
      tpu.enqueue_dma source(%arg8 : memref<640x16xf32, #tpu.memory_space<vmem>>) target(%dma_start3A_24 : memref<640x16xf32, #tpu.memory_space<vmem_shared>>) target_semaphore(%run_scoped3A_21 : memref<!tpu.dma_semaphore, #tpu.memory_space<semaphore_mem>>)
      %dma_wait3A = arith.constant 0 : i32
      %dma_wait3A_25 = tpu.memref_slice %arg9[%mul3A_9, %dma_wait3A] : memref<10240x16xf32, #tpu.memory_space<vmem_shared>> -> memref<640x16xf32, #tpu.memory_space<vmem_shared>>
      %dma_wait3A_26 = arith.constant 0 : i32
      %dma_wait3A_27 = tpu.memref_slice %arg9[%mul3A_9, %dma_wait3A_26] : memref<10240x16xf32, #tpu.memory_space<vmem_shared>> -> memref<640x16xf32, #tpu.memory_space<vmem_shared>>
      tpu.wait_dma2 semaphore(%run_scoped3A_21 : memref<!tpu.dma_semaphore, #tpu.memory_space<semaphore_mem>>) src(%arg8 : memref<640x16xf32, #tpu.memory_space<vmem>>) dst(%dma_wait3A_27 : memref<640x16xf32, #tpu.memory_space<vmem_shared>>)
      tpu.yield
    }) : () -> ()
    %barrier3A = arith.constant 0 : index
    tpu.barrier barrier_id(%barrier3A)
    %scan3A_10 = arith.constant 0 : i32
    %scan3A_11 = arith.constant 0 : i32
    %scan3A_12 = arith.constant 11 : i32
    %scan3A_13 = arith.addi %scan3A_11, %scan3A_12 : i32
    %scan3A_14 = arith.constant 1 : i32
    scf.for %scan3A_21 = %scan3A_11 to %scan3A_13 step %scan3A_14  : i32 {
      %mul3A_22 = arith.constant 8 : i32
      %mul3A_23 = arith.muli %scan3A_21, %mul3A_22 : i32
      %add3A_24 = arith.constant 0 : i32
      %add3A_25 = arith.addi %mul3A_23, %add3A_24 : i32
      %ge3A = arith.constant 8 : i32
      %ge3A_26 = arith.cmpi sge, %add3A_25, %ge3A : i32
      %convert_element_type3A = arith.extui %ge3A_26 : i1 to i32
      %cond3A = arith.constant 0 : i32
      %cond3A_27 = arith.cmpi ne, %convert_element_type3A, %cond3A : i32
      scf.if %cond3A_27 {
        %sub3A = arith.constant 8 : i32
        %sub3A_179 = arith.subi %add3A_25, %sub3A : i32
        %dma_wait3A = arith.constant 0 : i32
        %dma_wait3A_180 = arith.constant 0 : i32
        %dma_wait3A_181 = arith.constant 0 : i32
        %dma_wait3A_182 = tpu.memref_slice %arg7[%dma_wait3A_180, %dma_wait3A_181] : memref<1000x16xf32, #tpu.memory_space<vmem>> -> memref<125x16xf32, #tpu.memory_space<vmem>>
        %dma_wait3A_183 = arith.constant 0 : i32
        %dma_wait3A_184 = tpu.memref_slice %arg6[%sub3A_179, %dma_wait3A_183] : memref<80x125xi32, #tpu.memory_space<vmem>> -> memref<1x125xi32, #tpu.memory_space<vmem>>
        %dma_wait3A_185 = tpu.memref_squeeze %dma_wait3A_184 : memref<1x125xi32, #tpu.memory_space<vmem>> -> memref<125xi32, #tpu.memory_space<vmem>>
        %dma_wait3A_186 = arith.constant 0 : i32
        %dma_wait3A_187 = arith.constant 0 : i32
        %dma_wait3A_188 = tpu.memref_slice %arg9[%dma_wait3A_186, %dma_wait3A_187] : memref<10240x16xf32, #tpu.memory_space<vmem_shared>> -> memref<10240x16xf32, #tpu.memory_space<vmem_shared>>
        %dma_wait3A_189 = tpu.memref_slice %arg11[%dma_wait3A] : memref<8x!tpu.dma_semaphore, #tpu.memory_space<semaphore_mem>> -> memref<1x!tpu.dma_semaphore, #tpu.memory_space<semaphore_mem>>
        %dma_wait3A_190 = tpu.memref_squeeze %dma_wait3A_189 : memref<1x!tpu.dma_semaphore, #tpu.memory_space<semaphore_mem>> -> memref<!tpu.dma_semaphore, #tpu.memory_space<semaphore_mem>>
        tpu.wait_indirect_dma semaphore(%dma_wait3A_190 : memref<!tpu.dma_semaphore, #tpu.memory_space<semaphore_mem>>) src(%dma_wait3A_182 : memref<125x16xf32, #tpu.memory_space<vmem>>) dst(%dma_wait3A_188 : memref<10240x16xf32, #tpu.memory_space<vmem_shared>>)
      } else {
      }
      %lt3A = arith.constant 80 : i32
      %lt3A_28 = arith.cmpi slt, %add3A_25, %lt3A : i32
      %convert_element_type3A_29 = arith.extui %lt3A_28 : i1 to i32
      %cond3A_30 = arith.constant 0 : i32
      %cond3A_31 = arith.cmpi ne, %convert_element_type3A_29, %cond3A_30 : i32
      scf.if %cond3A_31 {
        %dma_start3A = arith.constant 0 : i32
        %dma_start3A_179 = arith.constant 0 : i32
        %dma_start3A_180 = arith.constant 0 : i32
        %dma_start3A_181 = tpu.memref_slice %arg7[%dma_start3A_179, %dma_start3A_180] : memref<1000x16xf32, #tpu.memory_space<vmem>> -> memref<125x16xf32, #tpu.memory_space<vmem>>
        %dma_start3A_182 = arith.constant 0 : i32
        %dma_start3A_183 = tpu.memref_slice %arg5[%add3A_25, %dma_start3A_182] : memref<80x125xi32, #tpu.memory_space<vmem>> -> memref<1x125xi32, #tpu.memory_space<vmem>>
        %dma_start3A_184 = tpu.memref_squeeze %dma_start3A_183 : memref<1x125xi32, #tpu.memory_space<vmem>> -> memref<125xi32, #tpu.memory_space<vmem>>
        %dma_start3A_185 = arith.constant 0 : i32
        %dma_start3A_186 = arith.constant 0 : i32
        %dma_start3A_187 = tpu.memref_slice %arg2[%dma_start3A_185, %dma_start3A_186] : memref<10000x16xf32, #tpu.memory_space<hbm>> -> memref<10000x16xf32, #tpu.memory_space<hbm>>
        %dma_start3A_188 = tpu.memref_slice %arg10[%dma_start3A] : memref<8x!tpu.dma_semaphore, #tpu.memory_space<semaphore_mem>> -> memref<1x!tpu.dma_semaphore, #tpu.memory_space<semaphore_mem>>
        %dma_start3A_189 = tpu.memref_squeeze %dma_start3A_188 : memref<1x!tpu.dma_semaphore, #tpu.memory_space<semaphore_mem>> -> memref<!tpu.dma_semaphore, #tpu.memory_space<semaphore_mem>>
        tpu.enqueue_indirect_dma source(%dma_start3A_187 : memref<10000x16xf32, #tpu.memory_space<hbm>>) target(%dma_start3A_181 : memref<125x16xf32, #tpu.memory_space<vmem>>) offsets(%dma_start3A_184 : memref<125xi32, #tpu.memory_space<vmem>>) semaphore(%dma_start3A_189 : memref<!tpu.dma_semaphore, #tpu.memory_space<semaphore_mem>>)
      } else {
      }
      %ge3A_32 = arith.constant 4 : i32
      %ge3A_33 = arith.cmpi sge, %add3A_25, %ge3A_32 : i32
      %lt3A_34 = arith.constant 84 : i32
      %lt3A_35 = arith.cmpi slt, %add3A_25, %lt3A_34 : i32
      %and3A = arith.andi %ge3A_33, %lt3A_35 : i1
      %convert_element_type3A_36 = arith.extui %and3A : i1 to i32
      %cond3A_37 = arith.constant 0 : i32
      %cond3A_38 = arith.cmpi ne, %convert_element_type3A_36, %cond3A_37 : i32
      scf.if %cond3A_38 {
        %sub3A = arith.constant 4 : i32
        %sub3A_179 = arith.subi %add3A_25, %sub3A : i32
        %dma_wait3A = arith.constant 4 : i32
        %dma_wait3A_180 = arith.constant 500 : i32
        %dma_wait3A_181 = arith.constant 0 : i32
        %dma_wait3A_182 = tpu.memref_slice %arg7[%dma_wait3A_180, %dma_wait3A_181] : memref<1000x16xf32, #tpu.memory_space<vmem>> -> memref<125x16xf32, #tpu.memory_space<vmem>>
        %dma_wait3A_183 = arith.constant 0 : i32
        %dma_wait3A_184 = tpu.memref_slice %arg5[%sub3A_179, %dma_wait3A_183] : memref<80x125xi32, #tpu.memory_space<vmem>> -> memref<1x125xi32, #tpu.memory_space<vmem>>
        %dma_wait3A_185 = tpu.memref_squeeze %dma_wait3A_184 : memref<1x125xi32, #tpu.memory_space<vmem>> -> memref<125xi32, #tpu.memory_space<vmem>>
        %dma_wait3A_186 = arith.constant 0 : i32
        %dma_wait3A_187 = arith.constant 0 : i32
        %dma_wait3A_188 = tpu.memref_slice %arg2[%dma_wait3A_186, %dma_wait3A_187] : memref<10000x16xf32, #tpu.memory_space<hbm>> -> memref<10000x16xf32, #tpu.memory_space<hbm>>
        %dma_wait3A_189 = tpu.memref_slice %arg10[%dma_wait3A] : memref<8x!tpu.dma_semaphore, #tpu.memory_space<semaphore_mem>> -> memref<1x!tpu.dma_semaphore, #tpu.memory_space<semaphore_mem>>
        %dma_wait3A_190 = tpu.memref_squeeze %dma_wait3A_189 : memref<1x!tpu.dma_semaphore, #tpu.memory_space<semaphore_mem>> -> memref<!tpu.dma_semaphore, #tpu.memory_space<semaphore_mem>>
        tpu.wait_indirect_dma semaphore(%dma_wait3A_190 : memref<!tpu.dma_semaphore, #tpu.memory_space<semaphore_mem>>) src(%dma_wait3A_188 : memref<10000x16xf32, #tpu.memory_space<hbm>>) dst(%dma_wait3A_182 : memref<125x16xf32, #tpu.memory_space<vmem>>)
        %sub3A_191 = arith.constant 4 : i32
        %sub3A_192 = arith.subi %add3A_25, %sub3A_191 : i32
        %dma_start3A = arith.constant 4 : i32
        %dma_start3A_193 = arith.constant 500 : i32
        %dma_start3A_194 = arith.constant 0 : i32
        %dma_start3A_195 = tpu.memref_slice %arg7[%dma_start3A_193, %dma_start3A_194] : memref<1000x16xf32, #tpu.memory_space<vmem>> -> memref<125x16xf32, #tpu.memory_space<vmem>>
        %dma_start3A_196 = arith.constant 0 : i32
        %dma_start3A_197 = tpu.memref_slice %arg6[%sub3A_192, %dma_start3A_196] : memref<80x125xi32, #tpu.memory_space<vmem>> -> memref<1x125xi32, #tpu.memory_space<vmem>>
        %dma_start3A_198 = tpu.memref_squeeze %dma_start3A_197 : memref<1x125xi32, #tpu.memory_space<vmem>> -> memref<125xi32, #tpu.memory_space<vmem>>
        %dma_start3A_199 = arith.constant 0 : i32
        %dma_start3A_200 = arith.constant 0 : i32
        %dma_start3A_201 = tpu.memref_slice %arg9[%dma_start3A_199, %dma_start3A_200] : memref<10240x16xf32, #tpu.memory_space<vmem_shared>> -> memref<10240x16xf32, #tpu.memory_space<vmem_shared>>
        %dma_start3A_202 = tpu.memref_slice %arg11[%dma_start3A] : memref<8x!tpu.dma_semaphore, #tpu.memory_space<semaphore_mem>> -> memref<1x!tpu.dma_semaphore, #tpu.memory_space<semaphore_mem>>
        %dma_start3A_203 = tpu.memref_squeeze %dma_start3A_202 : memref<1x!tpu.dma_semaphore, #tpu.memory_space<semaphore_mem>> -> memref<!tpu.dma_semaphore, #tpu.memory_space<semaphore_mem>>
        tpu.enqueue_indirect_dma source(%dma_start3A_195 : memref<125x16xf32, #tpu.memory_space<vmem>>) target(%dma_start3A_201 : memref<10240x16xf32, #tpu.memory_space<vmem_shared>>) offsets(%dma_start3A_198 : memref<125xi32, #tpu.memory_space<vmem>>) semaphore(%dma_start3A_203 : memref<!tpu.dma_semaphore, #tpu.memory_space<semaphore_mem>>) {add = true}
      } else {
      }
      %add3A_39 = arith.constant 1 : i32
      %add3A_40 = arith.addi %mul3A_23, %add3A_39 : i32
      %ge3A_41 = arith.constant 8 : i32
      %ge3A_42 = arith.cmpi sge, %add3A_40, %ge3A_41 : i32
      %convert_element_type3A_43 = arith.extui %ge3A_42 : i1 to i32
      %cond3A_44 = arith.constant 0 : i32
      %cond3A_45 = arith.cmpi ne, %convert_element_type3A_43, %cond3A_44 : i32
      scf.if %cond3A_45 {
        %sub3A = arith.constant 8 : i32
        %sub3A_179 = arith.subi %add3A_40, %sub3A : i32
        %dma_wait3A = arith.constant 1 : i32
        %dma_wait3A_180 = arith.constant 125 : i32
        %dma_wait3A_181 = arith.constant 0 : i32
        %dma_wait3A_182 = tpu.memref_slice %arg7[%dma_wait3A_180, %dma_wait3A_181] : memref<1000x16xf32, #tpu.memory_space<vmem>> -> memref<125x16xf32, #tpu.memory_space<vmem>>
        %dma_wait3A_183 = arith.constant 0 : i32
        %dma_wait3A_184 = tpu.memref_slice %arg6[%sub3A_179, %dma_wait3A_183] : memref<80x125xi32, #tpu.memory_space<vmem>> -> memref<1x125xi32, #tpu.memory_space<vmem>>
        %dma_wait3A_185 = tpu.memref_squeeze %dma_wait3A_184 : memref<1x125xi32, #tpu.memory_space<vmem>> -> memref<125xi32, #tpu.memory_space<vmem>>
        %dma_wait3A_186 = arith.constant 0 : i32
        %dma_wait3A_187 = arith.constant 0 : i32
        %dma_wait3A_188 = tpu.memref_slice %arg9[%dma_wait3A_186, %dma_wait3A_187] : memref<10240x16xf32, #tpu.memory_space<vmem_shared>> -> memref<10240x16xf32, #tpu.memory_space<vmem_shared>>
        %dma_wait3A_189 = tpu.memref_slice %arg11[%dma_wait3A] : memref<8x!tpu.dma_semaphore, #tpu.memory_space<semaphore_mem>> -> memref<1x!tpu.dma_semaphore, #tpu.memory_space<semaphore_mem>>
        %dma_wait3A_190 = tpu.memref_squeeze %dma_wait3A_189 : memref<1x!tpu.dma_semaphore, #tpu.memory_space<semaphore_mem>> -> memref<!tpu.dma_semaphore, #tpu.memory_space<semaphore_mem>>
        tpu.wait_indirect_dma semaphore(%dma_wait3A_190 : memref<!tpu.dma_semaphore, #tpu.memory_space<semaphore_mem>>) src(%dma_wait3A_182 : memref<125x16xf32, #tpu.memory_space<vmem>>) dst(%dma_wait3A_188 : memref<10240x16xf32, #tpu.memory_space<vmem_shared>>)
      } else {
      }
      %lt3A_46 = arith.constant 80 : i32
      %lt3A_47 = arith.cmpi slt, %add3A_40, %lt3A_46 : i32
      %convert_element_type3A_48 = arith.extui %lt3A_47 : i1 to i32
      %cond3A_49 = arith.constant 0 : i32
      %cond3A_50 = arith.cmpi ne, %convert_element_type3A_48, %cond3A_49 : i32
      scf.if %cond3A_50 {
        %dma_start3A = arith.constant 1 : i32
        %dma_start3A_179 = arith.constant 125 : i32
        %dma_start3A_180 = arith.constant 0 : i32
        %dma_start3A_181 = tpu.memref_slice %arg7[%dma_start3A_179, %dma_start3A_180] : memref<1000x16xf32, #tpu.memory_space<vmem>> -> memref<125x16xf32, #tpu.memory_space<vmem>>
        %dma_start3A_182 = arith.constant 0 : i32
        %dma_start3A_183 = tpu.memref_slice %arg5[%add3A_40, %dma_start3A_182] : memref<80x125xi32, #tpu.memory_space<vmem>> -> memref<1x125xi32, #tpu.memory_space<vmem>>
        %dma_start3A_184 = tpu.memref_squeeze %dma_start3A_183 : memref<1x125xi32, #tpu.memory_space<vmem>> -> memref<125xi32, #tpu.memory_space<vmem>>
        %dma_start3A_185 = arith.constant 0 : i32
        %dma_start3A_186 = arith.constant 0 : i32
        %dma_start3A_187 = tpu.memref_slice %arg2[%dma_start3A_185, %dma_start3A_186] : memref<10000x16xf32, #tpu.memory_space<hbm>> -> memref<10000x16xf32, #tpu.memory_space<hbm>>
        %dma_start3A_188 = tpu.memref_slice %arg10[%dma_start3A] : memref<8x!tpu.dma_semaphore, #tpu.memory_space<semaphore_mem>> -> memref<1x!tpu.dma_semaphore, #tpu.memory_space<semaphore_mem>>
        %dma_start3A_189 = tpu.memref_squeeze %dma_start3A_188 : memref<1x!tpu.dma_semaphore, #tpu.memory_space<semaphore_mem>> -> memref<!tpu.dma_semaphore, #tpu.memory_space<semaphore_mem>>
        tpu.enqueue_indirect_dma source(%dma_start3A_187 : memref<10000x16xf32, #tpu.memory_space<hbm>>) target(%dma_start3A_181 : memref<125x16xf32, #tpu.memory_space<vmem>>) offsets(%dma_start3A_184 : memref<125xi32, #tpu.memory_space<vmem>>) semaphore(%dma_start3A_189 : memref<!tpu.dma_semaphore, #tpu.memory_space<semaphore_mem>>)
      } else {
      }
      %ge3A_51 = arith.constant 4 : i32
      %ge3A_52 = arith.cmpi sge, %add3A_40, %ge3A_51 : i32
      %lt3A_53 = arith.constant 84 : i32
      %lt3A_54 = arith.cmpi slt, %add3A_40, %lt3A_53 : i32
      %and3A_55 = arith.andi %ge3A_52, %lt3A_54 : i1
      %convert_element_type3A_56 = arith.extui %and3A_55 : i1 to i32
      %cond3A_57 = arith.constant 0 : i32
      %cond3A_58 = arith.cmpi ne, %convert_element_type3A_56, %cond3A_57 : i32
      scf.if %cond3A_58 {
        %sub3A = arith.constant 4 : i32
        %sub3A_179 = arith.subi %add3A_40, %sub3A : i32
        %dma_wait3A = arith.constant 5 : i32
        %dma_wait3A_180 = arith.constant 625 : i32
        %dma_wait3A_181 = arith.constant 0 : i32
        %dma_wait3A_182 = tpu.memref_slice %arg7[%dma_wait3A_180, %dma_wait3A_181] : memref<1000x16xf32, #tpu.memory_space<vmem>> -> memref<125x16xf32, #tpu.memory_space<vmem>>
        %dma_wait3A_183 = arith.constant 0 : i32
        %dma_wait3A_184 = tpu.memref_slice %arg5[%sub3A_179, %dma_wait3A_183] : memref<80x125xi32, #tpu.memory_space<vmem>> -> memref<1x125xi32, #tpu.memory_space<vmem>>
        %dma_wait3A_185 = tpu.memref_squeeze %dma_wait3A_184 : memref<1x125xi32, #tpu.memory_space<vmem>> -> memref<125xi32, #tpu.memory_space<vmem>>
        %dma_wait3A_186 = arith.constant 0 : i32
        %dma_wait3A_187 = arith.constant 0 : i32
        %dma_wait3A_188 = tpu.memref_slice %arg2[%dma_wait3A_186, %dma_wait3A_187] : memref<10000x16xf32, #tpu.memory_space<hbm>> -> memref<10000x16xf32, #tpu.memory_space<hbm>>
        %dma_wait3A_189 = tpu.memref_slice %arg10[%dma_wait3A] : memref<8x!tpu.dma_semaphore, #tpu.memory_space<semaphore_mem>> -> memref<1x!tpu.dma_semaphore, #tpu.memory_space<semaphore_mem>>
        %dma_wait3A_190 = tpu.memref_squeeze %dma_wait3A_189 : memref<1x!tpu.dma_semaphore, #tpu.memory_space<semaphore_mem>> -> memref<!tpu.dma_semaphore, #tpu.memory_space<semaphore_mem>>
        tpu.wait_indirect_dma semaphore(%dma_wait3A_190 : memref<!tpu.dma_semaphore, #tpu.memory_space<semaphore_mem>>) src(%dma_wait3A_188 : memref<10000x16xf32, #tpu.memory_space<hbm>>) dst(%dma_wait3A_182 : memref<125x16xf32, #tpu.memory_space<vmem>>)
        %sub3A_191 = arith.constant 4 : i32
        %sub3A_192 = arith.subi %add3A_40, %sub3A_191 : i32
        %dma_start3A = arith.constant 5 : i32
        %dma_start3A_193 = arith.constant 625 : i32
        %dma_start3A_194 = arith.constant 0 : i32
        %dma_start3A_195 = tpu.memref_slice %arg7[%dma_start3A_193, %dma_start3A_194] : memref<1000x16xf32, #tpu.memory_space<vmem>> -> memref<125x16xf32, #tpu.memory_space<vmem>>
        %dma_start3A_196 = arith.constant 0 : i32
        %dma_start3A_197 = tpu.memref_slice %arg6[%sub3A_192, %dma_start3A_196] : memref<80x125xi32, #tpu.memory_space<vmem>> -> memref<1x125xi32, #tpu.memory_space<vmem>>
        %dma_start3A_198 = tpu.memref_squeeze %dma_start3A_197 : memref<1x125xi32, #tpu.memory_space<vmem>> -> memref<125xi32, #tpu.memory_space<vmem>>
        %dma_start3A_199 = arith.constant 0 : i32
        %dma_start3A_200 = arith.constant 0 : i32
        %dma_start3A_201 = tpu.memref_slice %arg9[%dma_start3A_199, %dma_start3A_200] : memref<10240x16xf32, #tpu.memory_space<vmem_shared>> -> memref<10240x16xf32, #tpu.memory_space<vmem_shared>>
        %dma_start3A_202 = tpu.memref_slice %arg11[%dma_start3A] : memref<8x!tpu.dma_semaphore, #tpu.memory_space<semaphore_mem>> -> memref<1x!tpu.dma_semaphore, #tpu.memory_space<semaphore_mem>>
        %dma_start3A_203 = tpu.memref_squeeze %dma_start3A_202 : memref<1x!tpu.dma_semaphore, #tpu.memory_space<semaphore_mem>> -> memref<!tpu.dma_semaphore, #tpu.memory_space<semaphore_mem>>
        tpu.enqueue_indirect_dma source(%dma_start3A_195 : memref<125x16xf32, #tpu.memory_space<vmem>>) target(%dma_start3A_201 : memref<10240x16xf32, #tpu.memory_space<vmem_shared>>) offsets(%dma_start3A_198 : memref<125xi32, #tpu.memory_space<vmem>>) semaphore(%dma_start3A_203 : memref<!tpu.dma_semaphore, #tpu.memory_space<semaphore_mem>>) {add = true}
      } else {
      }
      %add3A_59 = arith.constant 2 : i32
      %add3A_60 = arith.addi %mul3A_23, %add3A_59 : i32
      %ge3A_61 = arith.constant 8 : i32
      %ge3A_62 = arith.cmpi sge, %add3A_60, %ge3A_61 : i32
      %convert_element_type3A_63 = arith.extui %ge3A_62 : i1 to i32
      %cond3A_64 = arith.constant 0 : i32
      %cond3A_65 = arith.cmpi ne, %convert_element_type3A_63, %cond3A_64 : i32
      scf.if %cond3A_65 {
        %sub3A = arith.constant 8 : i32
        %sub3A_179 = arith.subi %add3A_60, %sub3A : i32
        %dma_wait3A = arith.constant 2 : i32
        %dma_wait3A_180 = arith.constant 250 : i32
        %dma_wait3A_181 = arith.constant 0 : i32
        %dma_wait3A_182 = tpu.memref_slice %arg7[%dma_wait3A_180, %dma_wait3A_181] : memref<1000x16xf32, #tpu.memory_space<vmem>> -> memref<125x16xf32, #tpu.memory_space<vmem>>
        %dma_wait3A_183 = arith.constant 0 : i32
        %dma_wait3A_184 = tpu.memref_slice %arg6[%sub3A_179, %dma_wait3A_183] : memref<80x125xi32, #tpu.memory_space<vmem>> -> memref<1x125xi32, #tpu.memory_space<vmem>>
        %dma_wait3A_185 = tpu.memref_squeeze %dma_wait3A_184 : memref<1x125xi32, #tpu.memory_space<vmem>> -> memref<125xi32, #tpu.memory_space<vmem>>
        %dma_wait3A_186 = arith.constant 0 : i32
        %dma_wait3A_187 = arith.constant 0 : i32
        %dma_wait3A_188 = tpu.memref_slice %arg9[%dma_wait3A_186, %dma_wait3A_187] : memref<10240x16xf32, #tpu.memory_space<vmem_shared>> -> memref<10240x16xf32, #tpu.memory_space<vmem_shared>>
        %dma_wait3A_189 = tpu.memref_slice %arg11[%dma_wait3A] : memref<8x!tpu.dma_semaphore, #tpu.memory_space<semaphore_mem>> -> memref<1x!tpu.dma_semaphore, #tpu.memory_space<semaphore_mem>>
        %dma_wait3A_190 = tpu.memref_squeeze %dma_wait3A_189 : memref<1x!tpu.dma_semaphore, #tpu.memory_space<semaphore_mem>> -> memref<!tpu.dma_semaphore, #tpu.memory_space<semaphore_mem>>
        tpu.wait_indirect_dma semaphore(%dma_wait3A_190 : memref<!tpu.dma_semaphore, #tpu.memory_space<semaphore_mem>>) src(%dma_wait3A_182 : memref<125x16xf32, #tpu.memory_space<vmem>>) dst(%dma_wait3A_188 : memref<10240x16xf32, #tpu.memory_space<vmem_shared>>)
      } else {
      }
      %lt3A_66 = arith.constant 80 : i32
      %lt3A_67 = arith.cmpi slt, %add3A_60, %lt3A_66 : i32
      %convert_element_type3A_68 = arith.extui %lt3A_67 : i1 to i32
      %cond3A_69 = arith.constant 0 : i32
      %cond3A_70 = arith.cmpi ne, %convert_element_type3A_68, %cond3A_69 : i32
      scf.if %cond3A_70 {
        %dma_start3A = arith.constant 2 : i32
        %dma_start3A_179 = arith.constant 250 : i32
        %dma_start3A_180 = arith.constant 0 : i32
        %dma_start3A_181 = tpu.memref_slice %arg7[%dma_start3A_179, %dma_start3A_180] : memref<1000x16xf32, #tpu.memory_space<vmem>> -> memref<125x16xf32, #tpu.memory_space<vmem>>
        %dma_start3A_182 = arith.constant 0 : i32
        %dma_start3A_183 = tpu.memref_slice %arg5[%add3A_60, %dma_start3A_182] : memref<80x125xi32, #tpu.memory_space<vmem>> -> memref<1x125xi32, #tpu.memory_space<vmem>>
        %dma_start3A_184 = tpu.memref_squeeze %dma_start3A_183 : memref<1x125xi32, #tpu.memory_space<vmem>> -> memref<125xi32, #tpu.memory_space<vmem>>
        %dma_start3A_185 = arith.constant 0 : i32
        %dma_start3A_186 = arith.constant 0 : i32
        %dma_start3A_187 = tpu.memref_slice %arg2[%dma_start3A_185, %dma_start3A_186] : memref<10000x16xf32, #tpu.memory_space<hbm>> -> memref<10000x16xf32, #tpu.memory_space<hbm>>
        %dma_start3A_188 = tpu.memref_slice %arg10[%dma_start3A] : memref<8x!tpu.dma_semaphore, #tpu.memory_space<semaphore_mem>> -> memref<1x!tpu.dma_semaphore, #tpu.memory_space<semaphore_mem>>
        %dma_start3A_189 = tpu.memref_squeeze %dma_start3A_188 : memref<1x!tpu.dma_semaphore, #tpu.memory_space<semaphore_mem>> -> memref<!tpu.dma_semaphore, #tpu.memory_space<semaphore_mem>>
        tpu.enqueue_indirect_dma source(%dma_start3A_187 : memref<10000x16xf32, #tpu.memory_space<hbm>>) target(%dma_start3A_181 : memref<125x16xf32, #tpu.memory_space<vmem>>) offsets(%dma_start3A_184 : memref<125xi32, #tpu.memory_space<vmem>>) semaphore(%dma_start3A_189 : memref<!tpu.dma_semaphore, #tpu.memory_space<semaphore_mem>>)
      } else {
      }
      %ge3A_71 = arith.constant 4 : i32
      %ge3A_72 = arith.cmpi sge, %add3A_60, %ge3A_71 : i32
      %lt3A_73 = arith.constant 84 : i32
      %lt3A_74 = arith.cmpi slt, %add3A_60, %lt3A_73 : i32
      %and3A_75 = arith.andi %ge3A_72, %lt3A_74 : i1
      %convert_element_type3A_76 = arith.extui %and3A_75 : i1 to i32
      %cond3A_77 = arith.constant 0 : i32
      %cond3A_78 = arith.cmpi ne, %convert_element_type3A_76, %cond3A_77 : i32
      scf.if %cond3A_78 {
        %sub3A = arith.constant 4 : i32
        %sub3A_179 = arith.subi %add3A_60, %sub3A : i32
        %dma_wait3A = arith.constant 6 : i32
        %dma_wait3A_180 = arith.constant 750 : i32
        %dma_wait3A_181 = arith.constant 0 : i32
        %dma_wait3A_182 = tpu.memref_slice %arg7[%dma_wait3A_180, %dma_wait3A_181] : memref<1000x16xf32, #tpu.memory_space<vmem>> -> memref<125x16xf32, #tpu.memory_space<vmem>>
        %dma_wait3A_183 = arith.constant 0 : i32
        %dma_wait3A_184 = tpu.memref_slice %arg5[%sub3A_179, %dma_wait3A_183] : memref<80x125xi32, #tpu.memory_space<vmem>> -> memref<1x125xi32, #tpu.memory_space<vmem>>
        %dma_wait3A_185 = tpu.memref_squeeze %dma_wait3A_184 : memref<1x125xi32, #tpu.memory_space<vmem>> -> memref<125xi32, #tpu.memory_space<vmem>>
        %dma_wait3A_186 = arith.constant 0 : i32
        %dma_wait3A_187 = arith.constant 0 : i32
        %dma_wait3A_188 = tpu.memref_slice %arg2[%dma_wait3A_186, %dma_wait3A_187] : memref<10000x16xf32, #tpu.memory_space<hbm>> -> memref<10000x16xf32, #tpu.memory_space<hbm>>
        %dma_wait3A_189 = tpu.memref_slice %arg10[%dma_wait3A] : memref<8x!tpu.dma_semaphore, #tpu.memory_space<semaphore_mem>> -> memref<1x!tpu.dma_semaphore, #tpu.memory_space<semaphore_mem>>
        %dma_wait3A_190 = tpu.memref_squeeze %dma_wait3A_189 : memref<1x!tpu.dma_semaphore, #tpu.memory_space<semaphore_mem>> -> memref<!tpu.dma_semaphore, #tpu.memory_space<semaphore_mem>>
        tpu.wait_indirect_dma semaphore(%dma_wait3A_190 : memref<!tpu.dma_semaphore, #tpu.memory_space<semaphore_mem>>) src(%dma_wait3A_188 : memref<10000x16xf32, #tpu.memory_space<hbm>>) dst(%dma_wait3A_182 : memref<125x16xf32, #tpu.memory_space<vmem>>)
        %sub3A_191 = arith.constant 4 : i32
        %sub3A_192 = arith.subi %add3A_60, %sub3A_191 : i32
        %dma_start3A = arith.constant 6 : i32
        %dma_start3A_193 = arith.constant 750 : i32
        %dma_start3A_194 = arith.constant 0 : i32
        %dma_start3A_195 = tpu.memref_slice %arg7[%dma_start3A_193, %dma_start3A_194] : memref<1000x16xf32, #tpu.memory_space<vmem>> -> memref<125x16xf32, #tpu.memory_space<vmem>>
        %dma_start3A_196 = arith.constant 0 : i32
        %dma_start3A_197 = tpu.memref_slice %arg6[%sub3A_192, %dma_start3A_196] : memref<80x125xi32, #tpu.memory_space<vmem>> -> memref<1x125xi32, #tpu.memory_space<vmem>>
        %dma_start3A_198 = tpu.memref_squeeze %dma_start3A_197 : memref<1x125xi32, #tpu.memory_space<vmem>> -> memref<125xi32, #tpu.memory_space<vmem>>
        %dma_start3A_199 = arith.constant 0 : i32
        %dma_start3A_200 = arith.constant 0 : i32
        %dma_start3A_201 = tpu.memref_slice %arg9[%dma_start3A_199, %dma_start3A_200] : memref<10240x16xf32, #tpu.memory_space<vmem_shared>> -> memref<10240x16xf32, #tpu.memory_space<vmem_shared>>
        %dma_start3A_202 = tpu.memref_slice %arg11[%dma_start3A] : memref<8x!tpu.dma_semaphore, #tpu.memory_space<semaphore_mem>> -> memref<1x!tpu.dma_semaphore, #tpu.memory_space<semaphore_mem>>
        %dma_start3A_203 = tpu.memref_squeeze %dma_start3A_202 : memref<1x!tpu.dma_semaphore, #tpu.memory_space<semaphore_mem>> -> memref<!tpu.dma_semaphore, #tpu.memory_space<semaphore_mem>>
        tpu.enqueue_indirect_dma source(%dma_start3A_195 : memref<125x16xf32, #tpu.memory_space<vmem>>) target(%dma_start3A_201 : memref<10240x16xf32, #tpu.memory_space<vmem_shared>>) offsets(%dma_start3A_198 : memref<125xi32, #tpu.memory_space<vmem>>) semaphore(%dma_start3A_203 : memref<!tpu.dma_semaphore, #tpu.memory_space<semaphore_mem>>) {add = true}
      } else {
      }
      %add3A_79 = arith.constant 3 : i32
      %add3A_80 = arith.addi %mul3A_23, %add3A_79 : i32
      %ge3A_81 = arith.constant 8 : i32
      %ge3A_82 = arith.cmpi sge, %add3A_80, %ge3A_81 : i32
      %convert_element_type3A_83 = arith.extui %ge3A_82 : i1 to i32
      %cond3A_84 = arith.constant 0 : i32
      %cond3A_85 = arith.cmpi ne, %convert_element_type3A_83, %cond3A_84 : i32
      scf.if %cond3A_85 {
        %sub3A = arith.constant 8 : i32
        %sub3A_179 = arith.subi %add3A_80, %sub3A : i32
        %dma_wait3A = arith.constant 3 : i32
        %dma_wait3A_180 = arith.constant 375 : i32
        %dma_wait3A_181 = arith.constant 0 : i32
        %dma_wait3A_182 = tpu.memref_slice %arg7[%dma_wait3A_180, %dma_wait3A_181] : memref<1000x16xf32, #tpu.memory_space<vmem>> -> memref<125x16xf32, #tpu.memory_space<vmem>>
        %dma_wait3A_183 = arith.constant 0 : i32
        %dma_wait3A_184 = tpu.memref_slice %arg6[%sub3A_179, %dma_wait3A_183] : memref<80x125xi32, #tpu.memory_space<vmem>> -> memref<1x125xi32, #tpu.memory_space<vmem>>
        %dma_wait3A_185 = tpu.memref_squeeze %dma_wait3A_184 : memref<1x125xi32, #tpu.memory_space<vmem>> -> memref<125xi32, #tpu.memory_space<vmem>>
        %dma_wait3A_186 = arith.constant 0 : i32
        %dma_wait3A_187 = arith.constant 0 : i32
        %dma_wait3A_188 = tpu.memref_slice %arg9[%dma_wait3A_186, %dma_wait3A_187] : memref<10240x16xf32, #tpu.memory_space<vmem_shared>> -> memref<10240x16xf32, #tpu.memory_space<vmem_shared>>
        %dma_wait3A_189 = tpu.memref_slice %arg11[%dma_wait3A] : memref<8x!tpu.dma_semaphore, #tpu.memory_space<semaphore_mem>> -> memref<1x!tpu.dma_semaphore, #tpu.memory_space<semaphore_mem>>
        %dma_wait3A_190 = tpu.memref_squeeze %dma_wait3A_189 : memref<1x!tpu.dma_semaphore, #tpu.memory_space<semaphore_mem>> -> memref<!tpu.dma_semaphore, #tpu.memory_space<semaphore_mem>>
        tpu.wait_indirect_dma semaphore(%dma_wait3A_190 : memref<!tpu.dma_semaphore, #tpu.memory_space<semaphore_mem>>) src(%dma_wait3A_182 : memref<125x16xf32, #tpu.memory_space<vmem>>) dst(%dma_wait3A_188 : memref<10240x16xf32, #tpu.memory_space<vmem_shared>>)
      } else {
      }
      %lt3A_86 = arith.constant 80 : i32
      %lt3A_87 = arith.cmpi slt, %add3A_80, %lt3A_86 : i32
      %convert_element_type3A_88 = arith.extui %lt3A_87 : i1 to i32
      %cond3A_89 = arith.constant 0 : i32
      %cond3A_90 = arith.cmpi ne, %convert_element_type3A_88, %cond3A_89 : i32
      scf.if %cond3A_90 {
        %dma_start3A = arith.constant 3 : i32
        %dma_start3A_179 = arith.constant 375 : i32
        %dma_start3A_180 = arith.constant 0 : i32
        %dma_start3A_181 = tpu.memref_slice %arg7[%dma_start3A_179, %dma_start3A_180] : memref<1000x16xf32, #tpu.memory_space<vmem>> -> memref<125x16xf32, #tpu.memory_space<vmem>>
        %dma_start3A_182 = arith.constant 0 : i32
        %dma_start3A_183 = tpu.memref_slice %arg5[%add3A_80, %dma_start3A_182] : memref<80x125xi32, #tpu.memory_space<vmem>> -> memref<1x125xi32, #tpu.memory_space<vmem>>
        %dma_start3A_184 = tpu.memref_squeeze %dma_start3A_183 : memref<1x125xi32, #tpu.memory_space<vmem>> -> memref<125xi32, #tpu.memory_space<vmem>>
        %dma_start3A_185 = arith.constant 0 : i32
        %dma_start3A_186 = arith.constant 0 : i32
        %dma_start3A_187 = tpu.memref_slice %arg2[%dma_start3A_185, %dma_start3A_186] : memref<10000x16xf32, #tpu.memory_space<hbm>> -> memref<10000x16xf32, #tpu.memory_space<hbm>>
        %dma_start3A_188 = tpu.memref_slice %arg10[%dma_start3A] : memref<8x!tpu.dma_semaphore, #tpu.memory_space<semaphore_mem>> -> memref<1x!tpu.dma_semaphore, #tpu.memory_space<semaphore_mem>>
        %dma_start3A_189 = tpu.memref_squeeze %dma_start3A_188 : memref<1x!tpu.dma_semaphore, #tpu.memory_space<semaphore_mem>> -> memref<!tpu.dma_semaphore, #tpu.memory_space<semaphore_mem>>
        tpu.enqueue_indirect_dma source(%dma_start3A_187 : memref<10000x16xf32, #tpu.memory_space<hbm>>) target(%dma_start3A_181 : memref<125x16xf32, #tpu.memory_space<vmem>>) offsets(%dma_start3A_184 : memref<125xi32, #tpu.memory_space<vmem>>) semaphore(%dma_start3A_189 : memref<!tpu.dma_semaphore, #tpu.memory_space<semaphore_mem>>)
      } else {
      }
      %ge3A_91 = arith.constant 4 : i32
      %ge3A_92 = arith.cmpi sge, %add3A_80, %ge3A_91 : i32
      %lt3A_93 = arith.constant 84 : i32
      %lt3A_94 = arith.cmpi slt, %add3A_80, %lt3A_93 : i32
      %and3A_95 = arith.andi %ge3A_92, %lt3A_94 : i1
      %convert_element_type3A_96 = arith.extui %and3A_95 : i1 to i32
      %cond3A_97 = arith.constant 0 : i32
      %cond3A_98 = arith.cmpi ne, %convert_element_type3A_96, %cond3A_97 : i32
      scf.if %cond3A_98 {
        %sub3A = arith.constant 4 : i32
        %sub3A_179 = arith.subi %add3A_80, %sub3A : i32
        %dma_wait3A = arith.constant 7 : i32
        %dma_wait3A_180 = arith.constant 875 : i32
        %dma_wait3A_181 = arith.constant 0 : i32
        %dma_wait3A_182 = tpu.memref_slice %arg7[%dma_wait3A_180, %dma_wait3A_181] : memref<1000x16xf32, #tpu.memory_space<vmem>> -> memref<125x16xf32, #tpu.memory_space<vmem>>
        %dma_wait3A_183 = arith.constant 0 : i32
        %dma_wait3A_184 = tpu.memref_slice %arg5[%sub3A_179, %dma_wait3A_183] : memref<80x125xi32, #tpu.memory_space<vmem>> -> memref<1x125xi32, #tpu.memory_space<vmem>>
        %dma_wait3A_185 = tpu.memref_squeeze %dma_wait3A_184 : memref<1x125xi32, #tpu.memory_space<vmem>> -> memref<125xi32, #tpu.memory_space<vmem>>
        %dma_wait3A_186 = arith.constant 0 : i32
        %dma_wait3A_187 = arith.constant 0 : i32
        %dma_wait3A_188 = tpu.memref_slice %arg2[%dma_wait3A_186, %dma_wait3A_187] : memref<10000x16xf32, #tpu.memory_space<hbm>> -> memref<10000x16xf32, #tpu.memory_space<hbm>>
        %dma_wait3A_189 = tpu.memref_slice %arg10[%dma_wait3A] : memref<8x!tpu.dma_semaphore, #tpu.memory_space<semaphore_mem>> -> memref<1x!tpu.dma_semaphore, #tpu.memory_space<semaphore_mem>>
        %dma_wait3A_190 = tpu.memref_squeeze %dma_wait3A_189 : memref<1x!tpu.dma_semaphore, #tpu.memory_space<semaphore_mem>> -> memref<!tpu.dma_semaphore, #tpu.memory_space<semaphore_mem>>
        tpu.wait_indirect_dma semaphore(%dma_wait3A_190 : memref<!tpu.dma_semaphore, #tpu.memory_space<semaphore_mem>>) src(%dma_wait3A_188 : memref<10000x16xf32, #tpu.memory_space<hbm>>) dst(%dma_wait3A_182 : memref<125x16xf32, #tpu.memory_space<vmem>>)
        %sub3A_191 = arith.constant 4 : i32
        %sub3A_192 = arith.subi %add3A_80, %sub3A_191 : i32
        %dma_start3A = arith.constant 7 : i32
        %dma_start3A_193 = arith.constant 875 : i32
        %dma_start3A_194 = arith.constant 0 : i32
        %dma_start3A_195 = tpu.memref_slice %arg7[%dma_start3A_193, %dma_start3A_194] : memref<1000x16xf32, #tpu.memory_space<vmem>> -> memref<125x16xf32, #tpu.memory_space<vmem>>
        %dma_start3A_196 = arith.constant 0 : i32
        %dma_start3A_197 = tpu.memref_slice %arg6[%sub3A_192, %dma_start3A_196] : memref<80x125xi32, #tpu.memory_space<vmem>> -> memref<1x125xi32, #tpu.memory_space<vmem>>
        %dma_start3A_198 = tpu.memref_squeeze %dma_start3A_197 : memref<1x125xi32, #tpu.memory_space<vmem>> -> memref<125xi32, #tpu.memory_space<vmem>>
        %dma_start3A_199 = arith.constant 0 : i32
        %dma_start3A_200 = arith.constant 0 : i32
        %dma_start3A_201 = tpu.memref_slice %arg9[%dma_start3A_199, %dma_start3A_200] : memref<10240x16xf32, #tpu.memory_space<vmem_shared>> -> memref<10240x16xf32, #tpu.memory_space<vmem_shared>>
        %dma_start3A_202 = tpu.memref_slice %arg11[%dma_start3A] : memref<8x!tpu.dma_semaphore, #tpu.memory_space<semaphore_mem>> -> memref<1x!tpu.dma_semaphore, #tpu.memory_space<semaphore_mem>>
        %dma_start3A_203 = tpu.memref_squeeze %dma_start3A_202 : memref<1x!tpu.dma_semaphore, #tpu.memory_space<semaphore_mem>> -> memref<!tpu.dma_semaphore, #tpu.memory_space<semaphore_mem>>
        tpu.enqueue_indirect_dma source(%dma_start3A_195 : memref<125x16xf32, #tpu.memory_space<vmem>>) target(%dma_start3A_201 : memref<10240x16xf32, #tpu.memory_space<vmem_shared>>) offsets(%dma_start3A_198 : memref<125xi32, #tpu.memory_space<vmem>>) semaphore(%dma_start3A_203 : memref<!tpu.dma_semaphore, #tpu.memory_space<semaphore_mem>>) {add = true}
      } else {
      }
      %add3A_99 = arith.constant 4 : i32
      %add3A_100 = arith.addi %mul3A_23, %add3A_99 : i32
      %ge3A_101 = arith.constant 8 : i32
      %ge3A_102 = arith.cmpi sge, %add3A_100, %ge3A_101 : i32
      %convert_element_type3A_103 = arith.extui %ge3A_102 : i1 to i32
      %cond3A_104 = arith.constant 0 : i32
      %cond3A_105 = arith.cmpi ne, %convert_element_type3A_103, %cond3A_104 : i32
      scf.if %cond3A_105 {
        %sub3A = arith.constant 8 : i32
        %sub3A_179 = arith.subi %add3A_100, %sub3A : i32
        %dma_wait3A = arith.constant 4 : i32
        %dma_wait3A_180 = arith.constant 500 : i32
        %dma_wait3A_181 = arith.constant 0 : i32
        %dma_wait3A_182 = tpu.memref_slice %arg7[%dma_wait3A_180, %dma_wait3A_181] : memref<1000x16xf32, #tpu.memory_space<vmem>> -> memref<125x16xf32, #tpu.memory_space<vmem>>
        %dma_wait3A_183 = arith.constant 0 : i32
        %dma_wait3A_184 = tpu.memref_slice %arg6[%sub3A_179, %dma_wait3A_183] : memref<80x125xi32, #tpu.memory_space<vmem>> -> memref<1x125xi32, #tpu.memory_space<vmem>>
        %dma_wait3A_185 = tpu.memref_squeeze %dma_wait3A_184 : memref<1x125xi32, #tpu.memory_space<vmem>> -> memref<125xi32, #tpu.memory_space<vmem>>
        %dma_wait3A_186 = arith.constant 0 : i32
        %dma_wait3A_187 = arith.constant 0 : i32
        %dma_wait3A_188 = tpu.memref_slice %arg9[%dma_wait3A_186, %dma_wait3A_187] : memref<10240x16xf32, #tpu.memory_space<vmem_shared>> -> memref<10240x16xf32, #tpu.memory_space<vmem_shared>>
        %dma_wait3A_189 = tpu.memref_slice %arg11[%dma_wait3A] : memref<8x!tpu.dma_semaphore, #tpu.memory_space<semaphore_mem>> -> memref<1x!tpu.dma_semaphore, #tpu.memory_space<semaphore_mem>>
        %dma_wait3A_190 = tpu.memref_squeeze %dma_wait3A_189 : memref<1x!tpu.dma_semaphore, #tpu.memory_space<semaphore_mem>> -> memref<!tpu.dma_semaphore, #tpu.memory_space<semaphore_mem>>
        tpu.wait_indirect_dma semaphore(%dma_wait3A_190 : memref<!tpu.dma_semaphore, #tpu.memory_space<semaphore_mem>>) src(%dma_wait3A_182 : memref<125x16xf32, #tpu.memory_space<vmem>>) dst(%dma_wait3A_188 : memref<10240x16xf32, #tpu.memory_space<vmem_shared>>)
      } else {
      }
      %lt3A_106 = arith.constant 80 : i32
      %lt3A_107 = arith.cmpi slt, %add3A_100, %lt3A_106 : i32
      %convert_element_type3A_108 = arith.extui %lt3A_107 : i1 to i32
      %cond3A_109 = arith.constant 0 : i32
      %cond3A_110 = arith.cmpi ne, %convert_element_type3A_108, %cond3A_109 : i32
      scf.if %cond3A_110 {
        %dma_start3A = arith.constant 4 : i32
        %dma_start3A_179 = arith.constant 500 : i32
        %dma_start3A_180 = arith.constant 0 : i32
        %dma_start3A_181 = tpu.memref_slice %arg7[%dma_start3A_179, %dma_start3A_180] : memref<1000x16xf32, #tpu.memory_space<vmem>> -> memref<125x16xf32, #tpu.memory_space<vmem>>
        %dma_start3A_182 = arith.constant 0 : i32
        %dma_start3A_183 = tpu.memref_slice %arg5[%add3A_100, %dma_start3A_182] : memref<80x125xi32, #tpu.memory_space<vmem>> -> memref<1x125xi32, #tpu.memory_space<vmem>>
        %dma_start3A_184 = tpu.memref_squeeze %dma_start3A_183 : memref<1x125xi32, #tpu.memory_space<vmem>> -> memref<125xi32, #tpu.memory_space<vmem>>
        %dma_start3A_185 = arith.constant 0 : i32
        %dma_start3A_186 = arith.constant 0 : i32
        %dma_start3A_187 = tpu.memref_slice %arg2[%dma_start3A_185, %dma_start3A_186] : memref<10000x16xf32, #tpu.memory_space<hbm>> -> memref<10000x16xf32, #tpu.memory_space<hbm>>
        %dma_start3A_188 = tpu.memref_slice %arg10[%dma_start3A] : memref<8x!tpu.dma_semaphore, #tpu.memory_space<semaphore_mem>> -> memref<1x!tpu.dma_semaphore, #tpu.memory_space<semaphore_mem>>
        %dma_start3A_189 = tpu.memref_squeeze %dma_start3A_188 : memref<1x!tpu.dma_semaphore, #tpu.memory_space<semaphore_mem>> -> memref<!tpu.dma_semaphore, #tpu.memory_space<semaphore_mem>>
        tpu.enqueue_indirect_dma source(%dma_start3A_187 : memref<10000x16xf32, #tpu.memory_space<hbm>>) target(%dma_start3A_181 : memref<125x16xf32, #tpu.memory_space<vmem>>) offsets(%dma_start3A_184 : memref<125xi32, #tpu.memory_space<vmem>>) semaphore(%dma_start3A_189 : memref<!tpu.dma_semaphore, #tpu.memory_space<semaphore_mem>>)
      } else {
      }
      %ge3A_111 = arith.constant 4 : i32
      %ge3A_112 = arith.cmpi sge, %add3A_100, %ge3A_111 : i32
      %lt3A_113 = arith.constant 84 : i32
      %lt3A_114 = arith.cmpi slt, %add3A_100, %lt3A_113 : i32
      %and3A_115 = arith.andi %ge3A_112, %lt3A_114 : i1
      %convert_element_type3A_116 = arith.extui %and3A_115 : i1 to i32
      %cond3A_117 = arith.constant 0 : i32
      %cond3A_118 = arith.cmpi ne, %convert_element_type3A_116, %cond3A_117 : i32
      scf.if %cond3A_118 {
        %sub3A = arith.constant 4 : i32
        %sub3A_179 = arith.subi %add3A_100, %sub3A : i32
        %dma_wait3A = arith.constant 0 : i32
        %dma_wait3A_180 = arith.constant 0 : i32
        %dma_wait3A_181 = arith.constant 0 : i32
        %dma_wait3A_182 = tpu.memref_slice %arg7[%dma_wait3A_180, %dma_wait3A_181] : memref<1000x16xf32, #tpu.memory_space<vmem>> -> memref<125x16xf32, #tpu.memory_space<vmem>>
        %dma_wait3A_183 = arith.constant 0 : i32
        %dma_wait3A_184 = tpu.memref_slice %arg5[%sub3A_179, %dma_wait3A_183] : memref<80x125xi32, #tpu.memory_space<vmem>> -> memref<1x125xi32, #tpu.memory_space<vmem>>
        %dma_wait3A_185 = tpu.memref_squeeze %dma_wait3A_184 : memref<1x125xi32, #tpu.memory_space<vmem>> -> memref<125xi32, #tpu.memory_space<vmem>>
        %dma_wait3A_186 = arith.constant 0 : i32
        %dma_wait3A_187 = arith.constant 0 : i32
        %dma_wait3A_188 = tpu.memref_slice %arg2[%dma_wait3A_186, %dma_wait3A_187] : memref<10000x16xf32, #tpu.memory_space<hbm>> -> memref<10000x16xf32, #tpu.memory_space<hbm>>
        %dma_wait3A_189 = tpu.memref_slice %arg10[%dma_wait3A] : memref<8x!tpu.dma_semaphore, #tpu.memory_space<semaphore_mem>> -> memref<1x!tpu.dma_semaphore, #tpu.memory_space<semaphore_mem>>
        %dma_wait3A_190 = tpu.memref_squeeze %dma_wait3A_189 : memref<1x!tpu.dma_semaphore, #tpu.memory_space<semaphore_mem>> -> memref<!tpu.dma_semaphore, #tpu.memory_space<semaphore_mem>>
        tpu.wait_indirect_dma semaphore(%dma_wait3A_190 : memref<!tpu.dma_semaphore, #tpu.memory_space<semaphore_mem>>) src(%dma_wait3A_188 : memref<10000x16xf32, #tpu.memory_space<hbm>>) dst(%dma_wait3A_182 : memref<125x16xf32, #tpu.memory_space<vmem>>)
        %sub3A_191 = arith.constant 4 : i32
        %sub3A_192 = arith.subi %add3A_100, %sub3A_191 : i32
        %dma_start3A = arith.constant 0 : i32
        %dma_start3A_193 = arith.constant 0 : i32
        %dma_start3A_194 = arith.constant 0 : i32
        %dma_start3A_195 = tpu.memref_slice %arg7[%dma_start3A_193, %dma_start3A_194] : memref<1000x16xf32, #tpu.memory_space<vmem>> -> memref<125x16xf32, #tpu.memory_space<vmem>>
        %dma_start3A_196 = arith.constant 0 : i32
        %dma_start3A_197 = tpu.memref_slice %arg6[%sub3A_192, %dma_start3A_196] : memref<80x125xi32, #tpu.memory_space<vmem>> -> memref<1x125xi32, #tpu.memory_space<vmem>>
        %dma_start3A_198 = tpu.memref_squeeze %dma_start3A_197 : memref<1x125xi32, #tpu.memory_space<vmem>> -> memref<125xi32, #tpu.memory_space<vmem>>
        %dma_start3A_199 = arith.constant 0 : i32
        %dma_start3A_200 = arith.constant 0 : i32
        %dma_start3A_201 = tpu.memref_slice %arg9[%dma_start3A_199, %dma_start3A_200] : memref<10240x16xf32, #tpu.memory_space<vmem_shared>> -> memref<10240x16xf32, #tpu.memory_space<vmem_shared>>
        %dma_start3A_202 = tpu.memref_slice %arg11[%dma_start3A] : memref<8x!tpu.dma_semaphore, #tpu.memory_space<semaphore_mem>> -> memref<1x!tpu.dma_semaphore, #tpu.memory_space<semaphore_mem>>
        %dma_start3A_203 = tpu.memref_squeeze %dma_start3A_202 : memref<1x!tpu.dma_semaphore, #tpu.memory_space<semaphore_mem>> -> memref<!tpu.dma_semaphore, #tpu.memory_space<semaphore_mem>>
        tpu.enqueue_indirect_dma source(%dma_start3A_195 : memref<125x16xf32, #tpu.memory_space<vmem>>) target(%dma_start3A_201 : memref<10240x16xf32, #tpu.memory_space<vmem_shared>>) offsets(%dma_start3A_198 : memref<125xi32, #tpu.memory_space<vmem>>) semaphore(%dma_start3A_203 : memref<!tpu.dma_semaphore, #tpu.memory_space<semaphore_mem>>) {add = true}
      } else {
      }
      %add3A_119 = arith.constant 5 : i32
      %add3A_120 = arith.addi %mul3A_23, %add3A_119 : i32
      %ge3A_121 = arith.constant 8 : i32
      %ge3A_122 = arith.cmpi sge, %add3A_120, %ge3A_121 : i32
      %convert_element_type3A_123 = arith.extui %ge3A_122 : i1 to i32
      %cond3A_124 = arith.constant 0 : i32
      %cond3A_125 = arith.cmpi ne, %convert_element_type3A_123, %cond3A_124 : i32
      scf.if %cond3A_125 {
        %sub3A = arith.constant 8 : i32
        %sub3A_179 = arith.subi %add3A_120, %sub3A : i32
        %dma_wait3A = arith.constant 5 : i32
        %dma_wait3A_180 = arith.constant 625 : i32
        %dma_wait3A_181 = arith.constant 0 : i32
        %dma_wait3A_182 = tpu.memref_slice %arg7[%dma_wait3A_180, %dma_wait3A_181] : memref<1000x16xf32, #tpu.memory_space<vmem>> -> memref<125x16xf32, #tpu.memory_space<vmem>>
        %dma_wait3A_183 = arith.constant 0 : i32
        %dma_wait3A_184 = tpu.memref_slice %arg6[%sub3A_179, %dma_wait3A_183] : memref<80x125xi32, #tpu.memory_space<vmem>> -> memref<1x125xi32, #tpu.memory_space<vmem>>
        %dma_wait3A_185 = tpu.memref_squeeze %dma_wait3A_184 : memref<1x125xi32, #tpu.memory_space<vmem>> -> memref<125xi32, #tpu.memory_space<vmem>>
        %dma_wait3A_186 = arith.constant 0 : i32
        %dma_wait3A_187 = arith.constant 0 : i32
        %dma_wait3A_188 = tpu.memref_slice %arg9[%dma_wait3A_186, %dma_wait3A_187] : memref<10240x16xf32, #tpu.memory_space<vmem_shared>> -> memref<10240x16xf32, #tpu.memory_space<vmem_shared>>
        %dma_wait3A_189 = tpu.memref_slice %arg11[%dma_wait3A] : memref<8x!tpu.dma_semaphore, #tpu.memory_space<semaphore_mem>> -> memref<1x!tpu.dma_semaphore, #tpu.memory_space<semaphore_mem>>
        %dma_wait3A_190 = tpu.memref_squeeze %dma_wait3A_189 : memref<1x!tpu.dma_semaphore, #tpu.memory_space<semaphore_mem>> -> memref<!tpu.dma_semaphore, #tpu.memory_space<semaphore_mem>>
        tpu.wait_indirect_dma semaphore(%dma_wait3A_190 : memref<!tpu.dma_semaphore, #tpu.memory_space<semaphore_mem>>) src(%dma_wait3A_182 : memref<125x16xf32, #tpu.memory_space<vmem>>) dst(%dma_wait3A_188 : memref<10240x16xf32, #tpu.memory_space<vmem_shared>>)
      } else {
      }
      %lt3A_126 = arith.constant 80 : i32
      %lt3A_127 = arith.cmpi slt, %add3A_120, %lt3A_126 : i32
      %convert_element_type3A_128 = arith.extui %lt3A_127 : i1 to i32
      %cond3A_129 = arith.constant 0 : i32
      %cond3A_130 = arith.cmpi ne, %convert_element_type3A_128, %cond3A_129 : i32
      scf.if %cond3A_130 {
        %dma_start3A = arith.constant 5 : i32
        %dma_start3A_179 = arith.constant 625 : i32
        %dma_start3A_180 = arith.constant 0 : i32
        %dma_start3A_181 = tpu.memref_slice %arg7[%dma_start3A_179, %dma_start3A_180] : memref<1000x16xf32, #tpu.memory_space<vmem>> -> memref<125x16xf32, #tpu.memory_space<vmem>>
        %dma_start3A_182 = arith.constant 0 : i32
        %dma_start3A_183 = tpu.memref_slice %arg5[%add3A_120, %dma_start3A_182] : memref<80x125xi32, #tpu.memory_space<vmem>> -> memref<1x125xi32, #tpu.memory_space<vmem>>
        %dma_start3A_184 = tpu.memref_squeeze %dma_start3A_183 : memref<1x125xi32, #tpu.memory_space<vmem>> -> memref<125xi32, #tpu.memory_space<vmem>>
        %dma_start3A_185 = arith.constant 0 : i32
        %dma_start3A_186 = arith.constant 0 : i32
        %dma_start3A_187 = tpu.memref_slice %arg2[%dma_start3A_185, %dma_start3A_186] : memref<10000x16xf32, #tpu.memory_space<hbm>> -> memref<10000x16xf32, #tpu.memory_space<hbm>>
        %dma_start3A_188 = tpu.memref_slice %arg10[%dma_start3A] : memref<8x!tpu.dma_semaphore, #tpu.memory_space<semaphore_mem>> -> memref<1x!tpu.dma_semaphore, #tpu.memory_space<semaphore_mem>>
        %dma_start3A_189 = tpu.memref_squeeze %dma_start3A_188 : memref<1x!tpu.dma_semaphore, #tpu.memory_space<semaphore_mem>> -> memref<!tpu.dma_semaphore, #tpu.memory_space<semaphore_mem>>
        tpu.enqueue_indirect_dma source(%dma_start3A_187 : memref<10000x16xf32, #tpu.memory_space<hbm>>) target(%dma_start3A_181 : memref<125x16xf32, #tpu.memory_space<vmem>>) offsets(%dma_start3A_184 : memref<125xi32, #tpu.memory_space<vmem>>) semaphore(%dma_start3A_189 : memref<!tpu.dma_semaphore, #tpu.memory_space<semaphore_mem>>)
      } else {
      }
      %ge3A_131 = arith.constant 4 : i32
      %ge3A_132 = arith.cmpi sge, %add3A_120, %ge3A_131 : i32
      %lt3A_133 = arith.constant 84 : i32
      %lt3A_134 = arith.cmpi slt, %add3A_120, %lt3A_133 : i32
      %and3A_135 = arith.andi %ge3A_132, %lt3A_134 : i1
      %convert_element_type3A_136 = arith.extui %and3A_135 : i1 to i32
      %cond3A_137 = arith.constant 0 : i32
      %cond3A_138 = arith.cmpi ne, %convert_element_type3A_136, %cond3A_137 : i32
      scf.if %cond3A_138 {
        %sub3A = arith.constant 4 : i32
        %sub3A_179 = arith.subi %add3A_120, %sub3A : i32
        %dma_wait3A = arith.constant 1 : i32
        %dma_wait3A_180 = arith.constant 125 : i32
        %dma_wait3A_181 = arith.constant 0 : i32
        %dma_wait3A_182 = tpu.memref_slice %arg7[%dma_wait3A_180, %dma_wait3A_181] : memref<1000x16xf32, #tpu.memory_space<vmem>> -> memref<125x16xf32, #tpu.memory_space<vmem>>
        %dma_wait3A_183 = arith.constant 0 : i32
        %dma_wait3A_184 = tpu.memref_slice %arg5[%sub3A_179, %dma_wait3A_183] : memref<80x125xi32, #tpu.memory_space<vmem>> -> memref<1x125xi32, #tpu.memory_space<vmem>>
        %dma_wait3A_185 = tpu.memref_squeeze %dma_wait3A_184 : memref<1x125xi32, #tpu.memory_space<vmem>> -> memref<125xi32, #tpu.memory_space<vmem>>
        %dma_wait3A_186 = arith.constant 0 : i32
        %dma_wait3A_187 = arith.constant 0 : i32
        %dma_wait3A_188 = tpu.memref_slice %arg2[%dma_wait3A_186, %dma_wait3A_187] : memref<10000x16xf32, #tpu.memory_space<hbm>> -> memref<10000x16xf32, #tpu.memory_space<hbm>>
        %dma_wait3A_189 = tpu.memref_slice %arg10[%dma_wait3A] : memref<8x!tpu.dma_semaphore, #tpu.memory_space<semaphore_mem>> -> memref<1x!tpu.dma_semaphore, #tpu.memory_space<semaphore_mem>>
        %dma_wait3A_190 = tpu.memref_squeeze %dma_wait3A_189 : memref<1x!tpu.dma_semaphore, #tpu.memory_space<semaphore_mem>> -> memref<!tpu.dma_semaphore, #tpu.memory_space<semaphore_mem>>
        tpu.wait_indirect_dma semaphore(%dma_wait3A_190 : memref<!tpu.dma_semaphore, #tpu.memory_space<semaphore_mem>>) src(%dma_wait3A_188 : memref<10000x16xf32, #tpu.memory_space<hbm>>) dst(%dma_wait3A_182 : memref<125x16xf32, #tpu.memory_space<vmem>>)
        %sub3A_191 = arith.constant 4 : i32
        %sub3A_192 = arith.subi %add3A_120, %sub3A_191 : i32
        %dma_start3A = arith.constant 1 : i32
        %dma_start3A_193 = arith.constant 125 : i32
        %dma_start3A_194 = arith.constant 0 : i32
        %dma_start3A_195 = tpu.memref_slice %arg7[%dma_start3A_193, %dma_start3A_194] : memref<1000x16xf32, #tpu.memory_space<vmem>> -> memref<125x16xf32, #tpu.memory_space<vmem>>
        %dma_start3A_196 = arith.constant 0 : i32
        %dma_start3A_197 = tpu.memref_slice %arg6[%sub3A_192, %dma_start3A_196] : memref<80x125xi32, #tpu.memory_space<vmem>> -> memref<1x125xi32, #tpu.memory_space<vmem>>
        %dma_start3A_198 = tpu.memref_squeeze %dma_start3A_197 : memref<1x125xi32, #tpu.memory_space<vmem>> -> memref<125xi32, #tpu.memory_space<vmem>>
        %dma_start3A_199 = arith.constant 0 : i32
        %dma_start3A_200 = arith.constant 0 : i32
        %dma_start3A_201 = tpu.memref_slice %arg9[%dma_start3A_199, %dma_start3A_200] : memref<10240x16xf32, #tpu.memory_space<vmem_shared>> -> memref<10240x16xf32, #tpu.memory_space<vmem_shared>>
        %dma_start3A_202 = tpu.memref_slice %arg11[%dma_start3A] : memref<8x!tpu.dma_semaphore, #tpu.memory_space<semaphore_mem>> -> memref<1x!tpu.dma_semaphore, #tpu.memory_space<semaphore_mem>>
        %dma_start3A_203 = tpu.memref_squeeze %dma_start3A_202 : memref<1x!tpu.dma_semaphore, #tpu.memory_space<semaphore_mem>> -> memref<!tpu.dma_semaphore, #tpu.memory_space<semaphore_mem>>
        tpu.enqueue_indirect_dma source(%dma_start3A_195 : memref<125x16xf32, #tpu.memory_space<vmem>>) target(%dma_start3A_201 : memref<10240x16xf32, #tpu.memory_space<vmem_shared>>) offsets(%dma_start3A_198 : memref<125xi32, #tpu.memory_space<vmem>>) semaphore(%dma_start3A_203 : memref<!tpu.dma_semaphore, #tpu.memory_space<semaphore_mem>>) {add = true}
      } else {
      }
      %add3A_139 = arith.constant 6 : i32
      %add3A_140 = arith.addi %mul3A_23, %add3A_139 : i32
      %ge3A_141 = arith.constant 8 : i32
      %ge3A_142 = arith.cmpi sge, %add3A_140, %ge3A_141 : i32
      %convert_element_type3A_143 = arith.extui %ge3A_142 : i1 to i32
      %cond3A_144 = arith.constant 0 : i32
      %cond3A_145 = arith.cmpi ne, %convert_element_type3A_143, %cond3A_144 : i32
      scf.if %cond3A_145 {
        %sub3A = arith.constant 8 : i32
        %sub3A_179 = arith.subi %add3A_140, %sub3A : i32
        %dma_wait3A = arith.constant 6 : i32
        %dma_wait3A_180 = arith.constant 750 : i32
        %dma_wait3A_181 = arith.constant 0 : i32
        %dma_wait3A_182 = tpu.memref_slice %arg7[%dma_wait3A_180, %dma_wait3A_181] : memref<1000x16xf32, #tpu.memory_space<vmem>> -> memref<125x16xf32, #tpu.memory_space<vmem>>
        %dma_wait3A_183 = arith.constant 0 : i32
        %dma_wait3A_184 = tpu.memref_slice %arg6[%sub3A_179, %dma_wait3A_183] : memref<80x125xi32, #tpu.memory_space<vmem>> -> memref<1x125xi32, #tpu.memory_space<vmem>>
        %dma_wait3A_185 = tpu.memref_squeeze %dma_wait3A_184 : memref<1x125xi32, #tpu.memory_space<vmem>> -> memref<125xi32, #tpu.memory_space<vmem>>
        %dma_wait3A_186 = arith.constant 0 : i32
        %dma_wait3A_187 = arith.constant 0 : i32
        %dma_wait3A_188 = tpu.memref_slice %arg9[%dma_wait3A_186, %dma_wait3A_187] : memref<10240x16xf32, #tpu.memory_space<vmem_shared>> -> memref<10240x16xf32, #tpu.memory_space<vmem_shared>>
        %dma_wait3A_189 = tpu.memref_slice %arg11[%dma_wait3A] : memref<8x!tpu.dma_semaphore, #tpu.memory_space<semaphore_mem>> -> memref<1x!tpu.dma_semaphore, #tpu.memory_space<semaphore_mem>>
        %dma_wait3A_190 = tpu.memref_squeeze %dma_wait3A_189 : memref<1x!tpu.dma_semaphore, #tpu.memory_space<semaphore_mem>> -> memref<!tpu.dma_semaphore, #tpu.memory_space<semaphore_mem>>
        tpu.wait_indirect_dma semaphore(%dma_wait3A_190 : memref<!tpu.dma_semaphore, #tpu.memory_space<semaphore_mem>>) src(%dma_wait3A_182 : memref<125x16xf32, #tpu.memory_space<vmem>>) dst(%dma_wait3A_188 : memref<10240x16xf32, #tpu.memory_space<vmem_shared>>)
      } else {
      }
      %lt3A_146 = arith.constant 80 : i32
      %lt3A_147 = arith.cmpi slt, %add3A_140, %lt3A_146 : i32
      %convert_element_type3A_148 = arith.extui %lt3A_147 : i1 to i32
      %cond3A_149 = arith.constant 0 : i32
      %cond3A_150 = arith.cmpi ne, %convert_element_type3A_148, %cond3A_149 : i32
      scf.if %cond3A_150 {
        %dma_start3A = arith.constant 6 : i32
        %dma_start3A_179 = arith.constant 750 : i32
        %dma_start3A_180 = arith.constant 0 : i32
        %dma_start3A_181 = tpu.memref_slice %arg7[%dma_start3A_179, %dma_start3A_180] : memref<1000x16xf32, #tpu.memory_space<vmem>> -> memref<125x16xf32, #tpu.memory_space<vmem>>
        %dma_start3A_182 = arith.constant 0 : i32
        %dma_start3A_183 = tpu.memref_slice %arg5[%add3A_140, %dma_start3A_182] : memref<80x125xi32, #tpu.memory_space<vmem>> -> memref<1x125xi32, #tpu.memory_space<vmem>>
        %dma_start3A_184 = tpu.memref_squeeze %dma_start3A_183 : memref<1x125xi32, #tpu.memory_space<vmem>> -> memref<125xi32, #tpu.memory_space<vmem>>
        %dma_start3A_185 = arith.constant 0 : i32
        %dma_start3A_186 = arith.constant 0 : i32
        %dma_start3A_187 = tpu.memref_slice %arg2[%dma_start3A_185, %dma_start3A_186] : memref<10000x16xf32, #tpu.memory_space<hbm>> -> memref<10000x16xf32, #tpu.memory_space<hbm>>
        %dma_start3A_188 = tpu.memref_slice %arg10[%dma_start3A] : memref<8x!tpu.dma_semaphore, #tpu.memory_space<semaphore_mem>> -> memref<1x!tpu.dma_semaphore, #tpu.memory_space<semaphore_mem>>
        %dma_start3A_189 = tpu.memref_squeeze %dma_start3A_188 : memref<1x!tpu.dma_semaphore, #tpu.memory_space<semaphore_mem>> -> memref<!tpu.dma_semaphore, #tpu.memory_space<semaphore_mem>>
        tpu.enqueue_indirect_dma source(%dma_start3A_187 : memref<10000x16xf32, #tpu.memory_space<hbm>>) target(%dma_start3A_181 : memref<125x16xf32, #tpu.memory_space<vmem>>) offsets(%dma_start3A_184 : memref<125xi32, #tpu.memory_space<vmem>>) semaphore(%dma_start3A_189 : memref<!tpu.dma_semaphore, #tpu.memory_space<semaphore_mem>>)
      } else {
      }
      %ge3A_151 = arith.constant 4 : i32
      %ge3A_152 = arith.cmpi sge, %add3A_140, %ge3A_151 : i32
      %lt3A_153 = arith.constant 84 : i32
      %lt3A_154 = arith.cmpi slt, %add3A_140, %lt3A_153 : i32
      %and3A_155 = arith.andi %ge3A_152, %lt3A_154 : i1
      %convert_element_type3A_156 = arith.extui %and3A_155 : i1 to i32
      %cond3A_157 = arith.constant 0 : i32
      %cond3A_158 = arith.cmpi ne, %convert_element_type3A_156, %cond3A_157 : i32
      scf.if %cond3A_158 {
        %sub3A = arith.constant 4 : i32
        %sub3A_179 = arith.subi %add3A_140, %sub3A : i32
        %dma_wait3A = arith.constant 2 : i32
        %dma_wait3A_180 = arith.constant 250 : i32
        %dma_wait3A_181 = arith.constant 0 : i32
        %dma_wait3A_182 = tpu.memref_slice %arg7[%dma_wait3A_180, %dma_wait3A_181] : memref<1000x16xf32, #tpu.memory_space<vmem>> -> memref<125x16xf32, #tpu.memory_space<vmem>>
        %dma_wait3A_183 = arith.constant 0 : i32
        %dma_wait3A_184 = tpu.memref_slice %arg5[%sub3A_179, %dma_wait3A_183] : memref<80x125xi32, #tpu.memory_space<vmem>> -> memref<1x125xi32, #tpu.memory_space<vmem>>
        %dma_wait3A_185 = tpu.memref_squeeze %dma_wait3A_184 : memref<1x125xi32, #tpu.memory_space<vmem>> -> memref<125xi32, #tpu.memory_space<vmem>>
        %dma_wait3A_186 = arith.constant 0 : i32
        %dma_wait3A_187 = arith.constant 0 : i32
        %dma_wait3A_188 = tpu.memref_slice %arg2[%dma_wait3A_186, %dma_wait3A_187] : memref<10000x16xf32, #tpu.memory_space<hbm>> -> memref<10000x16xf32, #tpu.memory_space<hbm>>
        %dma_wait3A_189 = tpu.memref_slice %arg10[%dma_wait3A] : memref<8x!tpu.dma_semaphore, #tpu.memory_space<semaphore_mem>> -> memref<1x!tpu.dma_semaphore, #tpu.memory_space<semaphore_mem>>
        %dma_wait3A_190 = tpu.memref_squeeze %dma_wait3A_189 : memref<1x!tpu.dma_semaphore, #tpu.memory_space<semaphore_mem>> -> memref<!tpu.dma_semaphore, #tpu.memory_space<semaphore_mem>>
        tpu.wait_indirect_dma semaphore(%dma_wait3A_190 : memref<!tpu.dma_semaphore, #tpu.memory_space<semaphore_mem>>) src(%dma_wait3A_188 : memref<10000x16xf32, #tpu.memory_space<hbm>>) dst(%dma_wait3A_182 : memref<125x16xf32, #tpu.memory_space<vmem>>)
        %sub3A_191 = arith.constant 4 : i32
        %sub3A_192 = arith.subi %add3A_140, %sub3A_191 : i32
        %dma_start3A = arith.constant 2 : i32
        %dma_start3A_193 = arith.constant 250 : i32
        %dma_start3A_194 = arith.constant 0 : i32
        %dma_start3A_195 = tpu.memref_slice %arg7[%dma_start3A_193, %dma_start3A_194] : memref<1000x16xf32, #tpu.memory_space<vmem>> -> memref<125x16xf32, #tpu.memory_space<vmem>>
        %dma_start3A_196 = arith.constant 0 : i32
        %dma_start3A_197 = tpu.memref_slice %arg6[%sub3A_192, %dma_start3A_196] : memref<80x125xi32, #tpu.memory_space<vmem>> -> memref<1x125xi32, #tpu.memory_space<vmem>>
        %dma_start3A_198 = tpu.memref_squeeze %dma_start3A_197 : memref<1x125xi32, #tpu.memory_space<vmem>> -> memref<125xi32, #tpu.memory_space<vmem>>
        %dma_start3A_199 = arith.constant 0 : i32
        %dma_start3A_200 = arith.constant 0 : i32
        %dma_start3A_201 = tpu.memref_slice %arg9[%dma_start3A_199, %dma_start3A_200] : memref<10240x16xf32, #tpu.memory_space<vmem_shared>> -> memref<10240x16xf32, #tpu.memory_space<vmem_shared>>
        %dma_start3A_202 = tpu.memref_slice %arg11[%dma_start3A] : memref<8x!tpu.dma_semaphore, #tpu.memory_space<semaphore_mem>> -> memref<1x!tpu.dma_semaphore, #tpu.memory_space<semaphore_mem>>
        %dma_start3A_203 = tpu.memref_squeeze %dma_start3A_202 : memref<1x!tpu.dma_semaphore, #tpu.memory_space<semaphore_mem>> -> memref<!tpu.dma_semaphore, #tpu.memory_space<semaphore_mem>>
        tpu.enqueue_indirect_dma source(%dma_start3A_195 : memref<125x16xf32, #tpu.memory_space<vmem>>) target(%dma_start3A_201 : memref<10240x16xf32, #tpu.memory_space<vmem_shared>>) offsets(%dma_start3A_198 : memref<125xi32, #tpu.memory_space<vmem>>) semaphore(%dma_start3A_203 : memref<!tpu.dma_semaphore, #tpu.memory_space<semaphore_mem>>) {add = true}
      } else {
      }
      %add3A_159 = arith.constant 7 : i32
      %add3A_160 = arith.addi %mul3A_23, %add3A_159 : i32
      %ge3A_161 = arith.constant 8 : i32
      %ge3A_162 = arith.cmpi sge, %add3A_160, %ge3A_161 : i32
      %convert_element_type3A_163 = arith.extui %ge3A_162 : i1 to i32
      %cond3A_164 = arith.constant 0 : i32
      %cond3A_165 = arith.cmpi ne, %convert_element_type3A_163, %cond3A_164 : i32
      scf.if %cond3A_165 {
        %sub3A = arith.constant 8 : i32
        %sub3A_179 = arith.subi %add3A_160, %sub3A : i32
        %dma_wait3A = arith.constant 7 : i32
        %dma_wait3A_180 = arith.constant 875 : i32
        %dma_wait3A_181 = arith.constant 0 : i32
        %dma_wait3A_182 = tpu.memref_slice %arg7[%dma_wait3A_180, %dma_wait3A_181] : memref<1000x16xf32, #tpu.memory_space<vmem>> -> memref<125x16xf32, #tpu.memory_space<vmem>>
        %dma_wait3A_183 = arith.constant 0 : i32
        %dma_wait3A_184 = tpu.memref_slice %arg6[%sub3A_179, %dma_wait3A_183] : memref<80x125xi32, #tpu.memory_space<vmem>> -> memref<1x125xi32, #tpu.memory_space<vmem>>
        %dma_wait3A_185 = tpu.memref_squeeze %dma_wait3A_184 : memref<1x125xi32, #tpu.memory_space<vmem>> -> memref<125xi32, #tpu.memory_space<vmem>>
        %dma_wait3A_186 = arith.constant 0 : i32
        %dma_wait3A_187 = arith.constant 0 : i32
        %dma_wait3A_188 = tpu.memref_slice %arg9[%dma_wait3A_186, %dma_wait3A_187] : memref<10240x16xf32, #tpu.memory_space<vmem_shared>> -> memref<10240x16xf32, #tpu.memory_space<vmem_shared>>
        %dma_wait3A_189 = tpu.memref_slice %arg11[%dma_wait3A] : memref<8x!tpu.dma_semaphore, #tpu.memory_space<semaphore_mem>> -> memref<1x!tpu.dma_semaphore, #tpu.memory_space<semaphore_mem>>
        %dma_wait3A_190 = tpu.memref_squeeze %dma_wait3A_189 : memref<1x!tpu.dma_semaphore, #tpu.memory_space<semaphore_mem>> -> memref<!tpu.dma_semaphore, #tpu.memory_space<semaphore_mem>>
        tpu.wait_indirect_dma semaphore(%dma_wait3A_190 : memref<!tpu.dma_semaphore, #tpu.memory_space<semaphore_mem>>) src(%dma_wait3A_182 : memref<125x16xf32, #tpu.memory_space<vmem>>) dst(%dma_wait3A_188 : memref<10240x16xf32, #tpu.memory_space<vmem_shared>>)
      } else {
      }
      %lt3A_166 = arith.constant 80 : i32
      %lt3A_167 = arith.cmpi slt, %add3A_160, %lt3A_166 : i32
      %convert_element_type3A_168 = arith.extui %lt3A_167 : i1 to i32
      %cond3A_169 = arith.constant 0 : i32
      %cond3A_170 = arith.cmpi ne, %convert_element_type3A_168, %cond3A_169 : i32
      scf.if %cond3A_170 {
        %dma_start3A = arith.constant 7 : i32
        %dma_start3A_179 = arith.constant 875 : i32
        %dma_start3A_180 = arith.constant 0 : i32
        %dma_start3A_181 = tpu.memref_slice %arg7[%dma_start3A_179, %dma_start3A_180] : memref<1000x16xf32, #tpu.memory_space<vmem>> -> memref<125x16xf32, #tpu.memory_space<vmem>>
        %dma_start3A_182 = arith.constant 0 : i32
        %dma_start3A_183 = tpu.memref_slice %arg5[%add3A_160, %dma_start3A_182] : memref<80x125xi32, #tpu.memory_space<vmem>> -> memref<1x125xi32, #tpu.memory_space<vmem>>
        %dma_start3A_184 = tpu.memref_squeeze %dma_start3A_183 : memref<1x125xi32, #tpu.memory_space<vmem>> -> memref<125xi32, #tpu.memory_space<vmem>>
        %dma_start3A_185 = arith.constant 0 : i32
        %dma_start3A_186 = arith.constant 0 : i32
        %dma_start3A_187 = tpu.memref_slice %arg2[%dma_start3A_185, %dma_start3A_186] : memref<10000x16xf32, #tpu.memory_space<hbm>> -> memref<10000x16xf32, #tpu.memory_space<hbm>>
        %dma_start3A_188 = tpu.memref_slice %arg10[%dma_start3A] : memref<8x!tpu.dma_semaphore, #tpu.memory_space<semaphore_mem>> -> memref<1x!tpu.dma_semaphore, #tpu.memory_space<semaphore_mem>>
        %dma_start3A_189 = tpu.memref_squeeze %dma_start3A_188 : memref<1x!tpu.dma_semaphore, #tpu.memory_space<semaphore_mem>> -> memref<!tpu.dma_semaphore, #tpu.memory_space<semaphore_mem>>
        tpu.enqueue_indirect_dma source(%dma_start3A_187 : memref<10000x16xf32, #tpu.memory_space<hbm>>) target(%dma_start3A_181 : memref<125x16xf32, #tpu.memory_space<vmem>>) offsets(%dma_start3A_184 : memref<125xi32, #tpu.memory_space<vmem>>) semaphore(%dma_start3A_189 : memref<!tpu.dma_semaphore, #tpu.memory_space<semaphore_mem>>)
      } else {
      }
      %ge3A_171 = arith.constant 4 : i32
      %ge3A_172 = arith.cmpi sge, %add3A_160, %ge3A_171 : i32
      %lt3A_173 = arith.constant 84 : i32
      %lt3A_174 = arith.cmpi slt, %add3A_160, %lt3A_173 : i32
      %and3A_175 = arith.andi %ge3A_172, %lt3A_174 : i1
      %convert_element_type3A_176 = arith.extui %and3A_175 : i1 to i32
      %cond3A_177 = arith.constant 0 : i32
      %cond3A_178 = arith.cmpi ne, %convert_element_type3A_176, %cond3A_177 : i32
      scf.if %cond3A_178 {
        %sub3A = arith.constant 4 : i32
        %sub3A_179 = arith.subi %add3A_160, %sub3A : i32
        %dma_wait3A = arith.constant 3 : i32
        %dma_wait3A_180 = arith.constant 375 : i32
        %dma_wait3A_181 = arith.constant 0 : i32
        %dma_wait3A_182 = tpu.memref_slice %arg7[%dma_wait3A_180, %dma_wait3A_181] : memref<1000x16xf32, #tpu.memory_space<vmem>> -> memref<125x16xf32, #tpu.memory_space<vmem>>
        %dma_wait3A_183 = arith.constant 0 : i32
        %dma_wait3A_184 = tpu.memref_slice %arg5[%sub3A_179, %dma_wait3A_183] : memref<80x125xi32, #tpu.memory_space<vmem>> -> memref<1x125xi32, #tpu.memory_space<vmem>>
        %dma_wait3A_185 = tpu.memref_squeeze %dma_wait3A_184 : memref<1x125xi32, #tpu.memory_space<vmem>> -> memref<125xi32, #tpu.memory_space<vmem>>
        %dma_wait3A_186 = arith.constant 0 : i32
        %dma_wait3A_187 = arith.constant 0 : i32
        %dma_wait3A_188 = tpu.memref_slice %arg2[%dma_wait3A_186, %dma_wait3A_187] : memref<10000x16xf32, #tpu.memory_space<hbm>> -> memref<10000x16xf32, #tpu.memory_space<hbm>>
        %dma_wait3A_189 = tpu.memref_slice %arg10[%dma_wait3A] : memref<8x!tpu.dma_semaphore, #tpu.memory_space<semaphore_mem>> -> memref<1x!tpu.dma_semaphore, #tpu.memory_space<semaphore_mem>>
        %dma_wait3A_190 = tpu.memref_squeeze %dma_wait3A_189 : memref<1x!tpu.dma_semaphore, #tpu.memory_space<semaphore_mem>> -> memref<!tpu.dma_semaphore, #tpu.memory_space<semaphore_mem>>
        tpu.wait_indirect_dma semaphore(%dma_wait3A_190 : memref<!tpu.dma_semaphore, #tpu.memory_space<semaphore_mem>>) src(%dma_wait3A_188 : memref<10000x16xf32, #tpu.memory_space<hbm>>) dst(%dma_wait3A_182 : memref<125x16xf32, #tpu.memory_space<vmem>>)
        %sub3A_191 = arith.constant 4 : i32
        %sub3A_192 = arith.subi %add3A_160, %sub3A_191 : i32
        %dma_start3A = arith.constant 3 : i32
        %dma_start3A_193 = arith.constant 375 : i32
        %dma_start3A_194 = arith.constant 0 : i32
        %dma_start3A_195 = tpu.memref_slice %arg7[%dma_start3A_193, %dma_start3A_194] : memref<1000x16xf32, #tpu.memory_space<vmem>> -> memref<125x16xf32, #tpu.memory_space<vmem>>
        %dma_start3A_196 = arith.constant 0 : i32
        %dma_start3A_197 = tpu.memref_slice %arg6[%sub3A_192, %dma_start3A_196] : memref<80x125xi32, #tpu.memory_space<vmem>> -> memref<1x125xi32, #tpu.memory_space<vmem>>
        %dma_start3A_198 = tpu.memref_squeeze %dma_start3A_197 : memref<1x125xi32, #tpu.memory_space<vmem>> -> memref<125xi32, #tpu.memory_space<vmem>>
        %dma_start3A_199 = arith.constant 0 : i32
        %dma_start3A_200 = arith.constant 0 : i32
        %dma_start3A_201 = tpu.memref_slice %arg9[%dma_start3A_199, %dma_start3A_200] : memref<10240x16xf32, #tpu.memory_space<vmem_shared>> -> memref<10240x16xf32, #tpu.memory_space<vmem_shared>>
        %dma_start3A_202 = tpu.memref_slice %arg11[%dma_start3A] : memref<8x!tpu.dma_semaphore, #tpu.memory_space<semaphore_mem>> -> memref<1x!tpu.dma_semaphore, #tpu.memory_space<semaphore_mem>>
        %dma_start3A_203 = tpu.memref_squeeze %dma_start3A_202 : memref<1x!tpu.dma_semaphore, #tpu.memory_space<semaphore_mem>> -> memref<!tpu.dma_semaphore, #tpu.memory_space<semaphore_mem>>
        tpu.enqueue_indirect_dma source(%dma_start3A_195 : memref<125x16xf32, #tpu.memory_space<vmem>>) target(%dma_start3A_201 : memref<10240x16xf32, #tpu.memory_space<vmem_shared>>) offsets(%dma_start3A_198 : memref<125xi32, #tpu.memory_space<vmem>>) semaphore(%dma_start3A_203 : memref<!tpu.dma_semaphore, #tpu.memory_space<semaphore_mem>>) {add = true}
      } else {
      }
    }
    %scan3A_15 = arith.constant 11 : i32
    %barrier3A_16 = arith.constant 0 : index
    tpu.barrier barrier_id(%barrier3A_16)
    %mul3A_17 = arith.constant 640 : i32
    %mul3A_18 = arith.muli %arg1, %mul3A_17 : i32
    "tpu.region"() ({
      %run_scoped3A_21 = tpu.sem_alloc : memref<!tpu.dma_semaphore, #tpu.memory_space<semaphore_mem>>
      %dma_start3A = arith.constant 0 : i32
      %dma_start3A_22 = tpu.memref_slice %arg9[%mul3A_18, %dma_start3A] : memref<10240x16xf32, #tpu.memory_space<vmem_shared>> -> memref<640x16xf32, #tpu.memory_space<vmem_shared>>
      %dma_start3A_23 = arith.constant 0 : i32
      %dma_start3A_24 = tpu.memref_slice %arg9[%mul3A_18, %dma_start3A_23] : memref<10240x16xf32, #tpu.memory_space<vmem_shared>> -> memref<640x16xf32, #tpu.memory_space<vmem_shared>>
      tpu.enqueue_dma source(%dma_start3A_24 : memref<640x16xf32, #tpu.memory_space<vmem_shared>>) target(%arg8 : memref<640x16xf32, #tpu.memory_space<vmem>>) target_semaphore(%run_scoped3A_21 : memref<!tpu.dma_semaphore, #tpu.memory_space<semaphore_mem>>)
      %dma_wait3A = arith.constant 0 : i32
      %dma_wait3A_25 = tpu.memref_slice %arg9[%mul3A_18, %dma_wait3A] : memref<10240x16xf32, #tpu.memory_space<vmem_shared>> -> memref<640x16xf32, #tpu.memory_space<vmem_shared>>
      %dma_wait3A_26 = arith.constant 0 : i32
      %dma_wait3A_27 = tpu.memref_slice %arg9[%mul3A_18, %dma_wait3A_26] : memref<10240x16xf32, #tpu.memory_space<vmem_shared>> -> memref<640x16xf32, #tpu.memory_space<vmem_shared>>
      tpu.wait_dma2 semaphore(%run_scoped3A_21 : memref<!tpu.dma_semaphore, #tpu.memory_space<semaphore_mem>>) src(%dma_wait3A_27 : memref<640x16xf32, #tpu.memory_space<vmem_shared>>) dst(%arg8 : memref<640x16xf32, #tpu.memory_space<vmem>>)
      tpu.yield
    }) : () -> ()
    %mul3A_19 = arith.constant 640 : i32
    %mul3A_20 = arith.muli %arg1, %mul3A_19 : i32
    "tpu.region"() ({
      %run_scoped3A_21 = tpu.sem_alloc : memref<!tpu.dma_semaphore, #tpu.memory_space<semaphore_mem>>
      %dma_start3A = arith.constant 0 : i32
      %dma_start3A_22 = tpu.memref_slice %arg4[%arg0, %mul3A_20, %dma_start3A] : memref<2x10240x16xf32, #tpu.memory_space<hbm>> -> memref<1x640x16xf32, #tpu.memory_space<hbm>>
      %dma_start3A_23 = tpu.memref_squeeze %dma_start3A_22 : memref<1x640x16xf32, #tpu.memory_space<hbm>> -> memref<640x16xf32, #tpu.memory_space<hbm>>
      %dma_start3A_24 = arith.constant 0 : i32
      %dma_start3A_25 = tpu.memref_slice %arg4[%arg0, %mul3A_20, %dma_start3A_24] : memref<2x10240x16xf32, #tpu.memory_space<hbm>> -> memref<1x640x16xf32, #tpu.memory_space<hbm>>
      %dma_start3A_26 = tpu.memref_squeeze %dma_start3A_25 : memref<1x640x16xf32, #tpu.memory_space<hbm>> -> memref<640x16xf32, #tpu.memory_space<hbm>>
      tpu.enqueue_dma source(%arg8 : memref<640x16xf32, #tpu.memory_space<vmem>>) target(%dma_start3A_26 : memref<640x16xf32, #tpu.memory_space<hbm>>) target_semaphore(%run_scoped3A_21 : memref<!tpu.dma_semaphore, #tpu.memory_space<semaphore_mem>>)
      %dma_wait3A = arith.constant 0 : i32
      %dma_wait3A_27 = tpu.memref_slice %arg4[%arg0, %mul3A_20, %dma_wait3A] : memref<2x10240x16xf32, #tpu.memory_space<hbm>> -> memref<1x640x16xf32, #tpu.memory_space<hbm>>
      %dma_wait3A_28 = tpu.memref_squeeze %dma_wait3A_27 : memref<1x640x16xf32, #tpu.memory_space<hbm>> -> memref<640x16xf32, #tpu.memory_space<hbm>>
      %dma_wait3A_29 = arith.constant 0 : i32
      %dma_wait3A_30 = tpu.memref_slice %arg4[%arg0, %mul3A_20, %dma_wait3A_29] : memref<2x10240x16xf32, #tpu.memory_space<hbm>> -> memref<1x640x16xf32, #tpu.memory_space<hbm>>
      %dma_wait3A_31 = tpu.memref_squeeze %dma_wait3A_30 : memref<1x640x16xf32, #tpu.memory_space<hbm>> -> memref<640x16xf32, #tpu.memory_space<hbm>>
      tpu.wait_dma2 semaphore(%run_scoped3A_21 : memref<!tpu.dma_semaphore, #tpu.memory_space<semaphore_mem>>) src(%arg8 : memref<640x16xf32, #tpu.memory_space<vmem>>) dst(%dma_wait3A_31 : memref<640x16xf32, #tpu.memory_space<hbm>>)
      tpu.yield
    }) : () -> ()
    return
  }
}

#map = affine_map<(d0, d1) -> (0, 0)>
#map1 = affine_map<(d0, d1) -> (0, 0, 0, 0)>
#map2 = affine_map<(d0, d1) -> (0, 0, 0)>
module attributes {stable_mosaic.version = 14 : i64} {
  func.func @_agg_kernel(%arg0: i32, %arg1: i32, %arg2: memref<10000x16xf32, #tpu.memory_space<hbm>>, %arg3: memref<2x32x80x125xi32, #tpu.memory_space<hbm>>, %arg4: memref<2x10240x16xf32, #tpu.memory_space<hbm>>, %arg5: memref<80x125xi32, #tpu.memory_space<vmem>>, %arg6: memref<80x125xi32, #tpu.memory_space<vmem>>, %arg7: memref<1000x16xf32, #tpu.memory_space<vmem>>, %arg8: memref<640x16xf32, #tpu.memory_space<vmem>>, %arg9: memref<10240x16xf32, #tpu.memory_space<vmem_shared>>, %arg10: memref<8x!tpu.dma_semaphore, #tpu.memory_space<semaphore_mem>>, %arg11: memref<8x!tpu.dma_semaphore, #tpu.memory_space<semaphore_mem>>) attributes {dimension_semantics = [#tpu.dimension_semantics<core_parallel>, #tpu.dimension_semantics<subcore_parallel>], iteration_bounds = array<i64: 2, 16>, scalar_prefetch = 0 : i64, scratch_operands = 7 : i64, tpu.core_type = #tpu.core_type<sc_vector_subcore>, window_params = [{transform_indices = #map}, {transform_indices = #map1}, {transform_indices = #map2}]} {
    %mul3A = arith.constant 16 : i32
    %mul3A_0 = arith.muli %arg0, %mul3A : i32
    %add3A = arith.addi %mul3A_0, %arg1 : i32
    %run_scoped3A = arith.constant 0 : i32
    "tpu.region"() ({
      %run_scoped3A_21 = tpu.sem_alloc : memref<!tpu.dma_semaphore, #tpu.memory_space<semaphore_mem>>
      %dma_start3A = arith.constant 0 : i32
      %dma_start3A_22 = arith.constant 0 : i32
      %dma_start3A_23 = tpu.memref_slice %arg3[%run_scoped3A, %add3A, %dma_start3A, %dma_start3A_22] : memref<2x32x80x125xi32, #tpu.memory_space<hbm>> -> memref<1x1x80x125xi32, #tpu.memory_space<hbm>>
      %dma_start3A_24 = tpu.memref_squeeze %dma_start3A_23 : memref<1x1x80x125xi32, #tpu.memory_space<hbm>> -> memref<80x125xi32, #tpu.memory_space<hbm>>
      %dma_start3A_25 = arith.constant 0 : i32
      %dma_start3A_26 = arith.constant 0 : i32
      %dma_start3A_27 = tpu.memref_slice %arg3[%run_scoped3A, %add3A, %dma_start3A_25, %dma_start3A_26] : memref<2x32x80x125xi32, #tpu.memory_space<hbm>> -> memref<1x1x80x125xi32, #tpu.memory_space<hbm>>
      %dma_start3A_28 = tpu.memref_squeeze %dma_start3A_27 : memref<1x1x80x125xi32, #tpu.memory_space<hbm>> -> memref<80x125xi32, #tpu.memory_space<hbm>>
      tpu.enqueue_dma source(%dma_start3A_28 : memref<80x125xi32, #tpu.memory_space<hbm>>) target(%arg5 : memref<80x125xi32, #tpu.memory_space<vmem>>) target_semaphore(%run_scoped3A_21 : memref<!tpu.dma_semaphore, #tpu.memory_space<semaphore_mem>>)
      %dma_wait3A = arith.constant 0 : i32
      %dma_wait3A_29 = arith.constant 0 : i32
      %dma_wait3A_30 = tpu.memref_slice %arg3[%run_scoped3A, %add3A, %dma_wait3A, %dma_wait3A_29] : memref<2x32x80x125xi32, #tpu.memory_space<hbm>> -> memref<1x1x80x125xi32, #tpu.memory_space<hbm>>
      %dma_wait3A_31 = tpu.memref_squeeze %dma_wait3A_30 : memref<1x1x80x125xi32, #tpu.memory_space<hbm>> -> memref<80x125xi32, #tpu.memory_space<hbm>>
      %dma_wait3A_32 = arith.constant 0 : i32
      %dma_wait3A_33 = arith.constant 0 : i32
      %dma_wait3A_34 = tpu.memref_slice %arg3[%run_scoped3A, %add3A, %dma_wait3A_32, %dma_wait3A_33] : memref<2x32x80x125xi32, #tpu.memory_space<hbm>> -> memref<1x1x80x125xi32, #tpu.memory_space<hbm>>
      %dma_wait3A_35 = tpu.memref_squeeze %dma_wait3A_34 : memref<1x1x80x125xi32, #tpu.memory_space<hbm>> -> memref<80x125xi32, #tpu.memory_space<hbm>>
      tpu.wait_dma2 semaphore(%run_scoped3A_21 : memref<!tpu.dma_semaphore, #tpu.memory_space<semaphore_mem>>) src(%dma_wait3A_35 : memref<80x125xi32, #tpu.memory_space<hbm>>) dst(%arg5 : memref<80x125xi32, #tpu.memory_space<vmem>>)
      tpu.yield
    }) : () -> ()
    %run_scoped3A_1 = arith.constant 1 : i32
    "tpu.region"() ({
      %run_scoped3A_21 = tpu.sem_alloc : memref<!tpu.dma_semaphore, #tpu.memory_space<semaphore_mem>>
      %dma_start3A = arith.constant 0 : i32
      %dma_start3A_22 = arith.constant 0 : i32
      %dma_start3A_23 = tpu.memref_slice %arg3[%run_scoped3A_1, %add3A, %dma_start3A, %dma_start3A_22] : memref<2x32x80x125xi32, #tpu.memory_space<hbm>> -> memref<1x1x80x125xi32, #tpu.memory_space<hbm>>
      %dma_start3A_24 = tpu.memref_squeeze %dma_start3A_23 : memref<1x1x80x125xi32, #tpu.memory_space<hbm>> -> memref<80x125xi32, #tpu.memory_space<hbm>>
      %dma_start3A_25 = arith.constant 0 : i32
      %dma_start3A_26 = arith.constant 0 : i32
      %dma_start3A_27 = tpu.memref_slice %arg3[%run_scoped3A_1, %add3A, %dma_start3A_25, %dma_start3A_26] : memref<2x32x80x125xi32, #tpu.memory_space<hbm>> -> memref<1x1x80x125xi32, #tpu.memory_space<hbm>>
      %dma_start3A_28 = tpu.memref_squeeze %dma_start3A_27 : memref<1x1x80x125xi32, #tpu.memory_space<hbm>> -> memref<80x125xi32, #tpu.memory_space<hbm>>
      tpu.enqueue_dma source(%dma_start3A_28 : memref<80x125xi32, #tpu.memory_space<hbm>>) target(%arg6 : memref<80x125xi32, #tpu.memory_space<vmem>>) target_semaphore(%run_scoped3A_21 : memref<!tpu.dma_semaphore, #tpu.memory_space<semaphore_mem>>)
      %dma_wait3A = arith.constant 0 : i32
      %dma_wait3A_29 = arith.constant 0 : i32
      %dma_wait3A_30 = tpu.memref_slice %arg3[%run_scoped3A_1, %add3A, %dma_wait3A, %dma_wait3A_29] : memref<2x32x80x125xi32, #tpu.memory_space<hbm>> -> memref<1x1x80x125xi32, #tpu.memory_space<hbm>>
      %dma_wait3A_31 = tpu.memref_squeeze %dma_wait3A_30 : memref<1x1x80x125xi32, #tpu.memory_space<hbm>> -> memref<80x125xi32, #tpu.memory_space<hbm>>
      %dma_wait3A_32 = arith.constant 0 : i32
      %dma_wait3A_33 = arith.constant 0 : i32
      %dma_wait3A_34 = tpu.memref_slice %arg3[%run_scoped3A_1, %add3A, %dma_wait3A_32, %dma_wait3A_33] : memref<2x32x80x125xi32, #tpu.memory_space<hbm>> -> memref<1x1x80x125xi32, #tpu.memory_space<hbm>>
      %dma_wait3A_35 = tpu.memref_squeeze %dma_wait3A_34 : memref<1x1x80x125xi32, #tpu.memory_space<hbm>> -> memref<80x125xi32, #tpu.memory_space<hbm>>
      tpu.wait_dma2 semaphore(%run_scoped3A_21 : memref<!tpu.dma_semaphore, #tpu.memory_space<semaphore_mem>>) src(%dma_wait3A_35 : memref<80x125xi32, #tpu.memory_space<hbm>>) dst(%arg6 : memref<80x125xi32, #tpu.memory_space<vmem>>)
      tpu.yield
    }) : () -> ()
    %broadcast_in_dim3A = arith.constant 0.000000e+00 : f32
    %broadcast_in_dim3A_2 = vector.broadcast %broadcast_in_dim3A : f32 to vector<16xf32>
    %scan3A = arith.constant 0 : i32
    %scan3A_3 = arith.constant 0 : i32
    %scan3A_4 = arith.constant 640 : i32
    %scan3A_5 = arith.addi %scan3A_3, %scan3A_4 : i32
    %scan3A_6 = arith.constant 1 : i32
    scf.for %scan3A_21 = %scan3A_3 to %scan3A_5 step %scan3A_6  : i32 {
      %swap3A = arith.index_cast %scan3A_21 : i32 to index
      %swap3A_22 = arith.constant 0 : index
      %swap3A_23 = tpu.vector_load %arg8[%swap3A, %swap3A_22] {strides = array<i32>} : memref<640x16xf32, #tpu.memory_space<vmem>>, vector<1x16xf32>,
      %swap3A_24 = vector.shape_cast %swap3A_23 : vector<1x16xf32> to vector<16xf32>
      %swap3A_25 = vector.shape_cast %broadcast_in_dim3A_2 : vector<16xf32> to vector<1x16xf32>
      tpu.vector_store %arg8[%swap3A, %swap3A_22], %swap3A_25 {strides = array<i32>} : memref<640x16xf32, #tpu.memory_space<vmem>>, vector<1x16xf32>,
    }
    %scan3A_7 = arith.constant 640 : i32
    %mul3A_8 = arith.constant 640 : i32
    %mul3A_9 = arith.muli %arg1, %mul3A_8 : i32
    "tpu.region"() ({
      %run_scoped3A_21 = tpu.sem_alloc : memref<!tpu.dma_semaphore, #tpu.memory_space<semaphore_mem>>
      %dma_start3A = arith.constant 0 : i32
      %dma_start3A_22 = tpu.memref_slice %arg9[%mul3A_9, %dma_start3A] : memref<10240x16xf32, #tpu.memory_space<vmem_shared>> -> memref<640x16xf32, #tpu.memory_space<vmem_shared>>
      %dma_start3A_23 = arith.constant 0 : i32
      %dma_start3A_24 = tpu.memref_slice %arg9[%mul3A_9, %dma_start3A_23] : memref<10240x16xf32, #tpu.memory_space<vmem_shared>> -> memref<640x16xf32, #tpu.memory_space<vmem_shared>>
      tpu.enqueue_dma source(%arg8 : memref<640x16xf32, #tpu.memory_space<vmem>>) target(%dma_start3A_24 : memref<640x16xf32, #tpu.memory_space<vmem_shared>>) target_semaphore(%run_scoped3A_21 : memref<!tpu.dma_semaphore, #tpu.memory_space<semaphore_mem>>)
      %dma_wait3A = arith.constant 0 : i32
      %dma_wait3A_25 = tpu.memref_slice %arg9[%mul3A_9, %dma_wait3A] : memref<10240x16xf32, #tpu.memory_space<vmem_shared>> -> memref<640x16xf32, #tpu.memory_space<vmem_shared>>
      %dma_wait3A_26 = arith.constant 0 : i32
      %dma_wait3A_27 = tpu.memref_slice %arg9[%mul3A_9, %dma_wait3A_26] : memref<10240x16xf32, #tpu.memory_space<vmem_shared>> -> memref<640x16xf32, #tpu.memory_space<vmem_shared>>
      tpu.wait_dma2 semaphore(%run_scoped3A_21 : memref<!tpu.dma_semaphore, #tpu.memory_space<semaphore_mem>>) src(%arg8 : memref<640x16xf32, #tpu.memory_space<vmem>>) dst(%dma_wait3A_27 : memref<640x16xf32, #tpu.memory_space<vmem_shared>>)
      tpu.yield
    }) : () -> ()
    %barrier3A = arith.constant 0 : index
    tpu.barrier barrier_id(%barrier3A)
    %scan3A_10 = arith.constant 0 : i32
    %scan3A_11 = arith.constant 0 : i32
    %scan3A_12 = arith.constant 11 : i32
    %scan3A_13 = arith.addi %scan3A_11, %scan3A_12 : i32
    %scan3A_14 = arith.constant 1 : i32
    scf.for %scan3A_21 = %scan3A_11 to %scan3A_13 step %scan3A_14  : i32 {
      %mul3A_22 = arith.constant 8 : i32
      %mul3A_23 = arith.muli %scan3A_21, %mul3A_22 : i32
      %add3A_24 = arith.constant 0 : i32
      %add3A_25 = arith.addi %mul3A_23, %add3A_24 : i32
      %ge3A = arith.constant 8 : i32
      %ge3A_26 = arith.cmpi sge, %add3A_25, %ge3A : i32
      %convert_element_type3A = arith.extui %ge3A_26 : i1 to i32
      %cond3A = arith.constant 0 : i32
      %cond3A_27 = arith.cmpi ne, %convert_element_type3A, %cond3A : i32
      scf.if %cond3A_27 {
        %sub3A = arith.constant 8 : i32
        %sub3A_179 = arith.subi %add3A_25, %sub3A : i32
        %dma_wait3A = arith.constant 0 : i32
        %dma_wait3A_180 = arith.constant 0 : i32
        %dma_wait3A_181 = arith.constant 0 : i32
        %dma_wait3A_182 = tpu.memref_slice %arg7[%dma_wait3A_180, %dma_wait3A_181] : memref<1000x16xf32, #tpu.memory_space<vmem>> -> memref<125x16xf32, #tpu.memory_space<vmem>>
        %dma_wait3A_183 = arith.constant 0 : i32
        %dma_wait3A_184 = tpu.memref_slice %arg6[%sub3A_179, %dma_wait3A_183] : memref<80x125xi32, #tpu.memory_space<vmem>> -> memref<1x125xi32, #tpu.memory_space<vmem>>
        %dma_wait3A_185 = tpu.memref_squeeze %dma_wait3A_184 : memref<1x125xi32, #tpu.memory_space<vmem>> -> memref<125xi32, #tpu.memory_space<vmem>>
        %dma_wait3A_186 = arith.constant 0 : i32
        %dma_wait3A_187 = arith.constant 0 : i32
        %dma_wait3A_188 = tpu.memref_slice %arg9[%dma_wait3A_186, %dma_wait3A_187] : memref<10240x16xf32, #tpu.memory_space<vmem_shared>> -> memref<10240x16xf32, #tpu.memory_space<vmem_shared>>
        %dma_wait3A_189 = tpu.memref_slice %arg11[%dma_wait3A] : memref<8x!tpu.dma_semaphore, #tpu.memory_space<semaphore_mem>> -> memref<1x!tpu.dma_semaphore, #tpu.memory_space<semaphore_mem>>
        %dma_wait3A_190 = tpu.memref_squeeze %dma_wait3A_189 : memref<1x!tpu.dma_semaphore, #tpu.memory_space<semaphore_mem>> -> memref<!tpu.dma_semaphore, #tpu.memory_space<semaphore_mem>>
        tpu.wait_indirect_dma semaphore(%dma_wait3A_190 : memref<!tpu.dma_semaphore, #tpu.memory_space<semaphore_mem>>) src(%dma_wait3A_182 : memref<125x16xf32, #tpu.memory_space<vmem>>) dst(%dma_wait3A_188 : memref<10240x16xf32, #tpu.memory_space<vmem_shared>>)
      } else {
      }
      %lt3A = arith.constant 80 : i32
      %lt3A_28 = arith.cmpi slt, %add3A_25, %lt3A : i32
      %convert_element_type3A_29 = arith.extui %lt3A_28 : i1 to i32
      %cond3A_30 = arith.constant 0 : i32
      %cond3A_31 = arith.cmpi ne, %convert_element_type3A_29, %cond3A_30 : i32
      scf.if %cond3A_31 {
        %dma_start3A = arith.constant 0 : i32
        %dma_start3A_179 = arith.constant 0 : i32
        %dma_start3A_180 = arith.constant 0 : i32
        %dma_start3A_181 = tpu.memref_slice %arg7[%dma_start3A_179, %dma_start3A_180] : memref<1000x16xf32, #tpu.memory_space<vmem>> -> memref<125x16xf32, #tpu.memory_space<vmem>>
        %dma_start3A_182 = arith.constant 0 : i32
        %dma_start3A_183 = tpu.memref_slice %arg5[%add3A_25, %dma_start3A_182] : memref<80x125xi32, #tpu.memory_space<vmem>> -> memref<1x125xi32, #tpu.memory_space<vmem>>
        %dma_start3A_184 = tpu.memref_squeeze %dma_start3A_183 : memref<1x125xi32, #tpu.memory_space<vmem>> -> memref<125xi32, #tpu.memory_space<vmem>>
        %dma_start3A_185 = arith.constant 0 : i32
        %dma_start3A_186 = arith.constant 0 : i32
        %dma_start3A_187 = tpu.memref_slice %arg2[%dma_start3A_185, %dma_start3A_186] : memref<10000x16xf32, #tpu.memory_space<hbm>> -> memref<10000x16xf32, #tpu.memory_space<hbm>>
        %dma_start3A_188 = tpu.memref_slice %arg10[%dma_start3A] : memref<8x!tpu.dma_semaphore, #tpu.memory_space<semaphore_mem>> -> memref<1x!tpu.dma_semaphore, #tpu.memory_space<semaphore_mem>>
        %dma_start3A_189 = tpu.memref_squeeze %dma_start3A_188 : memref<1x!tpu.dma_semaphore, #tpu.memory_space<semaphore_mem>> -> memref<!tpu.dma_semaphore, #tpu.memory_space<semaphore_mem>>
        tpu.enqueue_indirect_dma source(%dma_start3A_187 : memref<10000x16xf32, #tpu.memory_space<hbm>>) target(%dma_start3A_181 : memref<125x16xf32, #tpu.memory_space<vmem>>) offsets(%dma_start3A_184 : memref<125xi32, #tpu.memory_space<vmem>>) semaphore(%dma_start3A_189 : memref<!tpu.dma_semaphore, #tpu.memory_space<semaphore_mem>>)
      } else {
      }
      %ge3A_32 = arith.constant 4 : i32
      %ge3A_33 = arith.cmpi sge, %add3A_25, %ge3A_32 : i32
      %lt3A_34 = arith.constant 84 : i32
      %lt3A_35 = arith.cmpi slt, %add3A_25, %lt3A_34 : i32
      %and3A = arith.andi %ge3A_33, %lt3A_35 : i1
      %convert_element_type3A_36 = arith.extui %and3A : i1 to i32
      %cond3A_37 = arith.constant 0 : i32
      %cond3A_38 = arith.cmpi ne, %convert_element_type3A_36, %cond3A_37 : i32
      scf.if %cond3A_38 {
        %sub3A = arith.constant 4 : i32
        %sub3A_179 = arith.subi %add3A_25, %sub3A : i32
        %dma_wait3A = arith.constant 4 : i32
        %dma_wait3A_180 = arith.constant 500 : i32
        %dma_wait3A_181 = arith.constant 0 : i32
        %dma_wait3A_182 = tpu.memref_slice %arg7[%dma_wait3A_180, %dma_wait3A_181] : memref<1000x16xf32, #tpu.memory_space<vmem>> -> memref<125x16xf32, #tpu.memory_space<vmem>>
        %dma_wait3A_183 = arith.constant 0 : i32
        %dma_wait3A_184 = tpu.memref_slice %arg5[%sub3A_179, %dma_wait3A_183] : memref<80x125xi32, #tpu.memory_space<vmem>> -> memref<1x125xi32, #tpu.memory_space<vmem>>
        %dma_wait3A_185 = tpu.memref_squeeze %dma_wait3A_184 : memref<1x125xi32, #tpu.memory_space<vmem>> -> memref<125xi32, #tpu.memory_space<vmem>>
        %dma_wait3A_186 = arith.constant 0 : i32
        %dma_wait3A_187 = arith.constant 0 : i32
        %dma_wait3A_188 = tpu.memref_slice %arg2[%dma_wait3A_186, %dma_wait3A_187] : memref<10000x16xf32, #tpu.memory_space<hbm>> -> memref<10000x16xf32, #tpu.memory_space<hbm>>
        %dma_wait3A_189 = tpu.memref_slice %arg10[%dma_wait3A] : memref<8x!tpu.dma_semaphore, #tpu.memory_space<semaphore_mem>> -> memref<1x!tpu.dma_semaphore, #tpu.memory_space<semaphore_mem>>
        %dma_wait3A_190 = tpu.memref_squeeze %dma_wait3A_189 : memref<1x!tpu.dma_semaphore, #tpu.memory_space<semaphore_mem>> -> memref<!tpu.dma_semaphore, #tpu.memory_space<semaphore_mem>>
        tpu.wait_indirect_dma semaphore(%dma_wait3A_190 : memref<!tpu.dma_semaphore, #tpu.memory_space<semaphore_mem>>) src(%dma_wait3A_188 : memref<10000x16xf32, #tpu.memory_space<hbm>>) dst(%dma_wait3A_182 : memref<125x16xf32, #tpu.memory_space<vmem>>)
        %sub3A_191 = arith.constant 4 : i32
        %sub3A_192 = arith.subi %add3A_25, %sub3A_191 : i32
        %dma_start3A = arith.constant 4 : i32
        %dma_start3A_193 = arith.constant 500 : i32
        %dma_start3A_194 = arith.constant 0 : i32
        %dma_start3A_195 = tpu.memref_slice %arg7[%dma_start3A_193, %dma_start3A_194] : memref<1000x16xf32, #tpu.memory_space<vmem>> -> memref<125x16xf32, #tpu.memory_space<vmem>>
        %dma_start3A_196 = arith.constant 0 : i32
        %dma_start3A_197 = tpu.memref_slice %arg6[%sub3A_192, %dma_start3A_196] : memref<80x125xi32, #tpu.memory_space<vmem>> -> memref<1x125xi32, #tpu.memory_space<vmem>>
        %dma_start3A_198 = tpu.memref_squeeze %dma_start3A_197 : memref<1x125xi32, #tpu.memory_space<vmem>> -> memref<125xi32, #tpu.memory_space<vmem>>
        %dma_start3A_199 = arith.constant 0 : i32
        %dma_start3A_200 = arith.constant 0 : i32
        %dma_start3A_201 = tpu.memref_slice %arg9[%dma_start3A_199, %dma_start3A_200] : memref<10240x16xf32, #tpu.memory_space<vmem_shared>> -> memref<10240x16xf32, #tpu.memory_space<vmem_shared>>
        %dma_start3A_202 = tpu.memref_slice %arg11[%dma_start3A] : memref<8x!tpu.dma_semaphore, #tpu.memory_space<semaphore_mem>> -> memref<1x!tpu.dma_semaphore, #tpu.memory_space<semaphore_mem>>
        %dma_start3A_203 = tpu.memref_squeeze %dma_start3A_202 : memref<1x!tpu.dma_semaphore, #tpu.memory_space<semaphore_mem>> -> memref<!tpu.dma_semaphore, #tpu.memory_space<semaphore_mem>>
        tpu.enqueue_indirect_dma source(%dma_start3A_195 : memref<125x16xf32, #tpu.memory_space<vmem>>) target(%dma_start3A_201 : memref<10240x16xf32, #tpu.memory_space<vmem_shared>>) offsets(%dma_start3A_198 : memref<125xi32, #tpu.memory_space<vmem>>) semaphore(%dma_start3A_203 : memref<!tpu.dma_semaphore, #tpu.memory_space<semaphore_mem>>) {add = true}
      } else {
      }
      %add3A_39 = arith.constant 1 : i32
      %add3A_40 = arith.addi %mul3A_23, %add3A_39 : i32
      %ge3A_41 = arith.constant 8 : i32
      %ge3A_42 = arith.cmpi sge, %add3A_40, %ge3A_41 : i32
      %convert_element_type3A_43 = arith.extui %ge3A_42 : i1 to i32
      %cond3A_44 = arith.constant 0 : i32
      %cond3A_45 = arith.cmpi ne, %convert_element_type3A_43, %cond3A_44 : i32
      scf.if %cond3A_45 {
        %sub3A = arith.constant 8 : i32
        %sub3A_179 = arith.subi %add3A_40, %sub3A : i32
        %dma_wait3A = arith.constant 1 : i32
        %dma_wait3A_180 = arith.constant 125 : i32
        %dma_wait3A_181 = arith.constant 0 : i32
        %dma_wait3A_182 = tpu.memref_slice %arg7[%dma_wait3A_180, %dma_wait3A_181] : memref<1000x16xf32, #tpu.memory_space<vmem>> -> memref<125x16xf32, #tpu.memory_space<vmem>>
        %dma_wait3A_183 = arith.constant 0 : i32
        %dma_wait3A_184 = tpu.memref_slice %arg6[%sub3A_179, %dma_wait3A_183] : memref<80x125xi32, #tpu.memory_space<vmem>> -> memref<1x125xi32, #tpu.memory_space<vmem>>
        %dma_wait3A_185 = tpu.memref_squeeze %dma_wait3A_184 : memref<1x125xi32, #tpu.memory_space<vmem>> -> memref<125xi32, #tpu.memory_space<vmem>>
        %dma_wait3A_186 = arith.constant 0 : i32
        %dma_wait3A_187 = arith.constant 0 : i32
        %dma_wait3A_188 = tpu.memref_slice %arg9[%dma_wait3A_186, %dma_wait3A_187] : memref<10240x16xf32, #tpu.memory_space<vmem_shared>> -> memref<10240x16xf32, #tpu.memory_space<vmem_shared>>
        %dma_wait3A_189 = tpu.memref_slice %arg11[%dma_wait3A] : memref<8x!tpu.dma_semaphore, #tpu.memory_space<semaphore_mem>> -> memref<1x!tpu.dma_semaphore, #tpu.memory_space<semaphore_mem>>
        %dma_wait3A_190 = tpu.memref_squeeze %dma_wait3A_189 : memref<1x!tpu.dma_semaphore, #tpu.memory_space<semaphore_mem>> -> memref<!tpu.dma_semaphore, #tpu.memory_space<semaphore_mem>>
        tpu.wait_indirect_dma semaphore(%dma_wait3A_190 : memref<!tpu.dma_semaphore, #tpu.memory_space<semaphore_mem>>) src(%dma_wait3A_182 : memref<125x16xf32, #tpu.memory_space<vmem>>) dst(%dma_wait3A_188 : memref<10240x16xf32, #tpu.memory_space<vmem_shared>>)
      } else {
      }
      %lt3A_46 = arith.constant 80 : i32
      %lt3A_47 = arith.cmpi slt, %add3A_40, %lt3A_46 : i32
      %convert_element_type3A_48 = arith.extui %lt3A_47 : i1 to i32
      %cond3A_49 = arith.constant 0 : i32
      %cond3A_50 = arith.cmpi ne, %convert_element_type3A_48, %cond3A_49 : i32
      scf.if %cond3A_50 {
        %dma_start3A = arith.constant 1 : i32
        %dma_start3A_179 = arith.constant 125 : i32
        %dma_start3A_180 = arith.constant 0 : i32
        %dma_start3A_181 = tpu.memref_slice %arg7[%dma_start3A_179, %dma_start3A_180] : memref<1000x16xf32, #tpu.memory_space<vmem>> -> memref<125x16xf32, #tpu.memory_space<vmem>>
        %dma_start3A_182 = arith.constant 0 : i32
        %dma_start3A_183 = tpu.memref_slice %arg5[%add3A_40, %dma_start3A_182] : memref<80x125xi32, #tpu.memory_space<vmem>> -> memref<1x125xi32, #tpu.memory_space<vmem>>
        %dma_start3A_184 = tpu.memref_squeeze %dma_start3A_183 : memref<1x125xi32, #tpu.memory_space<vmem>> -> memref<125xi32, #tpu.memory_space<vmem>>
        %dma_start3A_185 = arith.constant 0 : i32
        %dma_start3A_186 = arith.constant 0 : i32
        %dma_start3A_187 = tpu.memref_slice %arg2[%dma_start3A_185, %dma_start3A_186] : memref<10000x16xf32, #tpu.memory_space<hbm>> -> memref<10000x16xf32, #tpu.memory_space<hbm>>
        %dma_start3A_188 = tpu.memref_slice %arg10[%dma_start3A] : memref<8x!tpu.dma_semaphore, #tpu.memory_space<semaphore_mem>> -> memref<1x!tpu.dma_semaphore, #tpu.memory_space<semaphore_mem>>
        %dma_start3A_189 = tpu.memref_squeeze %dma_start3A_188 : memref<1x!tpu.dma_semaphore, #tpu.memory_space<semaphore_mem>> -> memref<!tpu.dma_semaphore, #tpu.memory_space<semaphore_mem>>
        tpu.enqueue_indirect_dma source(%dma_start3A_187 : memref<10000x16xf32, #tpu.memory_space<hbm>>) target(%dma_start3A_181 : memref<125x16xf32, #tpu.memory_space<vmem>>) offsets(%dma_start3A_184 : memref<125xi32, #tpu.memory_space<vmem>>) semaphore(%dma_start3A_189 : memref<!tpu.dma_semaphore, #tpu.memory_space<semaphore_mem>>)
      } else {
      }
      %ge3A_51 = arith.constant 4 : i32
      %ge3A_52 = arith.cmpi sge, %add3A_40, %ge3A_51 : i32
      %lt3A_53 = arith.constant 84 : i32
      %lt3A_54 = arith.cmpi slt, %add3A_40, %lt3A_53 : i32
      %and3A_55 = arith.andi %ge3A_52, %lt3A_54 : i1
      %convert_element_type3A_56 = arith.extui %and3A_55 : i1 to i32
      %cond3A_57 = arith.constant 0 : i32
      %cond3A_58 = arith.cmpi ne, %convert_element_type3A_56, %cond3A_57 : i32
      scf.if %cond3A_58 {
        %sub3A = arith.constant 4 : i32
        %sub3A_179 = arith.subi %add3A_40, %sub3A : i32
        %dma_wait3A = arith.constant 5 : i32
        %dma_wait3A_180 = arith.constant 625 : i32
        %dma_wait3A_181 = arith.constant 0 : i32
        %dma_wait3A_182 = tpu.memref_slice %arg7[%dma_wait3A_180, %dma_wait3A_181] : memref<1000x16xf32, #tpu.memory_space<vmem>> -> memref<125x16xf32, #tpu.memory_space<vmem>>
        %dma_wait3A_183 = arith.constant 0 : i32
        %dma_wait3A_184 = tpu.memref_slice %arg5[%sub3A_179, %dma_wait3A_183] : memref<80x125xi32, #tpu.memory_space<vmem>> -> memref<1x125xi32, #tpu.memory_space<vmem>>
        %dma_wait3A_185 = tpu.memref_squeeze %dma_wait3A_184 : memref<1x125xi32, #tpu.memory_space<vmem>> -> memref<125xi32, #tpu.memory_space<vmem>>
        %dma_wait3A_186 = arith.constant 0 : i32
        %dma_wait3A_187 = arith.constant 0 : i32
        %dma_wait3A_188 = tpu.memref_slice %arg2[%dma_wait3A_186, %dma_wait3A_187] : memref<10000x16xf32, #tpu.memory_space<hbm>> -> memref<10000x16xf32, #tpu.memory_space<hbm>>
        %dma_wait3A_189 = tpu.memref_slice %arg10[%dma_wait3A] : memref<8x!tpu.dma_semaphore, #tpu.memory_space<semaphore_mem>> -> memref<1x!tpu.dma_semaphore, #tpu.memory_space<semaphore_mem>>
        %dma_wait3A_190 = tpu.memref_squeeze %dma_wait3A_189 : memref<1x!tpu.dma_semaphore, #tpu.memory_space<semaphore_mem>> -> memref<!tpu.dma_semaphore, #tpu.memory_space<semaphore_mem>>
        tpu.wait_indirect_dma semaphore(%dma_wait3A_190 : memref<!tpu.dma_semaphore, #tpu.memory_space<semaphore_mem>>) src(%dma_wait3A_188 : memref<10000x16xf32, #tpu.memory_space<hbm>>) dst(%dma_wait3A_182 : memref<125x16xf32, #tpu.memory_space<vmem>>)
        %sub3A_191 = arith.constant 4 : i32
        %sub3A_192 = arith.subi %add3A_40, %sub3A_191 : i32
        %dma_start3A = arith.constant 5 : i32
        %dma_start3A_193 = arith.constant 625 : i32
        %dma_start3A_194 = arith.constant 0 : i32
        %dma_start3A_195 = tpu.memref_slice %arg7[%dma_start3A_193, %dma_start3A_194] : memref<1000x16xf32, #tpu.memory_space<vmem>> -> memref<125x16xf32, #tpu.memory_space<vmem>>
        %dma_start3A_196 = arith.constant 0 : i32
        %dma_start3A_197 = tpu.memref_slice %arg6[%sub3A_192, %dma_start3A_196] : memref<80x125xi32, #tpu.memory_space<vmem>> -> memref<1x125xi32, #tpu.memory_space<vmem>>
        %dma_start3A_198 = tpu.memref_squeeze %dma_start3A_197 : memref<1x125xi32, #tpu.memory_space<vmem>> -> memref<125xi32, #tpu.memory_space<vmem>>
        %dma_start3A_199 = arith.constant 0 : i32
        %dma_start3A_200 = arith.constant 0 : i32
        %dma_start3A_201 = tpu.memref_slice %arg9[%dma_start3A_199, %dma_start3A_200] : memref<10240x16xf32, #tpu.memory_space<vmem_shared>> -> memref<10240x16xf32, #tpu.memory_space<vmem_shared>>
        %dma_start3A_202 = tpu.memref_slice %arg11[%dma_start3A] : memref<8x!tpu.dma_semaphore, #tpu.memory_space<semaphore_mem>> -> memref<1x!tpu.dma_semaphore, #tpu.memory_space<semaphore_mem>>
        %dma_start3A_203 = tpu.memref_squeeze %dma_start3A_202 : memref<1x!tpu.dma_semaphore, #tpu.memory_space<semaphore_mem>> -> memref<!tpu.dma_semaphore, #tpu.memory_space<semaphore_mem>>
        tpu.enqueue_indirect_dma source(%dma_start3A_195 : memref<125x16xf32, #tpu.memory_space<vmem>>) target(%dma_start3A_201 : memref<10240x16xf32, #tpu.memory_space<vmem_shared>>) offsets(%dma_start3A_198 : memref<125xi32, #tpu.memory_space<vmem>>) semaphore(%dma_start3A_203 : memref<!tpu.dma_semaphore, #tpu.memory_space<semaphore_mem>>) {add = true}
      } else {
      }
      %add3A_59 = arith.constant 2 : i32
      %add3A_60 = arith.addi %mul3A_23, %add3A_59 : i32
      %ge3A_61 = arith.constant 8 : i32
      %ge3A_62 = arith.cmpi sge, %add3A_60, %ge3A_61 : i32
      %convert_element_type3A_63 = arith.extui %ge3A_62 : i1 to i32
      %cond3A_64 = arith.constant 0 : i32
      %cond3A_65 = arith.cmpi ne, %convert_element_type3A_63, %cond3A_64 : i32
      scf.if %cond3A_65 {
        %sub3A = arith.constant 8 : i32
        %sub3A_179 = arith.subi %add3A_60, %sub3A : i32
        %dma_wait3A = arith.constant 2 : i32
        %dma_wait3A_180 = arith.constant 250 : i32
        %dma_wait3A_181 = arith.constant 0 : i32
        %dma_wait3A_182 = tpu.memref_slice %arg7[%dma_wait3A_180, %dma_wait3A_181] : memref<1000x16xf32, #tpu.memory_space<vmem>> -> memref<125x16xf32, #tpu.memory_space<vmem>>
        %dma_wait3A_183 = arith.constant 0 : i32
        %dma_wait3A_184 = tpu.memref_slice %arg6[%sub3A_179, %dma_wait3A_183] : memref<80x125xi32, #tpu.memory_space<vmem>> -> memref<1x125xi32, #tpu.memory_space<vmem>>
        %dma_wait3A_185 = tpu.memref_squeeze %dma_wait3A_184 : memref<1x125xi32, #tpu.memory_space<vmem>> -> memref<125xi32, #tpu.memory_space<vmem>>
        %dma_wait3A_186 = arith.constant 0 : i32
        %dma_wait3A_187 = arith.constant 0 : i32
        %dma_wait3A_188 = tpu.memref_slice %arg9[%dma_wait3A_186, %dma_wait3A_187] : memref<10240x16xf32, #tpu.memory_space<vmem_shared>> -> memref<10240x16xf32, #tpu.memory_space<vmem_shared>>
        %dma_wait3A_189 = tpu.memref_slice %arg11[%dma_wait3A] : memref<8x!tpu.dma_semaphore, #tpu.memory_space<semaphore_mem>> -> memref<1x!tpu.dma_semaphore, #tpu.memory_space<semaphore_mem>>
        %dma_wait3A_190 = tpu.memref_squeeze %dma_wait3A_189 : memref<1x!tpu.dma_semaphore, #tpu.memory_space<semaphore_mem>> -> memref<!tpu.dma_semaphore, #tpu.memory_space<semaphore_mem>>
        tpu.wait_indirect_dma semaphore(%dma_wait3A_190 : memref<!tpu.dma_semaphore, #tpu.memory_space<semaphore_mem>>) src(%dma_wait3A_182 : memref<125x16xf32, #tpu.memory_space<vmem>>) dst(%dma_wait3A_188 : memref<10240x16xf32, #tpu.memory_space<vmem_shared>>)
      } else {
      }
      %lt3A_66 = arith.constant 80 : i32
      %lt3A_67 = arith.cmpi slt, %add3A_60, %lt3A_66 : i32
      %convert_element_type3A_68 = arith.extui %lt3A_67 : i1 to i32
      %cond3A_69 = arith.constant 0 : i32
      %cond3A_70 = arith.cmpi ne, %convert_element_type3A_68, %cond3A_69 : i32
      scf.if %cond3A_70 {
        %dma_start3A = arith.constant 2 : i32
        %dma_start3A_179 = arith.constant 250 : i32
        %dma_start3A_180 = arith.constant 0 : i32
        %dma_start3A_181 = tpu.memref_slice %arg7[%dma_start3A_179, %dma_start3A_180] : memref<1000x16xf32, #tpu.memory_space<vmem>> -> memref<125x16xf32, #tpu.memory_space<vmem>>
        %dma_start3A_182 = arith.constant 0 : i32
        %dma_start3A_183 = tpu.memref_slice %arg5[%add3A_60, %dma_start3A_182] : memref<80x125xi32, #tpu.memory_space<vmem>> -> memref<1x125xi32, #tpu.memory_space<vmem>>
        %dma_start3A_184 = tpu.memref_squeeze %dma_start3A_183 : memref<1x125xi32, #tpu.memory_space<vmem>> -> memref<125xi32, #tpu.memory_space<vmem>>
        %dma_start3A_185 = arith.constant 0 : i32
        %dma_start3A_186 = arith.constant 0 : i32
        %dma_start3A_187 = tpu.memref_slice %arg2[%dma_start3A_185, %dma_start3A_186] : memref<10000x16xf32, #tpu.memory_space<hbm>> -> memref<10000x16xf32, #tpu.memory_space<hbm>>
        %dma_start3A_188 = tpu.memref_slice %arg10[%dma_start3A] : memref<8x!tpu.dma_semaphore, #tpu.memory_space<semaphore_mem>> -> memref<1x!tpu.dma_semaphore, #tpu.memory_space<semaphore_mem>>
        %dma_start3A_189 = tpu.memref_squeeze %dma_start3A_188 : memref<1x!tpu.dma_semaphore, #tpu.memory_space<semaphore_mem>> -> memref<!tpu.dma_semaphore, #tpu.memory_space<semaphore_mem>>
        tpu.enqueue_indirect_dma source(%dma_start3A_187 : memref<10000x16xf32, #tpu.memory_space<hbm>>) target(%dma_start3A_181 : memref<125x16xf32, #tpu.memory_space<vmem>>) offsets(%dma_start3A_184 : memref<125xi32, #tpu.memory_space<vmem>>) semaphore(%dma_start3A_189 : memref<!tpu.dma_semaphore, #tpu.memory_space<semaphore_mem>>)
      } else {
      }
      %ge3A_71 = arith.constant 4 : i32
      %ge3A_72 = arith.cmpi sge, %add3A_60, %ge3A_71 : i32
      %lt3A_73 = arith.constant 84 : i32
      %lt3A_74 = arith.cmpi slt, %add3A_60, %lt3A_73 : i32
      %and3A_75 = arith.andi %ge3A_72, %lt3A_74 : i1
      %convert_element_type3A_76 = arith.extui %and3A_75 : i1 to i32
      %cond3A_77 = arith.constant 0 : i32
      %cond3A_78 = arith.cmpi ne, %convert_element_type3A_76, %cond3A_77 : i32
      scf.if %cond3A_78 {
        %sub3A = arith.constant 4 : i32
        %sub3A_179 = arith.subi %add3A_60, %sub3A : i32
        %dma_wait3A = arith.constant 6 : i32
        %dma_wait3A_180 = arith.constant 750 : i32
        %dma_wait3A_181 = arith.constant 0 : i32
        %dma_wait3A_182 = tpu.memref_slice %arg7[%dma_wait3A_180, %dma_wait3A_181] : memref<1000x16xf32, #tpu.memory_space<vmem>> -> memref<125x16xf32, #tpu.memory_space<vmem>>
        %dma_wait3A_183 = arith.constant 0 : i32
        %dma_wait3A_184 = tpu.memref_slice %arg5[%sub3A_179, %dma_wait3A_183] : memref<80x125xi32, #tpu.memory_space<vmem>> -> memref<1x125xi32, #tpu.memory_space<vmem>>
        %dma_wait3A_185 = tpu.memref_squeeze %dma_wait3A_184 : memref<1x125xi32, #tpu.memory_space<vmem>> -> memref<125xi32, #tpu.memory_space<vmem>>
        %dma_wait3A_186 = arith.constant 0 : i32
        %dma_wait3A_187 = arith.constant 0 : i32
        %dma_wait3A_188 = tpu.memref_slice %arg2[%dma_wait3A_186, %dma_wait3A_187] : memref<10000x16xf32, #tpu.memory_space<hbm>> -> memref<10000x16xf32, #tpu.memory_space<hbm>>
        %dma_wait3A_189 = tpu.memref_slice %arg10[%dma_wait3A] : memref<8x!tpu.dma_semaphore, #tpu.memory_space<semaphore_mem>> -> memref<1x!tpu.dma_semaphore, #tpu.memory_space<semaphore_mem>>
        %dma_wait3A_190 = tpu.memref_squeeze %dma_wait3A_189 : memref<1x!tpu.dma_semaphore, #tpu.memory_space<semaphore_mem>> -> memref<!tpu.dma_semaphore, #tpu.memory_space<semaphore_mem>>
        tpu.wait_indirect_dma semaphore(%dma_wait3A_190 : memref<!tpu.dma_semaphore, #tpu.memory_space<semaphore_mem>>) src(%dma_wait3A_188 : memref<10000x16xf32, #tpu.memory_space<hbm>>) dst(%dma_wait3A_182 : memref<125x16xf32, #tpu.memory_space<vmem>>)
        %sub3A_191 = arith.constant 4 : i32
        %sub3A_192 = arith.subi %add3A_60, %sub3A_191 : i32
        %dma_start3A = arith.constant 6 : i32
        %dma_start3A_193 = arith.constant 750 : i32
        %dma_start3A_194 = arith.constant 0 : i32
        %dma_start3A_195 = tpu.memref_slice %arg7[%dma_start3A_193, %dma_start3A_194] : memref<1000x16xf32, #tpu.memory_space<vmem>> -> memref<125x16xf32, #tpu.memory_space<vmem>>
        %dma_start3A_196 = arith.constant 0 : i32
        %dma_start3A_197 = tpu.memref_slice %arg6[%sub3A_192, %dma_start3A_196] : memref<80x125xi32, #tpu.memory_space<vmem>> -> memref<1x125xi32, #tpu.memory_space<vmem>>
        %dma_start3A_198 = tpu.memref_squeeze %dma_start3A_197 : memref<1x125xi32, #tpu.memory_space<vmem>> -> memref<125xi32, #tpu.memory_space<vmem>>
        %dma_start3A_199 = arith.constant 0 : i32
        %dma_start3A_200 = arith.constant 0 : i32
        %dma_start3A_201 = tpu.memref_slice %arg9[%dma_start3A_199, %dma_start3A_200] : memref<10240x16xf32, #tpu.memory_space<vmem_shared>> -> memref<10240x16xf32, #tpu.memory_space<vmem_shared>>
        %dma_start3A_202 = tpu.memref_slice %arg11[%dma_start3A] : memref<8x!tpu.dma_semaphore, #tpu.memory_space<semaphore_mem>> -> memref<1x!tpu.dma_semaphore, #tpu.memory_space<semaphore_mem>>
        %dma_start3A_203 = tpu.memref_squeeze %dma_start3A_202 : memref<1x!tpu.dma_semaphore, #tpu.memory_space<semaphore_mem>> -> memref<!tpu.dma_semaphore, #tpu.memory_space<semaphore_mem>>
        tpu.enqueue_indirect_dma source(%dma_start3A_195 : memref<125x16xf32, #tpu.memory_space<vmem>>) target(%dma_start3A_201 : memref<10240x16xf32, #tpu.memory_space<vmem_shared>>) offsets(%dma_start3A_198 : memref<125xi32, #tpu.memory_space<vmem>>) semaphore(%dma_start3A_203 : memref<!tpu.dma_semaphore, #tpu.memory_space<semaphore_mem>>) {add = true}
      } else {
      }
      %add3A_79 = arith.constant 3 : i32
      %add3A_80 = arith.addi %mul3A_23, %add3A_79 : i32
      %ge3A_81 = arith.constant 8 : i32
      %ge3A_82 = arith.cmpi sge, %add3A_80, %ge3A_81 : i32
      %convert_element_type3A_83 = arith.extui %ge3A_82 : i1 to i32
      %cond3A_84 = arith.constant 0 : i32
      %cond3A_85 = arith.cmpi ne, %convert_element_type3A_83, %cond3A_84 : i32
      scf.if %cond3A_85 {
        %sub3A = arith.constant 8 : i32
        %sub3A_179 = arith.subi %add3A_80, %sub3A : i32
        %dma_wait3A = arith.constant 3 : i32
        %dma_wait3A_180 = arith.constant 375 : i32
        %dma_wait3A_181 = arith.constant 0 : i32
        %dma_wait3A_182 = tpu.memref_slice %arg7[%dma_wait3A_180, %dma_wait3A_181] : memref<1000x16xf32, #tpu.memory_space<vmem>> -> memref<125x16xf32, #tpu.memory_space<vmem>>
        %dma_wait3A_183 = arith.constant 0 : i32
        %dma_wait3A_184 = tpu.memref_slice %arg6[%sub3A_179, %dma_wait3A_183] : memref<80x125xi32, #tpu.memory_space<vmem>> -> memref<1x125xi32, #tpu.memory_space<vmem>>
        %dma_wait3A_185 = tpu.memref_squeeze %dma_wait3A_184 : memref<1x125xi32, #tpu.memory_space<vmem>> -> memref<125xi32, #tpu.memory_space<vmem>>
        %dma_wait3A_186 = arith.constant 0 : i32
        %dma_wait3A_187 = arith.constant 0 : i32
        %dma_wait3A_188 = tpu.memref_slice %arg9[%dma_wait3A_186, %dma_wait3A_187] : memref<10240x16xf32, #tpu.memory_space<vmem_shared>> -> memref<10240x16xf32, #tpu.memory_space<vmem_shared>>
        %dma_wait3A_189 = tpu.memref_slice %arg11[%dma_wait3A] : memref<8x!tpu.dma_semaphore, #tpu.memory_space<semaphore_mem>> -> memref<1x!tpu.dma_semaphore, #tpu.memory_space<semaphore_mem>>
        %dma_wait3A_190 = tpu.memref_squeeze %dma_wait3A_189 : memref<1x!tpu.dma_semaphore, #tpu.memory_space<semaphore_mem>> -> memref<!tpu.dma_semaphore, #tpu.memory_space<semaphore_mem>>
        tpu.wait_indirect_dma semaphore(%dma_wait3A_190 : memref<!tpu.dma_semaphore, #tpu.memory_space<semaphore_mem>>) src(%dma_wait3A_182 : memref<125x16xf32, #tpu.memory_space<vmem>>) dst(%dma_wait3A_188 : memref<10240x16xf32, #tpu.memory_space<vmem_shared>>)
      } else {
      }
      %lt3A_86 = arith.constant 80 : i32
      %lt3A_87 = arith.cmpi slt, %add3A_80, %lt3A_86 : i32
      %convert_element_type3A_88 = arith.extui %lt3A_87 : i1 to i32
      %cond3A_89 = arith.constant 0 : i32
      %cond3A_90 = arith.cmpi ne, %convert_element_type3A_88, %cond3A_89 : i32
      scf.if %cond3A_90 {
        %dma_start3A = arith.constant 3 : i32
        %dma_start3A_179 = arith.constant 375 : i32
        %dma_start3A_180 = arith.constant 0 : i32
        %dma_start3A_181 = tpu.memref_slice %arg7[%dma_start3A_179, %dma_start3A_180] : memref<1000x16xf32, #tpu.memory_space<vmem>> -> memref<125x16xf32, #tpu.memory_space<vmem>>
        %dma_start3A_182 = arith.constant 0 : i32
        %dma_start3A_183 = tpu.memref_slice %arg5[%add3A_80, %dma_start3A_182] : memref<80x125xi32, #tpu.memory_space<vmem>> -> memref<1x125xi32, #tpu.memory_space<vmem>>
        %dma_start3A_184 = tpu.memref_squeeze %dma_start3A_183 : memref<1x125xi32, #tpu.memory_space<vmem>> -> memref<125xi32, #tpu.memory_space<vmem>>
        %dma_start3A_185 = arith.constant 0 : i32
        %dma_start3A_186 = arith.constant 0 : i32
        %dma_start3A_187 = tpu.memref_slice %arg2[%dma_start3A_185, %dma_start3A_186] : memref<10000x16xf32, #tpu.memory_space<hbm>> -> memref<10000x16xf32, #tpu.memory_space<hbm>>
        %dma_start3A_188 = tpu.memref_slice %arg10[%dma_start3A] : memref<8x!tpu.dma_semaphore, #tpu.memory_space<semaphore_mem>> -> memref<1x!tpu.dma_semaphore, #tpu.memory_space<semaphore_mem>>
        %dma_start3A_189 = tpu.memref_squeeze %dma_start3A_188 : memref<1x!tpu.dma_semaphore, #tpu.memory_space<semaphore_mem>> -> memref<!tpu.dma_semaphore, #tpu.memory_space<semaphore_mem>>
        tpu.enqueue_indirect_dma source(%dma_start3A_187 : memref<10000x16xf32, #tpu.memory_space<hbm>>) target(%dma_start3A_181 : memref<125x16xf32, #tpu.memory_space<vmem>>) offsets(%dma_start3A_184 : memref<125xi32, #tpu.memory_space<vmem>>) semaphore(%dma_start3A_189 : memref<!tpu.dma_semaphore, #tpu.memory_space<semaphore_mem>>)
      } else {
      }
      %ge3A_91 = arith.constant 4 : i32
      %ge3A_92 = arith.cmpi sge, %add3A_80, %ge3A_91 : i32
      %lt3A_93 = arith.constant 84 : i32
      %lt3A_94 = arith.cmpi slt, %add3A_80, %lt3A_93 : i32
      %and3A_95 = arith.andi %ge3A_92, %lt3A_94 : i1
      %convert_element_type3A_96 = arith.extui %and3A_95 : i1 to i32
      %cond3A_97 = arith.constant 0 : i32
      %cond3A_98 = arith.cmpi ne, %convert_element_type3A_96, %cond3A_97 : i32
      scf.if %cond3A_98 {
        %sub3A = arith.constant 4 : i32
        %sub3A_179 = arith.subi %add3A_80, %sub3A : i32
        %dma_wait3A = arith.constant 7 : i32
        %dma_wait3A_180 = arith.constant 875 : i32
        %dma_wait3A_181 = arith.constant 0 : i32
        %dma_wait3A_182 = tpu.memref_slice %arg7[%dma_wait3A_180, %dma_wait3A_181] : memref<1000x16xf32, #tpu.memory_space<vmem>> -> memref<125x16xf32, #tpu.memory_space<vmem>>
        %dma_wait3A_183 = arith.constant 0 : i32
        %dma_wait3A_184 = tpu.memref_slice %arg5[%sub3A_179, %dma_wait3A_183] : memref<80x125xi32, #tpu.memory_space<vmem>> -> memref<1x125xi32, #tpu.memory_space<vmem>>
        %dma_wait3A_185 = tpu.memref_squeeze %dma_wait3A_184 : memref<1x125xi32, #tpu.memory_space<vmem>> -> memref<125xi32, #tpu.memory_space<vmem>>
        %dma_wait3A_186 = arith.constant 0 : i32
        %dma_wait3A_187 = arith.constant 0 : i32
        %dma_wait3A_188 = tpu.memref_slice %arg2[%dma_wait3A_186, %dma_wait3A_187] : memref<10000x16xf32, #tpu.memory_space<hbm>> -> memref<10000x16xf32, #tpu.memory_space<hbm>>
        %dma_wait3A_189 = tpu.memref_slice %arg10[%dma_wait3A] : memref<8x!tpu.dma_semaphore, #tpu.memory_space<semaphore_mem>> -> memref<1x!tpu.dma_semaphore, #tpu.memory_space<semaphore_mem>>
        %dma_wait3A_190 = tpu.memref_squeeze %dma_wait3A_189 : memref<1x!tpu.dma_semaphore, #tpu.memory_space<semaphore_mem>> -> memref<!tpu.dma_semaphore, #tpu.memory_space<semaphore_mem>>
        tpu.wait_indirect_dma semaphore(%dma_wait3A_190 : memref<!tpu.dma_semaphore, #tpu.memory_space<semaphore_mem>>) src(%dma_wait3A_188 : memref<10000x16xf32, #tpu.memory_space<hbm>>) dst(%dma_wait3A_182 : memref<125x16xf32, #tpu.memory_space<vmem>>)
        %sub3A_191 = arith.constant 4 : i32
        %sub3A_192 = arith.subi %add3A_80, %sub3A_191 : i32
        %dma_start3A = arith.constant 7 : i32
        %dma_start3A_193 = arith.constant 875 : i32
        %dma_start3A_194 = arith.constant 0 : i32
        %dma_start3A_195 = tpu.memref_slice %arg7[%dma_start3A_193, %dma_start3A_194] : memref<1000x16xf32, #tpu.memory_space<vmem>> -> memref<125x16xf32, #tpu.memory_space<vmem>>
        %dma_start3A_196 = arith.constant 0 : i32
        %dma_start3A_197 = tpu.memref_slice %arg6[%sub3A_192, %dma_start3A_196] : memref<80x125xi32, #tpu.memory_space<vmem>> -> memref<1x125xi32, #tpu.memory_space<vmem>>
        %dma_start3A_198 = tpu.memref_squeeze %dma_start3A_197 : memref<1x125xi32, #tpu.memory_space<vmem>> -> memref<125xi32, #tpu.memory_space<vmem>>
        %dma_start3A_199 = arith.constant 0 : i32
        %dma_start3A_200 = arith.constant 0 : i32
        %dma_start3A_201 = tpu.memref_slice %arg9[%dma_start3A_199, %dma_start3A_200] : memref<10240x16xf32, #tpu.memory_space<vmem_shared>> -> memref<10240x16xf32, #tpu.memory_space<vmem_shared>>
        %dma_start3A_202 = tpu.memref_slice %arg11[%dma_start3A] : memref<8x!tpu.dma_semaphore, #tpu.memory_space<semaphore_mem>> -> memref<1x!tpu.dma_semaphore, #tpu.memory_space<semaphore_mem>>
        %dma_start3A_203 = tpu.memref_squeeze %dma_start3A_202 : memref<1x!tpu.dma_semaphore, #tpu.memory_space<semaphore_mem>> -> memref<!tpu.dma_semaphore, #tpu.memory_space<semaphore_mem>>
        tpu.enqueue_indirect_dma source(%dma_start3A_195 : memref<125x16xf32, #tpu.memory_space<vmem>>) target(%dma_start3A_201 : memref<10240x16xf32, #tpu.memory_space<vmem_shared>>) offsets(%dma_start3A_198 : memref<125xi32, #tpu.memory_space<vmem>>) semaphore(%dma_start3A_203 : memref<!tpu.dma_semaphore, #tpu.memory_space<semaphore_mem>>) {add = true}
      } else {
      }
      %add3A_99 = arith.constant 4 : i32
      %add3A_100 = arith.addi %mul3A_23, %add3A_99 : i32
      %ge3A_101 = arith.constant 8 : i32
      %ge3A_102 = arith.cmpi sge, %add3A_100, %ge3A_101 : i32
      %convert_element_type3A_103 = arith.extui %ge3A_102 : i1 to i32
      %cond3A_104 = arith.constant 0 : i32
      %cond3A_105 = arith.cmpi ne, %convert_element_type3A_103, %cond3A_104 : i32
      scf.if %cond3A_105 {
        %sub3A = arith.constant 8 : i32
        %sub3A_179 = arith.subi %add3A_100, %sub3A : i32
        %dma_wait3A = arith.constant 4 : i32
        %dma_wait3A_180 = arith.constant 500 : i32
        %dma_wait3A_181 = arith.constant 0 : i32
        %dma_wait3A_182 = tpu.memref_slice %arg7[%dma_wait3A_180, %dma_wait3A_181] : memref<1000x16xf32, #tpu.memory_space<vmem>> -> memref<125x16xf32, #tpu.memory_space<vmem>>
        %dma_wait3A_183 = arith.constant 0 : i32
        %dma_wait3A_184 = tpu.memref_slice %arg6[%sub3A_179, %dma_wait3A_183] : memref<80x125xi32, #tpu.memory_space<vmem>> -> memref<1x125xi32, #tpu.memory_space<vmem>>
        %dma_wait3A_185 = tpu.memref_squeeze %dma_wait3A_184 : memref<1x125xi32, #tpu.memory_space<vmem>> -> memref<125xi32, #tpu.memory_space<vmem>>
        %dma_wait3A_186 = arith.constant 0 : i32
        %dma_wait3A_187 = arith.constant 0 : i32
        %dma_wait3A_188 = tpu.memref_slice %arg9[%dma_wait3A_186, %dma_wait3A_187] : memref<10240x16xf32, #tpu.memory_space<vmem_shared>> -> memref<10240x16xf32, #tpu.memory_space<vmem_shared>>
        %dma_wait3A_189 = tpu.memref_slice %arg11[%dma_wait3A] : memref<8x!tpu.dma_semaphore, #tpu.memory_space<semaphore_mem>> -> memref<1x!tpu.dma_semaphore, #tpu.memory_space<semaphore_mem>>
        %dma_wait3A_190 = tpu.memref_squeeze %dma_wait3A_189 : memref<1x!tpu.dma_semaphore, #tpu.memory_space<semaphore_mem>> -> memref<!tpu.dma_semaphore, #tpu.memory_space<semaphore_mem>>
        tpu.wait_indirect_dma semaphore(%dma_wait3A_190 : memref<!tpu.dma_semaphore, #tpu.memory_space<semaphore_mem>>) src(%dma_wait3A_182 : memref<125x16xf32, #tpu.memory_space<vmem>>) dst(%dma_wait3A_188 : memref<10240x16xf32, #tpu.memory_space<vmem_shared>>)
      } else {
      }
      %lt3A_106 = arith.constant 80 : i32
      %lt3A_107 = arith.cmpi slt, %add3A_100, %lt3A_106 : i32
      %convert_element_type3A_108 = arith.extui %lt3A_107 : i1 to i32
      %cond3A_109 = arith.constant 0 : i32
      %cond3A_110 = arith.cmpi ne, %convert_element_type3A_108, %cond3A_109 : i32
      scf.if %cond3A_110 {
        %dma_start3A = arith.constant 4 : i32
        %dma_start3A_179 = arith.constant 500 : i32
        %dma_start3A_180 = arith.constant 0 : i32
        %dma_start3A_181 = tpu.memref_slice %arg7[%dma_start3A_179, %dma_start3A_180] : memref<1000x16xf32, #tpu.memory_space<vmem>> -> memref<125x16xf32, #tpu.memory_space<vmem>>
        %dma_start3A_182 = arith.constant 0 : i32
        %dma_start3A_183 = tpu.memref_slice %arg5[%add3A_100, %dma_start3A_182] : memref<80x125xi32, #tpu.memory_space<vmem>> -> memref<1x125xi32, #tpu.memory_space<vmem>>
        %dma_start3A_184 = tpu.memref_squeeze %dma_start3A_183 : memref<1x125xi32, #tpu.memory_space<vmem>> -> memref<125xi32, #tpu.memory_space<vmem>>
        %dma_start3A_185 = arith.constant 0 : i32
        %dma_start3A_186 = arith.constant 0 : i32
        %dma_start3A_187 = tpu.memref_slice %arg2[%dma_start3A_185, %dma_start3A_186] : memref<10000x16xf32, #tpu.memory_space<hbm>> -> memref<10000x16xf32, #tpu.memory_space<hbm>>
        %dma_start3A_188 = tpu.memref_slice %arg10[%dma_start3A] : memref<8x!tpu.dma_semaphore, #tpu.memory_space<semaphore_mem>> -> memref<1x!tpu.dma_semaphore, #tpu.memory_space<semaphore_mem>>
        %dma_start3A_189 = tpu.memref_squeeze %dma_start3A_188 : memref<1x!tpu.dma_semaphore, #tpu.memory_space<semaphore_mem>> -> memref<!tpu.dma_semaphore, #tpu.memory_space<semaphore_mem>>
        tpu.enqueue_indirect_dma source(%dma_start3A_187 : memref<10000x16xf32, #tpu.memory_space<hbm>>) target(%dma_start3A_181 : memref<125x16xf32, #tpu.memory_space<vmem>>) offsets(%dma_start3A_184 : memref<125xi32, #tpu.memory_space<vmem>>) semaphore(%dma_start3A_189 : memref<!tpu.dma_semaphore, #tpu.memory_space<semaphore_mem>>)
      } else {
      }
      %ge3A_111 = arith.constant 4 : i32
      %ge3A_112 = arith.cmpi sge, %add3A_100, %ge3A_111 : i32
      %lt3A_113 = arith.constant 84 : i32
      %lt3A_114 = arith.cmpi slt, %add3A_100, %lt3A_113 : i32
      %and3A_115 = arith.andi %ge3A_112, %lt3A_114 : i1
      %convert_element_type3A_116 = arith.extui %and3A_115 : i1 to i32
      %cond3A_117 = arith.constant 0 : i32
      %cond3A_118 = arith.cmpi ne, %convert_element_type3A_116, %cond3A_117 : i32
      scf.if %cond3A_118 {
        %sub3A = arith.constant 4 : i32
        %sub3A_179 = arith.subi %add3A_100, %sub3A : i32
        %dma_wait3A = arith.constant 0 : i32
        %dma_wait3A_180 = arith.constant 0 : i32
        %dma_wait3A_181 = arith.constant 0 : i32
        %dma_wait3A_182 = tpu.memref_slice %arg7[%dma_wait3A_180, %dma_wait3A_181] : memref<1000x16xf32, #tpu.memory_space<vmem>> -> memref<125x16xf32, #tpu.memory_space<vmem>>
        %dma_wait3A_183 = arith.constant 0 : i32
        %dma_wait3A_184 = tpu.memref_slice %arg5[%sub3A_179, %dma_wait3A_183] : memref<80x125xi32, #tpu.memory_space<vmem>> -> memref<1x125xi32, #tpu.memory_space<vmem>>
        %dma_wait3A_185 = tpu.memref_squeeze %dma_wait3A_184 : memref<1x125xi32, #tpu.memory_space<vmem>> -> memref<125xi32, #tpu.memory_space<vmem>>
        %dma_wait3A_186 = arith.constant 0 : i32
        %dma_wait3A_187 = arith.constant 0 : i32
        %dma_wait3A_188 = tpu.memref_slice %arg2[%dma_wait3A_186, %dma_wait3A_187] : memref<10000x16xf32, #tpu.memory_space<hbm>> -> memref<10000x16xf32, #tpu.memory_space<hbm>>
        %dma_wait3A_189 = tpu.memref_slice %arg10[%dma_wait3A] : memref<8x!tpu.dma_semaphore, #tpu.memory_space<semaphore_mem>> -> memref<1x!tpu.dma_semaphore, #tpu.memory_space<semaphore_mem>>
        %dma_wait3A_190 = tpu.memref_squeeze %dma_wait3A_189 : memref<1x!tpu.dma_semaphore, #tpu.memory_space<semaphore_mem>> -> memref<!tpu.dma_semaphore, #tpu.memory_space<semaphore_mem>>
        tpu.wait_indirect_dma semaphore(%dma_wait3A_190 : memref<!tpu.dma_semaphore, #tpu.memory_space<semaphore_mem>>) src(%dma_wait3A_188 : memref<10000x16xf32, #tpu.memory_space<hbm>>) dst(%dma_wait3A_182 : memref<125x16xf32, #tpu.memory_space<vmem>>)
        %sub3A_191 = arith.constant 4 : i32
        %sub3A_192 = arith.subi %add3A_100, %sub3A_191 : i32
        %dma_start3A = arith.constant 0 : i32
        %dma_start3A_193 = arith.constant 0 : i32
        %dma_start3A_194 = arith.constant 0 : i32
        %dma_start3A_195 = tpu.memref_slice %arg7[%dma_start3A_193, %dma_start3A_194] : memref<1000x16xf32, #tpu.memory_space<vmem>> -> memref<125x16xf32, #tpu.memory_space<vmem>>
        %dma_start3A_196 = arith.constant 0 : i32
        %dma_start3A_197 = tpu.memref_slice %arg6[%sub3A_192, %dma_start3A_196] : memref<80x125xi32, #tpu.memory_space<vmem>> -> memref<1x125xi32, #tpu.memory_space<vmem>>
        %dma_start3A_198 = tpu.memref_squeeze %dma_start3A_197 : memref<1x125xi32, #tpu.memory_space<vmem>> -> memref<125xi32, #tpu.memory_space<vmem>>
        %dma_start3A_199 = arith.constant 0 : i32
        %dma_start3A_200 = arith.constant 0 : i32
        %dma_start3A_201 = tpu.memref_slice %arg9[%dma_start3A_199, %dma_start3A_200] : memref<10240x16xf32, #tpu.memory_space<vmem_shared>> -> memref<10240x16xf32, #tpu.memory_space<vmem_shared>>
        %dma_start3A_202 = tpu.memref_slice %arg11[%dma_start3A] : memref<8x!tpu.dma_semaphore, #tpu.memory_space<semaphore_mem>> -> memref<1x!tpu.dma_semaphore, #tpu.memory_space<semaphore_mem>>
        %dma_start3A_203 = tpu.memref_squeeze %dma_start3A_202 : memref<1x!tpu.dma_semaphore, #tpu.memory_space<semaphore_mem>> -> memref<!tpu.dma_semaphore, #tpu.memory_space<semaphore_mem>>
        tpu.enqueue_indirect_dma source(%dma_start3A_195 : memref<125x16xf32, #tpu.memory_space<vmem>>) target(%dma_start3A_201 : memref<10240x16xf32, #tpu.memory_space<vmem_shared>>) offsets(%dma_start3A_198 : memref<125xi32, #tpu.memory_space<vmem>>) semaphore(%dma_start3A_203 : memref<!tpu.dma_semaphore, #tpu.memory_space<semaphore_mem>>) {add = true}
      } else {
      }
      %add3A_119 = arith.constant 5 : i32
      %add3A_120 = arith.addi %mul3A_23, %add3A_119 : i32
      %ge3A_121 = arith.constant 8 : i32
      %ge3A_122 = arith.cmpi sge, %add3A_120, %ge3A_121 : i32
      %convert_element_type3A_123 = arith.extui %ge3A_122 : i1 to i32
      %cond3A_124 = arith.constant 0 : i32
      %cond3A_125 = arith.cmpi ne, %convert_element_type3A_123, %cond3A_124 : i32
      scf.if %cond3A_125 {
        %sub3A = arith.constant 8 : i32
        %sub3A_179 = arith.subi %add3A_120, %sub3A : i32
        %dma_wait3A = arith.constant 5 : i32
        %dma_wait3A_180 = arith.constant 625 : i32
        %dma_wait3A_181 = arith.constant 0 : i32
        %dma_wait3A_182 = tpu.memref_slice %arg7[%dma_wait3A_180, %dma_wait3A_181] : memref<1000x16xf32, #tpu.memory_space<vmem>> -> memref<125x16xf32, #tpu.memory_space<vmem>>
        %dma_wait3A_183 = arith.constant 0 : i32
        %dma_wait3A_184 = tpu.memref_slice %arg6[%sub3A_179, %dma_wait3A_183] : memref<80x125xi32, #tpu.memory_space<vmem>> -> memref<1x125xi32, #tpu.memory_space<vmem>>
        %dma_wait3A_185 = tpu.memref_squeeze %dma_wait3A_184 : memref<1x125xi32, #tpu.memory_space<vmem>> -> memref<125xi32, #tpu.memory_space<vmem>>
        %dma_wait3A_186 = arith.constant 0 : i32
        %dma_wait3A_187 = arith.constant 0 : i32
        %dma_wait3A_188 = tpu.memref_slice %arg9[%dma_wait3A_186, %dma_wait3A_187] : memref<10240x16xf32, #tpu.memory_space<vmem_shared>> -> memref<10240x16xf32, #tpu.memory_space<vmem_shared>>
        %dma_wait3A_189 = tpu.memref_slice %arg11[%dma_wait3A] : memref<8x!tpu.dma_semaphore, #tpu.memory_space<semaphore_mem>> -> memref<1x!tpu.dma_semaphore, #tpu.memory_space<semaphore_mem>>
        %dma_wait3A_190 = tpu.memref_squeeze %dma_wait3A_189 : memref<1x!tpu.dma_semaphore, #tpu.memory_space<semaphore_mem>> -> memref<!tpu.dma_semaphore, #tpu.memory_space<semaphore_mem>>
        tpu.wait_indirect_dma semaphore(%dma_wait3A_190 : memref<!tpu.dma_semaphore, #tpu.memory_space<semaphore_mem>>) src(%dma_wait3A_182 : memref<125x16xf32, #tpu.memory_space<vmem>>) dst(%dma_wait3A_188 : memref<10240x16xf32, #tpu.memory_space<vmem_shared>>)
      } else {
      }
      %lt3A_126 = arith.constant 80 : i32
      %lt3A_127 = arith.cmpi slt, %add3A_120, %lt3A_126 : i32
      %convert_element_type3A_128 = arith.extui %lt3A_127 : i1 to i32
      %cond3A_129 = arith.constant 0 : i32
      %cond3A_130 = arith.cmpi ne, %convert_element_type3A_128, %cond3A_129 : i32
      scf.if %cond3A_130 {
        %dma_start3A = arith.constant 5 : i32
        %dma_start3A_179 = arith.constant 625 : i32
        %dma_start3A_180 = arith.constant 0 : i32
        %dma_start3A_181 = tpu.memref_slice %arg7[%dma_start3A_179, %dma_start3A_180] : memref<1000x16xf32, #tpu.memory_space<vmem>> -> memref<125x16xf32, #tpu.memory_space<vmem>>
        %dma_start3A_182 = arith.constant 0 : i32
        %dma_start3A_183 = tpu.memref_slice %arg5[%add3A_120, %dma_start3A_182] : memref<80x125xi32, #tpu.memory_space<vmem>> -> memref<1x125xi32, #tpu.memory_space<vmem>>
        %dma_start3A_184 = tpu.memref_squeeze %dma_start3A_183 : memref<1x125xi32, #tpu.memory_space<vmem>> -> memref<125xi32, #tpu.memory_space<vmem>>
        %dma_start3A_185 = arith.constant 0 : i32
        %dma_start3A_186 = arith.constant 0 : i32
        %dma_start3A_187 = tpu.memref_slice %arg2[%dma_start3A_185, %dma_start3A_186] : memref<10000x16xf32, #tpu.memory_space<hbm>> -> memref<10000x16xf32, #tpu.memory_space<hbm>>
        %dma_start3A_188 = tpu.memref_slice %arg10[%dma_start3A] : memref<8x!tpu.dma_semaphore, #tpu.memory_space<semaphore_mem>> -> memref<1x!tpu.dma_semaphore, #tpu.memory_space<semaphore_mem>>
        %dma_start3A_189 = tpu.memref_squeeze %dma_start3A_188 : memref<1x!tpu.dma_semaphore, #tpu.memory_space<semaphore_mem>> -> memref<!tpu.dma_semaphore, #tpu.memory_space<semaphore_mem>>
        tpu.enqueue_indirect_dma source(%dma_start3A_187 : memref<10000x16xf32, #tpu.memory_space<hbm>>) target(%dma_start3A_181 : memref<125x16xf32, #tpu.memory_space<vmem>>) offsets(%dma_start3A_184 : memref<125xi32, #tpu.memory_space<vmem>>) semaphore(%dma_start3A_189 : memref<!tpu.dma_semaphore, #tpu.memory_space<semaphore_mem>>)
      } else {
      }
      %ge3A_131 = arith.constant 4 : i32
      %ge3A_132 = arith.cmpi sge, %add3A_120, %ge3A_131 : i32
      %lt3A_133 = arith.constant 84 : i32
      %lt3A_134 = arith.cmpi slt, %add3A_120, %lt3A_133 : i32
      %and3A_135 = arith.andi %ge3A_132, %lt3A_134 : i1
      %convert_element_type3A_136 = arith.extui %and3A_135 : i1 to i32
      %cond3A_137 = arith.constant 0 : i32
      %cond3A_138 = arith.cmpi ne, %convert_element_type3A_136, %cond3A_137 : i32
      scf.if %cond3A_138 {
        %sub3A = arith.constant 4 : i32
        %sub3A_179 = arith.subi %add3A_120, %sub3A : i32
        %dma_wait3A = arith.constant 1 : i32
        %dma_wait3A_180 = arith.constant 125 : i32
        %dma_wait3A_181 = arith.constant 0 : i32
        %dma_wait3A_182 = tpu.memref_slice %arg7[%dma_wait3A_180, %dma_wait3A_181] : memref<1000x16xf32, #tpu.memory_space<vmem>> -> memref<125x16xf32, #tpu.memory_space<vmem>>
        %dma_wait3A_183 = arith.constant 0 : i32
        %dma_wait3A_184 = tpu.memref_slice %arg5[%sub3A_179, %dma_wait3A_183] : memref<80x125xi32, #tpu.memory_space<vmem>> -> memref<1x125xi32, #tpu.memory_space<vmem>>
        %dma_wait3A_185 = tpu.memref_squeeze %dma_wait3A_184 : memref<1x125xi32, #tpu.memory_space<vmem>> -> memref<125xi32, #tpu.memory_space<vmem>>
        %dma_wait3A_186 = arith.constant 0 : i32
        %dma_wait3A_187 = arith.constant 0 : i32
        %dma_wait3A_188 = tpu.memref_slice %arg2[%dma_wait3A_186, %dma_wait3A_187] : memref<10000x16xf32, #tpu.memory_space<hbm>> -> memref<10000x16xf32, #tpu.memory_space<hbm>>
        %dma_wait3A_189 = tpu.memref_slice %arg10[%dma_wait3A] : memref<8x!tpu.dma_semaphore, #tpu.memory_space<semaphore_mem>> -> memref<1x!tpu.dma_semaphore, #tpu.memory_space<semaphore_mem>>
        %dma_wait3A_190 = tpu.memref_squeeze %dma_wait3A_189 : memref<1x!tpu.dma_semaphore, #tpu.memory_space<semaphore_mem>> -> memref<!tpu.dma_semaphore, #tpu.memory_space<semaphore_mem>>
        tpu.wait_indirect_dma semaphore(%dma_wait3A_190 : memref<!tpu.dma_semaphore, #tpu.memory_space<semaphore_mem>>) src(%dma_wait3A_188 : memref<10000x16xf32, #tpu.memory_space<hbm>>) dst(%dma_wait3A_182 : memref<125x16xf32, #tpu.memory_space<vmem>>)
        %sub3A_191 = arith.constant 4 : i32
        %sub3A_192 = arith.subi %add3A_120, %sub3A_191 : i32
        %dma_start3A = arith.constant 1 : i32
        %dma_start3A_193 = arith.constant 125 : i32
        %dma_start3A_194 = arith.constant 0 : i32
        %dma_start3A_195 = tpu.memref_slice %arg7[%dma_start3A_193, %dma_start3A_194] : memref<1000x16xf32, #tpu.memory_space<vmem>> -> memref<125x16xf32, #tpu.memory_space<vmem>>
        %dma_start3A_196 = arith.constant 0 : i32
        %dma_start3A_197 = tpu.memref_slice %arg6[%sub3A_192, %dma_start3A_196] : memref<80x125xi32, #tpu.memory_space<vmem>> -> memref<1x125xi32, #tpu.memory_space<vmem>>
        %dma_start3A_198 = tpu.memref_squeeze %dma_start3A_197 : memref<1x125xi32, #tpu.memory_space<vmem>> -> memref<125xi32, #tpu.memory_space<vmem>>
        %dma_start3A_199 = arith.constant 0 : i32
        %dma_start3A_200 = arith.constant 0 : i32
        %dma_start3A_201 = tpu.memref_slice %arg9[%dma_start3A_199, %dma_start3A_200] : memref<10240x16xf32, #tpu.memory_space<vmem_shared>> -> memref<10240x16xf32, #tpu.memory_space<vmem_shared>>
        %dma_start3A_202 = tpu.memref_slice %arg11[%dma_start3A] : memref<8x!tpu.dma_semaphore, #tpu.memory_space<semaphore_mem>> -> memref<1x!tpu.dma_semaphore, #tpu.memory_space<semaphore_mem>>
        %dma_start3A_203 = tpu.memref_squeeze %dma_start3A_202 : memref<1x!tpu.dma_semaphore, #tpu.memory_space<semaphore_mem>> -> memref<!tpu.dma_semaphore, #tpu.memory_space<semaphore_mem>>
        tpu.enqueue_indirect_dma source(%dma_start3A_195 : memref<125x16xf32, #tpu.memory_space<vmem>>) target(%dma_start3A_201 : memref<10240x16xf32, #tpu.memory_space<vmem_shared>>) offsets(%dma_start3A_198 : memref<125xi32, #tpu.memory_space<vmem>>) semaphore(%dma_start3A_203 : memref<!tpu.dma_semaphore, #tpu.memory_space<semaphore_mem>>) {add = true}
      } else {
      }
      %add3A_139 = arith.constant 6 : i32
      %add3A_140 = arith.addi %mul3A_23, %add3A_139 : i32
      %ge3A_141 = arith.constant 8 : i32
      %ge3A_142 = arith.cmpi sge, %add3A_140, %ge3A_141 : i32
      %convert_element_type3A_143 = arith.extui %ge3A_142 : i1 to i32
      %cond3A_144 = arith.constant 0 : i32
      %cond3A_145 = arith.cmpi ne, %convert_element_type3A_143, %cond3A_144 : i32
      scf.if %cond3A_145 {
        %sub3A = arith.constant 8 : i32
        %sub3A_179 = arith.subi %add3A_140, %sub3A : i32
        %dma_wait3A = arith.constant 6 : i32
        %dma_wait3A_180 = arith.constant 750 : i32
        %dma_wait3A_181 = arith.constant 0 : i32
        %dma_wait3A_182 = tpu.memref_slice %arg7[%dma_wait3A_180, %dma_wait3A_181] : memref<1000x16xf32, #tpu.memory_space<vmem>> -> memref<125x16xf32, #tpu.memory_space<vmem>>
        %dma_wait3A_183 = arith.constant 0 : i32
        %dma_wait3A_184 = tpu.memref_slice %arg6[%sub3A_179, %dma_wait3A_183] : memref<80x125xi32, #tpu.memory_space<vmem>> -> memref<1x125xi32, #tpu.memory_space<vmem>>
        %dma_wait3A_185 = tpu.memref_squeeze %dma_wait3A_184 : memref<1x125xi32, #tpu.memory_space<vmem>> -> memref<125xi32, #tpu.memory_space<vmem>>
        %dma_wait3A_186 = arith.constant 0 : i32
        %dma_wait3A_187 = arith.constant 0 : i32
        %dma_wait3A_188 = tpu.memref_slice %arg9[%dma_wait3A_186, %dma_wait3A_187] : memref<10240x16xf32, #tpu.memory_space<vmem_shared>> -> memref<10240x16xf32, #tpu.memory_space<vmem_shared>>
        %dma_wait3A_189 = tpu.memref_slice %arg11[%dma_wait3A] : memref<8x!tpu.dma_semaphore, #tpu.memory_space<semaphore_mem>> -> memref<1x!tpu.dma_semaphore, #tpu.memory_space<semaphore_mem>>
        %dma_wait3A_190 = tpu.memref_squeeze %dma_wait3A_189 : memref<1x!tpu.dma_semaphore, #tpu.memory_space<semaphore_mem>> -> memref<!tpu.dma_semaphore, #tpu.memory_space<semaphore_mem>>
        tpu.wait_indirect_dma semaphore(%dma_wait3A_190 : memref<!tpu.dma_semaphore, #tpu.memory_space<semaphore_mem>>) src(%dma_wait3A_182 : memref<125x16xf32, #tpu.memory_space<vmem>>) dst(%dma_wait3A_188 : memref<10240x16xf32, #tpu.memory_space<vmem_shared>>)
      } else {
      }
      %lt3A_146 = arith.constant 80 : i32
      %lt3A_147 = arith.cmpi slt, %add3A_140, %lt3A_146 : i32
      %convert_element_type3A_148 = arith.extui %lt3A_147 : i1 to i32
      %cond3A_149 = arith.constant 0 : i32
      %cond3A_150 = arith.cmpi ne, %convert_element_type3A_148, %cond3A_149 : i32
      scf.if %cond3A_150 {
        %dma_start3A = arith.constant 6 : i32
        %dma_start3A_179 = arith.constant 750 : i32
        %dma_start3A_180 = arith.constant 0 : i32
        %dma_start3A_181 = tpu.memref_slice %arg7[%dma_start3A_179, %dma_start3A_180] : memref<1000x16xf32, #tpu.memory_space<vmem>> -> memref<125x16xf32, #tpu.memory_space<vmem>>
        %dma_start3A_182 = arith.constant 0 : i32
        %dma_start3A_183 = tpu.memref_slice %arg5[%add3A_140, %dma_start3A_182] : memref<80x125xi32, #tpu.memory_space<vmem>> -> memref<1x125xi32, #tpu.memory_space<vmem>>
        %dma_start3A_184 = tpu.memref_squeeze %dma_start3A_183 : memref<1x125xi32, #tpu.memory_space<vmem>> -> memref<125xi32, #tpu.memory_space<vmem>>
        %dma_start3A_185 = arith.constant 0 : i32
        %dma_start3A_186 = arith.constant 0 : i32
        %dma_start3A_187 = tpu.memref_slice %arg2[%dma_start3A_185, %dma_start3A_186] : memref<10000x16xf32, #tpu.memory_space<hbm>> -> memref<10000x16xf32, #tpu.memory_space<hbm>>
        %dma_start3A_188 = tpu.memref_slice %arg10[%dma_start3A] : memref<8x!tpu.dma_semaphore, #tpu.memory_space<semaphore_mem>> -> memref<1x!tpu.dma_semaphore, #tpu.memory_space<semaphore_mem>>
        %dma_start3A_189 = tpu.memref_squeeze %dma_start3A_188 : memref<1x!tpu.dma_semaphore, #tpu.memory_space<semaphore_mem>> -> memref<!tpu.dma_semaphore, #tpu.memory_space<semaphore_mem>>
        tpu.enqueue_indirect_dma source(%dma_start3A_187 : memref<10000x16xf32, #tpu.memory_space<hbm>>) target(%dma_start3A_181 : memref<125x16xf32, #tpu.memory_space<vmem>>) offsets(%dma_start3A_184 : memref<125xi32, #tpu.memory_space<vmem>>) semaphore(%dma_start3A_189 : memref<!tpu.dma_semaphore, #tpu.memory_space<semaphore_mem>>)
      } else {
      }
      %ge3A_151 = arith.constant 4 : i32
      %ge3A_152 = arith.cmpi sge, %add3A_140, %ge3A_151 : i32
      %lt3A_153 = arith.constant 84 : i32
      %lt3A_154 = arith.cmpi slt, %add3A_140, %lt3A_153 : i32
      %and3A_155 = arith.andi %ge3A_152, %lt3A_154 : i1
      %convert_element_type3A_156 = arith.extui %and3A_155 : i1 to i32
      %cond3A_157 = arith.constant 0 : i32
      %cond3A_158 = arith.cmpi ne, %convert_element_type3A_156, %cond3A_157 : i32
      scf.if %cond3A_158 {
        %sub3A = arith.constant 4 : i32
        %sub3A_179 = arith.subi %add3A_140, %sub3A : i32
        %dma_wait3A = arith.constant 2 : i32
        %dma_wait3A_180 = arith.constant 250 : i32
        %dma_wait3A_181 = arith.constant 0 : i32
        %dma_wait3A_182 = tpu.memref_slice %arg7[%dma_wait3A_180, %dma_wait3A_181] : memref<1000x16xf32, #tpu.memory_space<vmem>> -> memref<125x16xf32, #tpu.memory_space<vmem>>
        %dma_wait3A_183 = arith.constant 0 : i32
        %dma_wait3A_184 = tpu.memref_slice %arg5[%sub3A_179, %dma_wait3A_183] : memref<80x125xi32, #tpu.memory_space<vmem>> -> memref<1x125xi32, #tpu.memory_space<vmem>>
        %dma_wait3A_185 = tpu.memref_squeeze %dma_wait3A_184 : memref<1x125xi32, #tpu.memory_space<vmem>> -> memref<125xi32, #tpu.memory_space<vmem>>
        %dma_wait3A_186 = arith.constant 0 : i32
        %dma_wait3A_187 = arith.constant 0 : i32
        %dma_wait3A_188 = tpu.memref_slice %arg2[%dma_wait3A_186, %dma_wait3A_187] : memref<10000x16xf32, #tpu.memory_space<hbm>> -> memref<10000x16xf32, #tpu.memory_space<hbm>>
        %dma_wait3A_189 = tpu.memref_slice %arg10[%dma_wait3A] : memref<8x!tpu.dma_semaphore, #tpu.memory_space<semaphore_mem>> -> memref<1x!tpu.dma_semaphore, #tpu.memory_space<semaphore_mem>>
        %dma_wait3A_190 = tpu.memref_squeeze %dma_wait3A_189 : memref<1x!tpu.dma_semaphore, #tpu.memory_space<semaphore_mem>> -> memref<!tpu.dma_semaphore, #tpu.memory_space<semaphore_mem>>
        tpu.wait_indirect_dma semaphore(%dma_wait3A_190 : memref<!tpu.dma_semaphore, #tpu.memory_space<semaphore_mem>>) src(%dma_wait3A_188 : memref<10000x16xf32, #tpu.memory_space<hbm>>) dst(%dma_wait3A_182 : memref<125x16xf32, #tpu.memory_space<vmem>>)
        %sub3A_191 = arith.constant 4 : i32
        %sub3A_192 = arith.subi %add3A_140, %sub3A_191 : i32
        %dma_start3A = arith.constant 2 : i32
        %dma_start3A_193 = arith.constant 250 : i32
        %dma_start3A_194 = arith.constant 0 : i32
        %dma_start3A_195 = tpu.memref_slice %arg7[%dma_start3A_193, %dma_start3A_194] : memref<1000x16xf32, #tpu.memory_space<vmem>> -> memref<125x16xf32, #tpu.memory_space<vmem>>
        %dma_start3A_196 = arith.constant 0 : i32
        %dma_start3A_197 = tpu.memref_slice %arg6[%sub3A_192, %dma_start3A_196] : memref<80x125xi32, #tpu.memory_space<vmem>> -> memref<1x125xi32, #tpu.memory_space<vmem>>
        %dma_start3A_198 = tpu.memref_squeeze %dma_start3A_197 : memref<1x125xi32, #tpu.memory_space<vmem>> -> memref<125xi32, #tpu.memory_space<vmem>>
        %dma_start3A_199 = arith.constant 0 : i32
        %dma_start3A_200 = arith.constant 0 : i32
        %dma_start3A_201 = tpu.memref_slice %arg9[%dma_start3A_199, %dma_start3A_200] : memref<10240x16xf32, #tpu.memory_space<vmem_shared>> -> memref<10240x16xf32, #tpu.memory_space<vmem_shared>>
        %dma_start3A_202 = tpu.memref_slice %arg11[%dma_start3A] : memref<8x!tpu.dma_semaphore, #tpu.memory_space<semaphore_mem>> -> memref<1x!tpu.dma_semaphore, #tpu.memory_space<semaphore_mem>>
        %dma_start3A_203 = tpu.memref_squeeze %dma_start3A_202 : memref<1x!tpu.dma_semaphore, #tpu.memory_space<semaphore_mem>> -> memref<!tpu.dma_semaphore, #tpu.memory_space<semaphore_mem>>
        tpu.enqueue_indirect_dma source(%dma_start3A_195 : memref<125x16xf32, #tpu.memory_space<vmem>>) target(%dma_start3A_201 : memref<10240x16xf32, #tpu.memory_space<vmem_shared>>) offsets(%dma_start3A_198 : memref<125xi32, #tpu.memory_space<vmem>>) semaphore(%dma_start3A_203 : memref<!tpu.dma_semaphore, #tpu.memory_space<semaphore_mem>>) {add = true}
      } else {
      }
      %add3A_159 = arith.constant 7 : i32
      %add3A_160 = arith.addi %mul3A_23, %add3A_159 : i32
      %ge3A_161 = arith.constant 8 : i32
      %ge3A_162 = arith.cmpi sge, %add3A_160, %ge3A_161 : i32
      %convert_element_type3A_163 = arith.extui %ge3A_162 : i1 to i32
      %cond3A_164 = arith.constant 0 : i32
      %cond3A_165 = arith.cmpi ne, %convert_element_type3A_163, %cond3A_164 : i32
      scf.if %cond3A_165 {
        %sub3A = arith.constant 8 : i32
        %sub3A_179 = arith.subi %add3A_160, %sub3A : i32
        %dma_wait3A = arith.constant 7 : i32
        %dma_wait3A_180 = arith.constant 875 : i32
        %dma_wait3A_181 = arith.constant 0 : i32
        %dma_wait3A_182 = tpu.memref_slice %arg7[%dma_wait3A_180, %dma_wait3A_181] : memref<1000x16xf32, #tpu.memory_space<vmem>> -> memref<125x16xf32, #tpu.memory_space<vmem>>
        %dma_wait3A_183 = arith.constant 0 : i32
        %dma_wait3A_184 = tpu.memref_slice %arg6[%sub3A_179, %dma_wait3A_183] : memref<80x125xi32, #tpu.memory_space<vmem>> -> memref<1x125xi32, #tpu.memory_space<vmem>>
        %dma_wait3A_185 = tpu.memref_squeeze %dma_wait3A_184 : memref<1x125xi32, #tpu.memory_space<vmem>> -> memref<125xi32, #tpu.memory_space<vmem>>
        %dma_wait3A_186 = arith.constant 0 : i32
        %dma_wait3A_187 = arith.constant 0 : i32
        %dma_wait3A_188 = tpu.memref_slice %arg9[%dma_wait3A_186, %dma_wait3A_187] : memref<10240x16xf32, #tpu.memory_space<vmem_shared>> -> memref<10240x16xf32, #tpu.memory_space<vmem_shared>>
        %dma_wait3A_189 = tpu.memref_slice %arg11[%dma_wait3A] : memref<8x!tpu.dma_semaphore, #tpu.memory_space<semaphore_mem>> -> memref<1x!tpu.dma_semaphore, #tpu.memory_space<semaphore_mem>>
        %dma_wait3A_190 = tpu.memref_squeeze %dma_wait3A_189 : memref<1x!tpu.dma_semaphore, #tpu.memory_space<semaphore_mem>> -> memref<!tpu.dma_semaphore, #tpu.memory_space<semaphore_mem>>
        tpu.wait_indirect_dma semaphore(%dma_wait3A_190 : memref<!tpu.dma_semaphore, #tpu.memory_space<semaphore_mem>>) src(%dma_wait3A_182 : memref<125x16xf32, #tpu.memory_space<vmem>>) dst(%dma_wait3A_188 : memref<10240x16xf32, #tpu.memory_space<vmem_shared>>)
      } else {
      }
      %lt3A_166 = arith.constant 80 : i32
      %lt3A_167 = arith.cmpi slt, %add3A_160, %lt3A_166 : i32
      %convert_element_type3A_168 = arith.extui %lt3A_167 : i1 to i32
      %cond3A_169 = arith.constant 0 : i32
      %cond3A_170 = arith.cmpi ne, %convert_element_type3A_168, %cond3A_169 : i32
      scf.if %cond3A_170 {
        %dma_start3A = arith.constant 7 : i32
        %dma_start3A_179 = arith.constant 875 : i32
        %dma_start3A_180 = arith.constant 0 : i32
        %dma_start3A_181 = tpu.memref_slice %arg7[%dma_start3A_179, %dma_start3A_180] : memref<1000x16xf32, #tpu.memory_space<vmem>> -> memref<125x16xf32, #tpu.memory_space<vmem>>
        %dma_start3A_182 = arith.constant 0 : i32
        %dma_start3A_183 = tpu.memref_slice %arg5[%add3A_160, %dma_start3A_182] : memref<80x125xi32, #tpu.memory_space<vmem>> -> memref<1x125xi32, #tpu.memory_space<vmem>>
        %dma_start3A_184 = tpu.memref_squeeze %dma_start3A_183 : memref<1x125xi32, #tpu.memory_space<vmem>> -> memref<125xi32, #tpu.memory_space<vmem>>
        %dma_start3A_185 = arith.constant 0 : i32
        %dma_start3A_186 = arith.constant 0 : i32
        %dma_start3A_187 = tpu.memref_slice %arg2[%dma_start3A_185, %dma_start3A_186] : memref<10000x16xf32, #tpu.memory_space<hbm>> -> memref<10000x16xf32, #tpu.memory_space<hbm>>
        %dma_start3A_188 = tpu.memref_slice %arg10[%dma_start3A] : memref<8x!tpu.dma_semaphore, #tpu.memory_space<semaphore_mem>> -> memref<1x!tpu.dma_semaphore, #tpu.memory_space<semaphore_mem>>
        %dma_start3A_189 = tpu.memref_squeeze %dma_start3A_188 : memref<1x!tpu.dma_semaphore, #tpu.memory_space<semaphore_mem>> -> memref<!tpu.dma_semaphore, #tpu.memory_space<semaphore_mem>>
        tpu.enqueue_indirect_dma source(%dma_start3A_187 : memref<10000x16xf32, #tpu.memory_space<hbm>>) target(%dma_start3A_181 : memref<125x16xf32, #tpu.memory_space<vmem>>) offsets(%dma_start3A_184 : memref<125xi32, #tpu.memory_space<vmem>>) semaphore(%dma_start3A_189 : memref<!tpu.dma_semaphore, #tpu.memory_space<semaphore_mem>>)
      } else {
      }
      %ge3A_171 = arith.constant 4 : i32
      %ge3A_172 = arith.cmpi sge, %add3A_160, %ge3A_171 : i32
      %lt3A_173 = arith.constant 84 : i32
      %lt3A_174 = arith.cmpi slt, %add3A_160, %lt3A_173 : i32
      %and3A_175 = arith.andi %ge3A_172, %lt3A_174 : i1
      %convert_element_type3A_176 = arith.extui %and3A_175 : i1 to i32
      %cond3A_177 = arith.constant 0 : i32
      %cond3A_178 = arith.cmpi ne, %convert_element_type3A_176, %cond3A_177 : i32
      scf.if %cond3A_178 {
        %sub3A = arith.constant 4 : i32
        %sub3A_179 = arith.subi %add3A_160, %sub3A : i32
        %dma_wait3A = arith.constant 3 : i32
        %dma_wait3A_180 = arith.constant 375 : i32
        %dma_wait3A_181 = arith.constant 0 : i32
        %dma_wait3A_182 = tpu.memref_slice %arg7[%dma_wait3A_180, %dma_wait3A_181] : memref<1000x16xf32, #tpu.memory_space<vmem>> -> memref<125x16xf32, #tpu.memory_space<vmem>>
        %dma_wait3A_183 = arith.constant 0 : i32
        %dma_wait3A_184 = tpu.memref_slice %arg5[%sub3A_179, %dma_wait3A_183] : memref<80x125xi32, #tpu.memory_space<vmem>> -> memref<1x125xi32, #tpu.memory_space<vmem>>
        %dma_wait3A_185 = tpu.memref_squeeze %dma_wait3A_184 : memref<1x125xi32, #tpu.memory_space<vmem>> -> memref<125xi32, #tpu.memory_space<vmem>>
        %dma_wait3A_186 = arith.constant 0 : i32
        %dma_wait3A_187 = arith.constant 0 : i32
        %dma_wait3A_188 = tpu.memref_slice %arg2[%dma_wait3A_186, %dma_wait3A_187] : memref<10000x16xf32, #tpu.memory_space<hbm>> -> memref<10000x16xf32, #tpu.memory_space<hbm>>
        %dma_wait3A_189 = tpu.memref_slice %arg10[%dma_wait3A] : memref<8x!tpu.dma_semaphore, #tpu.memory_space<semaphore_mem>> -> memref<1x!tpu.dma_semaphore, #tpu.memory_space<semaphore_mem>>
        %dma_wait3A_190 = tpu.memref_squeeze %dma_wait3A_189 : memref<1x!tpu.dma_semaphore, #tpu.memory_space<semaphore_mem>> -> memref<!tpu.dma_semaphore, #tpu.memory_space<semaphore_mem>>
        tpu.wait_indirect_dma semaphore(%dma_wait3A_190 : memref<!tpu.dma_semaphore, #tpu.memory_space<semaphore_mem>>) src(%dma_wait3A_188 : memref<10000x16xf32, #tpu.memory_space<hbm>>) dst(%dma_wait3A_182 : memref<125x16xf32, #tpu.memory_space<vmem>>)
        %sub3A_191 = arith.constant 4 : i32
        %sub3A_192 = arith.subi %add3A_160, %sub3A_191 : i32
        %dma_start3A = arith.constant 3 : i32
        %dma_start3A_193 = arith.constant 375 : i32
        %dma_start3A_194 = arith.constant 0 : i32
        %dma_start3A_195 = tpu.memref_slice %arg7[%dma_start3A_193, %dma_start3A_194] : memref<1000x16xf32, #tpu.memory_space<vmem>> -> memref<125x16xf32, #tpu.memory_space<vmem>>
        %dma_start3A_196 = arith.constant 0 : i32
        %dma_start3A_197 = tpu.memref_slice %arg6[%sub3A_192, %dma_start3A_196] : memref<80x125xi32, #tpu.memory_space<vmem>> -> memref<1x125xi32, #tpu.memory_space<vmem>>
        %dma_start3A_198 = tpu.memref_squeeze %dma_start3A_197 : memref<1x125xi32, #tpu.memory_space<vmem>> -> memref<125xi32, #tpu.memory_space<vmem>>
        %dma_start3A_199 = arith.constant 0 : i32
        %dma_start3A_200 = arith.constant 0 : i32
        %dma_start3A_201 = tpu.memref_slice %arg9[%dma_start3A_199, %dma_start3A_200] : memref<10240x16xf32, #tpu.memory_space<vmem_shared>> -> memref<10240x16xf32, #tpu.memory_space<vmem_shared>>
        %dma_start3A_202 = tpu.memref_slice %arg11[%dma_start3A] : memref<8x!tpu.dma_semaphore, #tpu.memory_space<semaphore_mem>> -> memref<1x!tpu.dma_semaphore, #tpu.memory_space<semaphore_mem>>
        %dma_start3A_203 = tpu.memref_squeeze %dma_start3A_202 : memref<1x!tpu.dma_semaphore, #tpu.memory_space<semaphore_mem>> -> memref<!tpu.dma_semaphore, #tpu.memory_space<semaphore_mem>>
        tpu.enqueue_indirect_dma source(%dma_start3A_195 : memref<125x16xf32, #tpu.memory_space<vmem>>) target(%dma_start3A_201 : memref<10240x16xf32, #tpu.memory_space<vmem_shared>>) offsets(%dma_start3A_198 : memref<125xi32, #tpu.memory_space<vmem>>) semaphore(%dma_start3A_203 : memref<!tpu.dma_semaphore, #tpu.memory_space<semaphore_mem>>) {add = true}
      } else {
      }
    }
    %scan3A_15 = arith.constant 11 : i32
    %barrier3A_16 = arith.constant 0 : index
    tpu.barrier barrier_id(%barrier3A_16)
    %mul3A_17 = arith.constant 640 : i32
    %mul3A_18 = arith.muli %arg1, %mul3A_17 : i32
    "tpu.region"() ({
      %run_scoped3A_21 = tpu.sem_alloc : memref<!tpu.dma_semaphore, #tpu.memory_space<semaphore_mem>>
      %dma_start3A = arith.constant 0 : i32
      %dma_start3A_22 = tpu.memref_slice %arg9[%mul3A_18, %dma_start3A] : memref<10240x16xf32, #tpu.memory_space<vmem_shared>> -> memref<640x16xf32, #tpu.memory_space<vmem_shared>>
      %dma_start3A_23 = arith.constant 0 : i32
      %dma_start3A_24 = tpu.memref_slice %arg9[%mul3A_18, %dma_start3A_23] : memref<10240x16xf32, #tpu.memory_space<vmem_shared>> -> memref<640x16xf32, #tpu.memory_space<vmem_shared>>
      tpu.enqueue_dma source(%dma_start3A_24 : memref<640x16xf32, #tpu.memory_space<vmem_shared>>) target(%arg8 : memref<640x16xf32, #tpu.memory_space<vmem>>) target_semaphore(%run_scoped3A_21 : memref<!tpu.dma_semaphore, #tpu.memory_space<semaphore_mem>>)
      %dma_wait3A = arith.constant 0 : i32
      %dma_wait3A_25 = tpu.memref_slice %arg9[%mul3A_18, %dma_wait3A] : memref<10240x16xf32, #tpu.memory_space<vmem_shared>> -> memref<640x16xf32, #tpu.memory_space<vmem_shared>>
      %dma_wait3A_26 = arith.constant 0 : i32
      %dma_wait3A_27 = tpu.memref_slice %arg9[%mul3A_18, %dma_wait3A_26] : memref<10240x16xf32, #tpu.memory_space<vmem_shared>> -> memref<640x16xf32, #tpu.memory_space<vmem_shared>>
      tpu.wait_dma2 semaphore(%run_scoped3A_21 : memref<!tpu.dma_semaphore, #tpu.memory_space<semaphore_mem>>) src(%dma_wait3A_27 : memref<640x16xf32, #tpu.memory_space<vmem_shared>>) dst(%arg8 : memref<640x16xf32, #tpu.memory_space<vmem>>)
      tpu.yield
    }) : () -> ()
    %mul3A_19 = arith.constant 640 : i32
    %mul3A_20 = arith.muli %arg1, %mul3A_19 : i32
    "tpu.region"() ({
      %run_scoped3A_21 = tpu.sem_alloc : memref<!tpu.dma_semaphore, #tpu.memory_space<semaphore_mem>>
      %dma_start3A = arith.constant 0 : i32
      %dma_start3A_22 = tpu.memref_slice %arg4[%arg0, %mul3A_20, %dma_start3A] : memref<2x10240x16xf32, #tpu.memory_space<hbm>> -> memref<1x640x16xf32, #tpu.memory_space<hbm>>
      %dma_start3A_23 = tpu.memref_squeeze %dma_start3A_22 : memref<1x640x16xf32, #tpu.memory_space<hbm>> -> memref<640x16xf32, #tpu.memory_space<hbm>>
      %dma_start3A_24 = arith.constant 0 : i32
      %dma_start3A_25 = tpu.memref_slice %arg4[%arg0, %mul3A_20, %dma_start3A_24] : memref<2x10240x16xf32, #tpu.memory_space<hbm>> -> memref<1x640x16xf32, #tpu.memory_space<hbm>>
      %dma_start3A_26 = tpu.memref_squeeze %dma_start3A_25 : memref<1x640x16xf32, #tpu.memory_space<hbm>> -> memref<640x16xf32, #tpu.memory_space<hbm>>
      tpu.enqueue_dma source(%arg8 : memref<640x16xf32, #tpu.memory_space<vmem>>) target(%dma_start3A_26 : memref<640x16xf32, #tpu.memory_space<hbm>>) target_semaphore(%run_scoped3A_21 : memref<!tpu.dma_semaphore, #tpu.memory_space<semaphore_mem>>)
      %dma_wait3A = arith.constant 0 : i32
      %dma_wait3A_27 = tpu.memref_slice %arg4[%arg0, %mul3A_20, %dma_wait3A] : memref<2x10240x16xf32, #tpu.memory_space<hbm>> -> memref<1x640x16xf32, #tpu.memory_space<hbm>>
      %dma_wait3A_28 = tpu.memref_squeeze %dma_wait3A_27 : memref<1x640x16xf32, #tpu.memory_space<hbm>> -> memref<640x16xf32, #tpu.memory_space<hbm>>
      %dma_wait3A_29 = arith.constant 0 : i32
      %dma_wait3A_30 = tpu.memref_slice %arg4[%arg0, %mul3A_20, %dma_wait3A_29] : memref<2x10240x16xf32, #tpu.memory_space<hbm>> -> memref<1x640x16xf32, #tpu.memory_space<hbm>>
      %dma_wait3A_31 = tpu.memref_squeeze %dma_wait3A_30 : memref<1x640x16xf32, #tpu.memory_space<hbm>> -> memref<640x16xf32, #tpu.memory_space<hbm>>
      tpu.wait_dma2 semaphore(%run_scoped3A_21 : memref<!tpu.dma_semaphore, #tpu.memory_space<semaphore_mem>>) src(%arg8 : memref<640x16xf32, #tpu.memory_space<vmem>>) dst(%dma_wait3A_31 : memref<640x16xf32, #tpu.memory_space<hbm>>)
      tpu.yield
    }) : () -> ()
    return
  }
}

#map = affine_map<(d0, d1) -> (0, 0)>
module attributes {stable_mosaic.version = 14 : i64} {
  func.func @_deg_kernel(%arg0: i32, %arg1: i32, %arg2: memref<2x320000xi32, #tpu.memory_space<hbm>>, %arg3: memref<32x10240xf32, #tpu.memory_space<hbm>>, %arg4: memref<10000xi32, #tpu.memory_space<vmem>>, %arg5: memref<10240xf32, #tpu.memory_space<vmem>>) attributes {dimension_semantics = [#tpu.dimension_semantics<core_parallel>, #tpu.dimension_semantics<subcore_parallel>], iteration_bounds = array<i64: 2, 16>, scalar_prefetch = 0 : i64, scratch_operands = 2 : i64, tpu.core_type = #tpu.core_type<sc_vector_subcore>, window_params = [{transform_indices = #map}, {transform_indices = #map}]} {
    %mul3A = arith.constant 16 : i32
    %mul3A_0 = arith.muli %arg0, %mul3A : i32
    %add3A = arith.addi %mul3A_0, %arg1 : i32
    %mul3A_1 = arith.constant 10000 : i32
    %mul3A_2 = arith.muli %add3A, %mul3A_1 : i32
    %run_scoped3A = arith.constant 1 : i32
    "tpu.region"() ({
      %run_scoped3A_17 = tpu.sem_alloc : memref<!tpu.dma_semaphore, #tpu.memory_space<semaphore_mem>>
      %dma_start3A = tpu.memref_slice %arg2[%run_scoped3A, %mul3A_2] : memref<2x320000xi32, #tpu.memory_space<hbm>> -> memref<1x10000xi32, #tpu.memory_space<hbm>>
      %dma_start3A_18 = tpu.memref_squeeze %dma_start3A : memref<1x10000xi32, #tpu.memory_space<hbm>> -> memref<10000xi32, #tpu.memory_space<hbm>>
      %dma_start3A_19 = tpu.memref_slice %arg2[%run_scoped3A, %mul3A_2] : memref<2x320000xi32, #tpu.memory_space<hbm>> -> memref<1x10000xi32, #tpu.memory_space<hbm>>
      %dma_start3A_20 = tpu.memref_squeeze %dma_start3A_19 : memref<1x10000xi32, #tpu.memory_space<hbm>> -> memref<10000xi32, #tpu.memory_space<hbm>>
      tpu.enqueue_dma source(%dma_start3A_20 : memref<10000xi32, #tpu.memory_space<hbm>>) target(%arg4 : memref<10000xi32, #tpu.memory_space<vmem>>) target_semaphore(%run_scoped3A_17 : memref<!tpu.dma_semaphore, #tpu.memory_space<semaphore_mem>>)
      %dma_wait3A = tpu.memref_slice %arg2[%run_scoped3A, %mul3A_2] : memref<2x320000xi32, #tpu.memory_space<hbm>> -> memref<1x10000xi32, #tpu.memory_space<hbm>>
      %dma_wait3A_21 = tpu.memref_squeeze %dma_wait3A : memref<1x10000xi32, #tpu.memory_space<hbm>> -> memref<10000xi32, #tpu.memory_space<hbm>>
      %dma_wait3A_22 = tpu.memref_slice %arg2[%run_scoped3A, %mul3A_2] : memref<2x320000xi32, #tpu.memory_space<hbm>> -> memref<1x10000xi32, #tpu.memory_space<hbm>>
      %dma_wait3A_23 = tpu.memref_squeeze %dma_wait3A_22 : memref<1x10000xi32, #tpu.memory_space<hbm>> -> memref<10000xi32, #tpu.memory_space<hbm>>
      tpu.wait_dma2 semaphore(%run_scoped3A_17 : memref<!tpu.dma_semaphore, #tpu.memory_space<semaphore_mem>>) src(%dma_wait3A_23 : memref<10000xi32, #tpu.memory_space<hbm>>) dst(%arg4 : memref<10000xi32, #tpu.memory_space<vmem>>)
      tpu.yield
    }) : () -> ()
    %broadcast_in_dim3A = arith.constant 0.000000e+00 : f32
    %broadcast_in_dim3A_3 = vector.broadcast %broadcast_in_dim3A : f32 to vector<16xf32>
    %broadcast_in_dim3A_4 = arith.constant 1.000000e+00 : f32
    %broadcast_in_dim3A_5 = vector.broadcast %broadcast_in_dim3A_4 : f32 to vector<16xf32>
    %scan3A = arith.constant 0 : i32
    %scan3A_6 = arith.constant 0 : i32
    %scan3A_7 = arith.constant 640 : i32
    %scan3A_8 = arith.addi %scan3A_6, %scan3A_7 : i32
    %scan3A_9 = arith.constant 1 : i32
    scf.for %scan3A_17 = %scan3A_6 to %scan3A_8 step %scan3A_9  : i32 {
      %mul3A_18 = arith.constant 16 : i32
      %mul3A_19 = arith.muli %scan3A_17, %mul3A_18 : i32
      %swap3A = arith.index_cast %mul3A_19 : i32 to index
      %swap3A_20 = tpu.vector_load %arg5[%swap3A] {strides = array<i32>} : memref<10240xf32, #tpu.memory_space<vmem>>, vector<16xf32>,
      tpu.vector_store %arg5[%swap3A], %broadcast_in_dim3A_3 {strides = array<i32>} : memref<10240xf32, #tpu.memory_space<vmem>>, vector<16xf32>,
    }
    %scan3A_10 = arith.constant 640 : i32
    %scan3A_11 = arith.constant 0 : i32
    %scan3A_12 = arith.constant 0 : i32
    %scan3A_13 = arith.constant 625 : i32
    %scan3A_14 = arith.addi %scan3A_12, %scan3A_13 : i32
    %scan3A_15 = arith.constant 1 : i32
    scf.for %scan3A_17 = %scan3A_12 to %scan3A_14 step %scan3A_15  : i32 {
      %mul3A_18 = arith.constant 16 : i32
      %mul3A_19 = arith.muli %scan3A_17, %mul3A_18 : i32
      %get3A = arith.index_cast %mul3A_19 : i32 to index
      %get3A_20 = tpu.vector_load %arg4[%get3A] {strides = array<i32>} : memref<10000xi32, #tpu.memory_space<vmem>>, vector<16xi32>,
      tpu.vector_store_idx %arg5[%get3A_20], %broadcast_in_dim3A_5 {add = true} : memref<10240xf32, #tpu.memory_space<vmem>>[vector<16xi32>], vector<16xf32>,
    }
    %scan3A_16 = arith.constant 625 : i32
    "tpu.region"() ({
      %run_scoped3A_17 = tpu.sem_alloc : memref<!tpu.dma_semaphore, #tpu.memory_space<semaphore_mem>>
      %dma_start3A = arith.constant 0 : i32
      %dma_start3A_18 = tpu.memref_slice %arg3[%add3A, %dma_start3A] : memref<32x10240xf32, #tpu.memory_space<hbm>> -> memref<1x10240xf32, #tpu.memory_space<hbm>>
      %dma_start3A_19 = tpu.memref_squeeze %dma_start3A_18 : memref<1x10240xf32, #tpu.memory_space<hbm>> -> memref<10240xf32, #tpu.memory_space<hbm>>
      %dma_start3A_20 = arith.constant 0 : i32
      %dma_start3A_21 = tpu.memref_slice %arg3[%add3A, %dma_start3A_20] : memref<32x10240xf32, #tpu.memory_space<hbm>> -> memref<1x10240xf32, #tpu.memory_space<hbm>>
      %dma_start3A_22 = tpu.memref_squeeze %dma_start3A_21 : memref<1x10240xf32, #tpu.memory_space<hbm>> -> memref<10240xf32, #tpu.memory_space<hbm>>
      tpu.enqueue_dma source(%arg5 : memref<10240xf32, #tpu.memory_space<vmem>>) target(%dma_start3A_22 : memref<10240xf32, #tpu.memory_space<hbm>>) target_semaphore(%run_scoped3A_17 : memref<!tpu.dma_semaphore, #tpu.memory_space<semaphore_mem>>)
      %dma_wait3A = arith.constant 0 : i32
      %dma_wait3A_23 = tpu.memref_slice %arg3[%add3A, %dma_wait3A] : memref<32x10240xf32, #tpu.memory_space<hbm>> -> memref<1x10240xf32, #tpu.memory_space<hbm>>
      %dma_wait3A_24 = tpu.memref_squeeze %dma_wait3A_23 : memref<1x10240xf32, #tpu.memory_space<hbm>> -> memref<10240xf32, #tpu.memory_space<hbm>>
      %dma_wait3A_25 = arith.constant 0 : i32
      %dma_wait3A_26 = tpu.memref_slice %arg3[%add3A, %dma_wait3A_25] : memref<32x10240xf32, #tpu.memory_space<hbm>> -> memref<1x10240xf32, #tpu.memory_space<hbm>>
      %dma_wait3A_27 = tpu.memref_squeeze %dma_wait3A_26 : memref<1x10240xf32, #tpu.memory_space<hbm>> -> memref<10240xf32, #tpu.memory_space<hbm>>
      tpu.wait_dma2 semaphore(%run_scoped3A_17 : memref<!tpu.dma_semaphore, #tpu.memory_space<semaphore_mem>>) src(%arg5 : memref<10240xf32, #tpu.memory_space<vmem>>) dst(%dma_wait3A_27 : memref<10240xf32, #tpu.memory_space<hbm>>)
      tpu.yield
    }) : () -> ()
    return
  }
}

module attributes {stable_mosaic.version = 14 : i64} {
  func.func @_tc1_body(%arg0: memref<10000x128xf32, #tpu.memory_space<vmem>>, %arg1: memref<128x16xf32, #tpu.memory_space<vmem>>, %arg2: memref<32x10240xf32, #tpu.memory_space<vmem>>, %arg3: memref<1250x128xf32, #tpu.memory_space<vmem>>, %arg4: memref<10000x1xf32, #tpu.memory_space<vmem>>) attributes {dimension_semantics = [], scalar_prefetch = 0 : i64, scratch_operands = 0 : i64, tpu.core_type = #tpu.core_type<tc>} {
    %get3A = arith.constant 0 : index
    %get3A_0 = arith.constant 0 : index
    %get3A_1 = vector.load %arg2[%get3A, %get3A_0] : memref<32x10240xf32, #tpu.memory_space<vmem>>, vector<32x10240xf32>
    %reduce_sum3A = arith.constant dense<0.000000e+00> : vector<10240xf32>
    %reduce_sum3A_2 = vector.multi_reduction <add>, %get3A_1, %reduce_sum3A [0] : vector<32x10240xf32> to vector<10240xf32>
    %slice3A = vector.extract_strided_slice %reduce_sum3A_2 {offsets = [0], sizes = [10000], strides = [1]} : vector<10240xf32> to vector<10000xf32>
    %broadcast_in_dim3A = vector.shape_cast %slice3A : vector<10000xf32> to vector<10000x1xf32>
    %add3A = arith.constant 1.000000e+00 : f32
    %add3A_3 = vector.broadcast %add3A : f32 to vector<10000x1xf32>
    %add3A_4 = arith.addf %broadcast_in_dim3A, %add3A_3 : vector<10000x1xf32>
    %rsqrt3A = math.rsqrt %add3A_4 : vector<10000x1xf32>
    %get3A_5 = arith.constant 0 : index
    %get3A_6 = arith.constant 0 : index
    %get3A_7 = vector.load %arg0[%get3A_5, %get3A_6] : memref<10000x128xf32, #tpu.memory_space<vmem>>, vector<10000x128xf32>
    %get3A_8 = arith.constant 0 : index
    %get3A_9 = arith.constant 0 : index
    %get3A_10 = vector.load %arg1[%get3A_8, %get3A_9] : memref<128x16xf32, #tpu.memory_space<vmem>>, vector<128x16xf32>
    %dot_general3A = arith.constant dense<0.000000e+00> : vector<10000x16xf32>
    %dot_general3A_11 = tpu.matmul %get3A_7, %get3A_10, %dot_general3A {dimension_numbers = #tpu.dot_dimension_numbers<[1], [0], [0], [1], [0, 0, 1, 1], [], []>, transpose_lhs_hint = false} : vector<10000x128xf32>, vector<128x16xf32>, vector<10000x16xf32> -> vector<10000x16xf32>
    %mul3A = vector.broadcast %rsqrt3A : vector<10000x1xf32> to vector<10000x16xf32>
    %mul3A_12 = arith.mulf %mul3A, %dot_general3A_11 : vector<10000x16xf32>
    %slice3A_13 = vector.extract_strided_slice %mul3A_12 {offsets = [0, 0], sizes = [1250, 16], strides = [1, 1]} : vector<10000x16xf32> to vector<1250x16xf32>
    %slice3A_14 = vector.extract_strided_slice %mul3A_12 {offsets = [1250, 0], sizes = [1250, 16], strides = [1, 1]} : vector<10000x16xf32> to vector<1250x16xf32>
    %slice3A_15 = vector.extract_strided_slice %mul3A_12 {offsets = [2500, 0], sizes = [1250, 16], strides = [1, 1]} : vector<10000x16xf32> to vector<1250x16xf32>
    %slice3A_16 = vector.extract_strided_slice %mul3A_12 {offsets = [3750, 0], sizes = [1250, 16], strides = [1, 1]} : vector<10000x16xf32> to vector<1250x16xf32>
    %slice3A_17 = vector.extract_strided_slice %mul3A_12 {offsets = [5000, 0], sizes = [1250, 16], strides = [1, 1]} : vector<10000x16xf32> to vector<1250x16xf32>
    %slice3A_18 = vector.extract_strided_slice %mul3A_12 {offsets = [6250, 0], sizes = [1250, 16], strides = [1, 1]} : vector<10000x16xf32> to vector<1250x16xf32>
    %slice3A_19 = vector.extract_strided_slice %mul3A_12 {offsets = [7500, 0], sizes = [1250, 16], strides = [1, 1]} : vector<10000x16xf32> to vector<1250x16xf32>
    %slice3A_20 = vector.extract_strided_slice %mul3A_12 {offsets = [8750, 0], sizes = [1250, 16], strides = [1, 1]} : vector<10000x16xf32> to vector<1250x16xf32>
    %concatenate3A = tpu.concatenate %slice3A_13, %slice3A_14, %slice3A_15, %slice3A_16, %slice3A_17, %slice3A_18, %slice3A_19, %slice3A_20 in 1 : vector<1250x16xf32>, vector<1250x16xf32>, vector<1250x16xf32>, vector<1250x16xf32>, vector<1250x16xf32>, vector<1250x16xf32>, vector<1250x16xf32>, vector<1250x16xf32> -> vector<1250x128xf32>
    %swap3A = arith.constant 0 : index
    %swap3A_21 = arith.constant 0 : index
    %swap3A_22 = vector.load %arg3[%swap3A, %swap3A_21] : memref<1250x128xf32, #tpu.memory_space<vmem>>, vector<1250x128xf32>
    tpu.vector_store %arg3[%swap3A, %swap3A_21], %concatenate3A {strides = array<i32>} : memref<1250x128xf32, #tpu.memory_space<vmem>>, vector<1250x128xf32>,
    %swap3A_23 = arith.constant 0 : index
    %swap3A_24 = arith.constant 0 : index
    %swap3A_25 = vector.load %arg4[%swap3A_23, %swap3A_24] : memref<10000x1xf32, #tpu.memory_space<vmem>>, vector<10000x1xf32>
    tpu.vector_store %arg4[%swap3A_23, %swap3A_24], %rsqrt3A {strides = array<i32>} : memref<10000x1xf32, #tpu.memory_space<vmem>>, vector<10000x1xf32>,
    return
  }
}

module attributes {stable_mosaic.version = 14 : i64} {
  func.func @_tc2_body(%arg0: memref<2x1280x128xf32, #tpu.memory_space<vmem>>, %arg1: memref<1250x128xf32, #tpu.memory_space<vmem>>, %arg2: memref<10000x1xf32, #tpu.memory_space<vmem>>, %arg3: memref<1x16xf32, #tpu.memory_space<vmem>>, %arg4: memref<16x16xf32, #tpu.memory_space<vmem>>, %arg5: memref<1250x128xf32, #tpu.memory_space<vmem>>) attributes {dimension_semantics = [], scalar_prefetch = 0 : i64, scratch_operands = 0 : i64, tpu.core_type = #tpu.core_type<tc>} {
    %get3A = arith.constant 0 : index
    %get3A_0 = arith.constant 0 : index
    %get3A_1 = arith.constant 0 : index
    %get3A_2 = vector.load %arg0[%get3A, %get3A_0, %get3A_1] : memref<2x1280x128xf32, #tpu.memory_space<vmem>>, vector<1x1250x128xf32>
    %get3A_3 = vector.shape_cast %get3A_2 : vector<1x1250x128xf32> to vector<1250x128xf32>
    %get3A_4 = arith.constant 1 : index
    %get3A_5 = arith.constant 0 : index
    %get3A_6 = arith.constant 0 : index
    %get3A_7 = vector.load %arg0[%get3A_4, %get3A_5, %get3A_6] : memref<2x1280x128xf32, #tpu.memory_space<vmem>>, vector<1x1250x128xf32>
    %get3A_8 = vector.shape_cast %get3A_7 : vector<1x1250x128xf32> to vector<1250x128xf32>
    %add3A = arith.addf %get3A_3, %get3A_8 : vector<1250x128xf32>
    %slice3A = vector.extract_strided_slice %add3A {offsets = [0, 0], sizes = [1250, 16], strides = [1, 1]} : vector<1250x128xf32> to vector<1250x16xf32>
    %slice3A_9 = vector.extract_strided_slice %add3A {offsets = [0, 16], sizes = [1250, 16], strides = [1, 1]} : vector<1250x128xf32> to vector<1250x16xf32>
    %slice3A_10 = vector.extract_strided_slice %add3A {offsets = [0, 32], sizes = [1250, 16], strides = [1, 1]} : vector<1250x128xf32> to vector<1250x16xf32>
    %slice3A_11 = vector.extract_strided_slice %add3A {offsets = [0, 48], sizes = [1250, 16], strides = [1, 1]} : vector<1250x128xf32> to vector<1250x16xf32>
    %slice3A_12 = vector.extract_strided_slice %add3A {offsets = [0, 64], sizes = [1250, 16], strides = [1, 1]} : vector<1250x128xf32> to vector<1250x16xf32>
    %slice3A_13 = vector.extract_strided_slice %add3A {offsets = [0, 80], sizes = [1250, 16], strides = [1, 1]} : vector<1250x128xf32> to vector<1250x16xf32>
    %slice3A_14 = vector.extract_strided_slice %add3A {offsets = [0, 96], sizes = [1250, 16], strides = [1, 1]} : vector<1250x128xf32> to vector<1250x16xf32>
    %slice3A_15 = vector.extract_strided_slice %add3A {offsets = [0, 112], sizes = [1250, 16], strides = [1, 1]} : vector<1250x128xf32> to vector<1250x16xf32>
    %concatenate3A = tpu.concatenate %slice3A, %slice3A_9, %slice3A_10, %slice3A_11, %slice3A_12, %slice3A_13, %slice3A_14, %slice3A_15 in 0 : vector<1250x16xf32>, vector<1250x16xf32>, vector<1250x16xf32>, vector<1250x16xf32>, vector<1250x16xf32>, vector<1250x16xf32>, vector<1250x16xf32>, vector<1250x16xf32> -> vector<10000x16xf32>
    %get3A_16 = arith.constant 0 : index
    %get3A_17 = arith.constant 0 : index
    %get3A_18 = vector.load %arg1[%get3A_16, %get3A_17] : memref<1250x128xf32, #tpu.memory_space<vmem>>, vector<1250x128xf32>
    %slice3A_19 = vector.extract_strided_slice %get3A_18 {offsets = [0, 0], sizes = [1250, 16], strides = [1, 1]} : vector<1250x128xf32> to vector<1250x16xf32>
    %slice3A_20 = vector.extract_strided_slice %get3A_18 {offsets = [0, 16], sizes = [1250, 16], strides = [1, 1]} : vector<1250x128xf32> to vector<1250x16xf32>
    %slice3A_21 = vector.extract_strided_slice %get3A_18 {offsets = [0, 32], sizes = [1250, 16], strides = [1, 1]} : vector<1250x128xf32> to vector<1250x16xf32>
    %slice3A_22 = vector.extract_strided_slice %get3A_18 {offsets = [0, 48], sizes = [1250, 16], strides = [1, 1]} : vector<1250x128xf32> to vector<1250x16xf32>
    %slice3A_23 = vector.extract_strided_slice %get3A_18 {offsets = [0, 64], sizes = [1250, 16], strides = [1, 1]} : vector<1250x128xf32> to vector<1250x16xf32>
    %slice3A_24 = vector.extract_strided_slice %get3A_18 {offsets = [0, 80], sizes = [1250, 16], strides = [1, 1]} : vector<1250x128xf32> to vector<1250x16xf32>
    %slice3A_25 = vector.extract_strided_slice %get3A_18 {offsets = [0, 96], sizes = [1250, 16], strides = [1, 1]} : vector<1250x128xf32> to vector<1250x16xf32>
    %slice3A_26 = vector.extract_strided_slice %get3A_18 {offsets = [0, 112], sizes = [1250, 16], strides = [1, 1]} : vector<1250x128xf32> to vector<1250x16xf32>
    %concatenate3A_27 = tpu.concatenate %slice3A_19, %slice3A_20, %slice3A_21, %slice3A_22, %slice3A_23, %slice3A_24, %slice3A_25, %slice3A_26 in 0 : vector<1250x16xf32>, vector<1250x16xf32>, vector<1250x16xf32>, vector<1250x16xf32>, vector<1250x16xf32>, vector<1250x16xf32>, vector<1250x16xf32>, vector<1250x16xf32> -> vector<10000x16xf32>
    %get3A_28 = arith.constant 0 : index
    %get3A_29 = arith.constant 0 : index
    %get3A_30 = vector.load %arg2[%get3A_28, %get3A_29] : memref<10000x1xf32, #tpu.memory_space<vmem>>, vector<10000x1xf32>
    %add3A_31 = arith.addf %concatenate3A, %concatenate3A_27 : vector<10000x16xf32>
    %mul3A = vector.broadcast %get3A_30 : vector<10000x1xf32> to vector<10000x16xf32>
    %mul3A_32 = arith.mulf %add3A_31, %mul3A : vector<10000x16xf32>
    %get3A_33 = arith.constant 0 : index
    %get3A_34 = arith.constant 0 : index
    %get3A_35 = vector.load %arg3[%get3A_33, %get3A_34] : memref<1x16xf32, #tpu.memory_space<vmem>>, vector<1x16xf32>
    %add3A_36 = vector.broadcast %get3A_35 : vector<1x16xf32> to vector<10000x16xf32>
    %add3A_37 = arith.addf %mul3A_32, %add3A_36 : vector<10000x16xf32>
    %max3A = arith.constant 0.000000e+00 : f32
    %max3A_38 = vector.broadcast %max3A : f32 to vector<10000x16xf32>
    %max3A_39 = arith.maximumf %add3A_37, %max3A_38 : vector<10000x16xf32>
    %get3A_40 = arith.constant 0 : index
    %get3A_41 = arith.constant 0 : index
    %get3A_42 = vector.load %arg4[%get3A_40, %get3A_41] : memref<16x16xf32, #tpu.memory_space<vmem>>, vector<16x16xf32>
    %dot_general3A = arith.constant dense<0.000000e+00> : vector<10000x16xf32>
    %dot_general3A_43 = tpu.matmul %max3A_39, %get3A_42, %dot_general3A {dimension_numbers = #tpu.dot_dimension_numbers<[1], [0], [0], [1], [0, 0, 1, 1], [], []>, transpose_lhs_hint = false} : vector<10000x16xf32>, vector<16x16xf32>, vector<10000x16xf32> -> vector<10000x16xf32>
    %mul3A_44 = vector.broadcast %get3A_30 : vector<10000x1xf32> to vector<10000x16xf32>
    %mul3A_45 = arith.mulf %mul3A_44, %dot_general3A_43 : vector<10000x16xf32>
    %slice3A_46 = vector.extract_strided_slice %mul3A_45 {offsets = [0, 0], sizes = [1250, 16], strides = [1, 1]} : vector<10000x16xf32> to vector<1250x16xf32>
    %slice3A_47 = vector.extract_strided_slice %mul3A_45 {offsets = [1250, 0], sizes = [1250, 16], strides = [1, 1]} : vector<10000x16xf32> to vector<1250x16xf32>
    %slice3A_48 = vector.extract_strided_slice %mul3A_45 {offsets = [2500, 0], sizes = [1250, 16], strides = [1, 1]} : vector<10000x16xf32> to vector<1250x16xf32>
    %slice3A_49 = vector.extract_strided_slice %mul3A_45 {offsets = [3750, 0], sizes = [1250, 16], strides = [1, 1]} : vector<10000x16xf32> to vector<1250x16xf32>
    %slice3A_50 = vector.extract_strided_slice %mul3A_45 {offsets = [5000, 0], sizes = [1250, 16], strides = [1, 1]} : vector<10000x16xf32> to vector<1250x16xf32>
    %slice3A_51 = vector.extract_strided_slice %mul3A_45 {offsets = [6250, 0], sizes = [1250, 16], strides = [1, 1]} : vector<10000x16xf32> to vector<1250x16xf32>
    %slice3A_52 = vector.extract_strided_slice %mul3A_45 {offsets = [7500, 0], sizes = [1250, 16], strides = [1, 1]} : vector<10000x16xf32> to vector<1250x16xf32>
    %slice3A_53 = vector.extract_strided_slice %mul3A_45 {offsets = [8750, 0], sizes = [1250, 16], strides = [1, 1]} : vector<10000x16xf32> to vector<1250x16xf32>
    %concatenate3A_54 = tpu.concatenate %slice3A_46, %slice3A_47, %slice3A_48, %slice3A_49, %slice3A_50, %slice3A_51, %slice3A_52, %slice3A_53 in 1 : vector<1250x16xf32>, vector<1250x16xf32>, vector<1250x16xf32>, vector<1250x16xf32>, vector<1250x16xf32>, vector<1250x16xf32>, vector<1250x16xf32>, vector<1250x16xf32> -> vector<1250x128xf32>
    %swap3A = arith.constant 0 : index
    %swap3A_55 = arith.constant 0 : index
    %swap3A_56 = vector.load %arg5[%swap3A, %swap3A_55] : memref<1250x128xf32, #tpu.memory_space<vmem>>, vector<1250x128xf32>
    tpu.vector_store %arg5[%swap3A, %swap3A_55], %concatenate3A_54 {strides = array<i32>} : memref<1250x128xf32, #tpu.memory_space<vmem>>, vector<1250x128xf32>,
    return
  }
}

module attributes {stable_mosaic.version = 14 : i64} {
  func.func @_tc3_body(%arg0: memref<2x1280x128xf32, #tpu.memory_space<vmem>>, %arg1: memref<1250x128xf32, #tpu.memory_space<vmem>>, %arg2: memref<10000x1xf32, #tpu.memory_space<vmem>>, %arg3: memref<1x16xf32, #tpu.memory_space<vmem>>, %arg4: memref<10000x7xf32, #tpu.memory_space<vmem>>) attributes {dimension_semantics = [], scalar_prefetch = 0 : i64, scratch_operands = 0 : i64, tpu.core_type = #tpu.core_type<tc>} {
    %get3A = arith.constant 0 : index
    %get3A_0 = arith.constant 0 : index
    %get3A_1 = arith.constant 0 : index
    %get3A_2 = vector.load %arg0[%get3A, %get3A_0, %get3A_1] : memref<2x1280x128xf32, #tpu.memory_space<vmem>>, vector<1x1250x128xf32>
    %get3A_3 = vector.shape_cast %get3A_2 : vector<1x1250x128xf32> to vector<1250x128xf32>
    %get3A_4 = arith.constant 1 : index
    %get3A_5 = arith.constant 0 : index
    %get3A_6 = arith.constant 0 : index
    %get3A_7 = vector.load %arg0[%get3A_4, %get3A_5, %get3A_6] : memref<2x1280x128xf32, #tpu.memory_space<vmem>>, vector<1x1250x128xf32>
    %get3A_8 = vector.shape_cast %get3A_7 : vector<1x1250x128xf32> to vector<1250x128xf32>
    %add3A = arith.addf %get3A_3, %get3A_8 : vector<1250x128xf32>
    %slice3A = vector.extract_strided_slice %add3A {offsets = [0, 0], sizes = [1250, 16], strides = [1, 1]} : vector<1250x128xf32> to vector<1250x16xf32>
    %slice3A_9 = vector.extract_strided_slice %add3A {offsets = [0, 16], sizes = [1250, 16], strides = [1, 1]} : vector<1250x128xf32> to vector<1250x16xf32>
    %slice3A_10 = vector.extract_strided_slice %add3A {offsets = [0, 32], sizes = [1250, 16], strides = [1, 1]} : vector<1250x128xf32> to vector<1250x16xf32>
    %slice3A_11 = vector.extract_strided_slice %add3A {offsets = [0, 48], sizes = [1250, 16], strides = [1, 1]} : vector<1250x128xf32> to vector<1250x16xf32>
    %slice3A_12 = vector.extract_strided_slice %add3A {offsets = [0, 64], sizes = [1250, 16], strides = [1, 1]} : vector<1250x128xf32> to vector<1250x16xf32>
    %slice3A_13 = vector.extract_strided_slice %add3A {offsets = [0, 80], sizes = [1250, 16], strides = [1, 1]} : vector<1250x128xf32> to vector<1250x16xf32>
    %slice3A_14 = vector.extract_strided_slice %add3A {offsets = [0, 96], sizes = [1250, 16], strides = [1, 1]} : vector<1250x128xf32> to vector<1250x16xf32>
    %slice3A_15 = vector.extract_strided_slice %add3A {offsets = [0, 112], sizes = [1250, 16], strides = [1, 1]} : vector<1250x128xf32> to vector<1250x16xf32>
    %concatenate3A = tpu.concatenate %slice3A, %slice3A_9, %slice3A_10, %slice3A_11, %slice3A_12, %slice3A_13, %slice3A_14, %slice3A_15 in 0 : vector<1250x16xf32>, vector<1250x16xf32>, vector<1250x16xf32>, vector<1250x16xf32>, vector<1250x16xf32>, vector<1250x16xf32>, vector<1250x16xf32>, vector<1250x16xf32> -> vector<10000x16xf32>
    %get3A_16 = arith.constant 0 : index
    %get3A_17 = arith.constant 0 : index
    %get3A_18 = vector.load %arg1[%get3A_16, %get3A_17] : memref<1250x128xf32, #tpu.memory_space<vmem>>, vector<1250x128xf32>
    %slice3A_19 = vector.extract_strided_slice %get3A_18 {offsets = [0, 0], sizes = [1250, 16], strides = [1, 1]} : vector<1250x128xf32> to vector<1250x16xf32>
    %slice3A_20 = vector.extract_strided_slice %get3A_18 {offsets = [0, 16], sizes = [1250, 16], strides = [1, 1]} : vector<1250x128xf32> to vector<1250x16xf32>
    %slice3A_21 = vector.extract_strided_slice %get3A_18 {offsets = [0, 32], sizes = [1250, 16], strides = [1, 1]} : vector<1250x128xf32> to vector<1250x16xf32>
    %slice3A_22 = vector.extract_strided_slice %get3A_18 {offsets = [0, 48], sizes = [1250, 16], strides = [1, 1]} : vector<1250x128xf32> to vector<1250x16xf32>
    %slice3A_23 = vector.extract_strided_slice %get3A_18 {offsets = [0, 64], sizes = [1250, 16], strides = [1, 1]} : vector<1250x128xf32> to vector<1250x16xf32>
    %slice3A_24 = vector.extract_strided_slice %get3A_18 {offsets = [0, 80], sizes = [1250, 16], strides = [1, 1]} : vector<1250x128xf32> to vector<1250x16xf32>
    %slice3A_25 = vector.extract_strided_slice %get3A_18 {offsets = [0, 96], sizes = [1250, 16], strides = [1, 1]} : vector<1250x128xf32> to vector<1250x16xf32>
    %slice3A_26 = vector.extract_strided_slice %get3A_18 {offsets = [0, 112], sizes = [1250, 16], strides = [1, 1]} : vector<1250x128xf32> to vector<1250x16xf32>
    %concatenate3A_27 = tpu.concatenate %slice3A_19, %slice3A_20, %slice3A_21, %slice3A_22, %slice3A_23, %slice3A_24, %slice3A_25, %slice3A_26 in 0 : vector<1250x16xf32>, vector<1250x16xf32>, vector<1250x16xf32>, vector<1250x16xf32>, vector<1250x16xf32>, vector<1250x16xf32>, vector<1250x16xf32>, vector<1250x16xf32> -> vector<10000x16xf32>
    %add3A_28 = arith.addf %concatenate3A, %concatenate3A_27 : vector<10000x16xf32>
    %get3A_29 = arith.constant 0 : index
    %get3A_30 = arith.constant 0 : index
    %get3A_31 = vector.load %arg2[%get3A_29, %get3A_30] : memref<10000x1xf32, #tpu.memory_space<vmem>>, vector<10000x1xf32>
    %mul3A = vector.broadcast %get3A_31 : vector<10000x1xf32> to vector<10000x16xf32>
    %mul3A_32 = arith.mulf %add3A_28, %mul3A : vector<10000x16xf32>
    %get3A_33 = arith.constant 0 : index
    %get3A_34 = arith.constant 0 : index
    %get3A_35 = vector.load %arg3[%get3A_33, %get3A_34] : memref<1x16xf32, #tpu.memory_space<vmem>>, vector<1x16xf32>
    %add3A_36 = vector.broadcast %get3A_35 : vector<1x16xf32> to vector<10000x16xf32>
    %add3A_37 = arith.addf %mul3A_32, %add3A_36 : vector<10000x16xf32>
    %iota3A = tpu.iota {dimensions = array<i32: 1>} : vector<10000x16xi32>
    %lt3A = arith.constant 7 : i32
    %lt3A_38 = vector.broadcast %lt3A : i32 to vector<10000x16xi32>
    %lt3A_39 = arith.cmpi slt, %iota3A, %lt3A_38 : vector<10000x16xi32>
    %jit3A = arith.constant -1.000000e+30 : f32
    %broadcast_in_dim3A = vector.broadcast %jit3A : f32 to vector<10000x16xf32>
    %select_n3A = arith.select %lt3A_39, %add3A_37, %broadcast_in_dim3A : vector<10000x16xi1>, vector<10000x16xf32>
    %reduce_max3A = arith.constant dense<0xFF800000> : vector<10000xf32>
    %reduce_max3A_40 = vector.multi_reduction <maximumf>, %select_n3A, %reduce_max3A [1] : vector<10000x16xf32> to vector<10000xf32>
    %broadcast_in_dim3A_41 = vector.shape_cast %reduce_max3A_40 : vector<10000xf32> to vector<10000x1xf32>
    %sub3A = vector.broadcast %broadcast_in_dim3A_41 : vector<10000x1xf32> to vector<10000x16xf32>
    %sub3A_42 = arith.subf %add3A_37, %sub3A : vector<10000x16xf32>
    %exp3A = math.exp %sub3A_42 : vector<10000x16xf32>
    %jit3A_43 = arith.constant 0.000000e+00 : f32
    %broadcast_in_dim3A_44 = vector.broadcast %jit3A_43 : f32 to vector<10000x16xf32>
    %select_n3A_45 = arith.select %lt3A_39, %exp3A, %broadcast_in_dim3A_44 : vector<10000x16xi1>, vector<10000x16xf32>
    %reduce_sum3A = arith.constant dense<0.000000e+00> : vector<10000xf32>
    %reduce_sum3A_46 = vector.multi_reduction <add>, %select_n3A_45, %reduce_sum3A [1] : vector<10000x16xf32> to vector<10000xf32>
    %broadcast_in_dim3A_47 = vector.shape_cast %reduce_sum3A_46 : vector<10000xf32> to vector<10000x1xf32>
    %sub3A_48 = vector.broadcast %broadcast_in_dim3A_41 : vector<10000x1xf32> to vector<10000x16xf32>
    %sub3A_49 = arith.subf %add3A_37, %sub3A_48 : vector<10000x16xf32>
    %log3A = math.log %broadcast_in_dim3A_47 : vector<10000x1xf32>
    %sub3A_50 = vector.broadcast %log3A : vector<10000x1xf32> to vector<10000x16xf32>
    %sub3A_51 = arith.subf %sub3A_49, %sub3A_50 : vector<10000x16xf32>
    %slice3A_52 = vector.extract_strided_slice %sub3A_51 {offsets = [0, 0], sizes = [10000, 7], strides = [1, 1]} : vector<10000x16xf32> to vector<10000x7xf32>
    %swap3A = arith.constant 0 : index
    %swap3A_53 = arith.constant 0 : index
    %swap3A_54 = vector.load %arg4[%swap3A, %swap3A_53] : memref<10000x7xf32, #tpu.memory_space<vmem>>, vector<10000x7xf32>
    tpu.vector_store %arg4[%swap3A, %swap3A_53], %slice3A_52 {strides = array<i32>} : memref<10000x7xf32, #tpu.memory_space<vmem>>, vector<10000x7xf32>,
    return
  }
}

</mosaic_0001>

<sc_bundles>
// kernel: kernel.11.cloned.1.call-start
scs
__scs_entry_jumppad:
0x0: {  	(pc) =	sbr.rel $0x88, $3  }
0x1: {  	(tag) =	ssettag $0x0;
	lr =	simm.s32 $0x1  }
0x2: {  	[smem:$0x3F9B] =	sst lr;
	_ =	strace $0xD0000000  }
0x3: {  	_ = 	snop  }
0x4: {  	_ = 	snop  }
0x5: {  	_ = 	snop  }
0x6: {  	_ = 	snop  }
0x7: {  	_ = 	snop  }
__scs_overlays_trampoline_lowered:
0x8: {  	[smem:$0x3FAA] =	sst s0  }
0x9: {  	[smem:$0x3FAB] =	sst s1  }
0xa: {  	[smem:$0x3FAC] =	sst s2  }
0xb: {  	[smem:$0x3FAD] =	sst s3  }
0xc: {  	[smem:$0x3FAE] =	sst s4  }
0xd: {  	[smem:$0x3FAF] =	sst s5  }
0xe: {  	[smem:$0x3FB0] =	sst s6  }
0xf: {  	[smem:$0x3FB1] =	sst s7  }
0x10: {  	[smem:$0x3FB2] =	sst s8  }
0x11: {  	[smem:$0x3FB3] =	sst s9;
	s0 =	simm.s32 @!p0 $0x0  }
0x12: {  	s1 =	sld [smem:$0x3F99];
	s0 =	simm.s32 @p0 $0x1  }
0x13: {  	[smem:$0x3FB4] =	sst s0;
	s0 =	simm.s32 @!p1 $0x0  }
0x14: {  	s2 =	sld [smem:$0x3F98];
	s0 =	simm.s32 @p1 $0x1  }
0x15: {  	[smem:$0x3FB5] =	sst s0;
	s0 =	simm.s32 @!p2 $0x0  }
0x16: {  	s3 =	sld [smem:$0x3FDB];
	s0 =	simm.s32 @p2 $0x1  }
0x17: {  	s4 =	simm.s32 $0x1BF5;
	[smem:$0x3FB7] =	sst s0  }
0x18: {  	s0 =	sld [smem:$0x3F9A];
	_ =	swait.ge [sflag:s4], $0x0  }
0x19: {  	s7 =	sld [smem:$0x3F9B]  }
0x1a: {  	s8 =	sadd.s32 $0xFFFFE003, lr  }
0x1b: {  	s9 =	sadd.s32 $0xFFFFFEF7, lr;
	s5 =	simm.s32 $0xFFFFFFFF;
	p2 =	slt.u32 s8, $0xFFFFF086  }
0x1c: {  	p1 =	slt.u32 s9, $0xF7A;
	s5 =	simm.s32 @!p2 $0x0  }
0x1d: {  	s5 =	simm.s32 @p1 $0x1;
	p0 =	seq.s32 s7, s2  }
0x1e: {  	s7 =	smul.u32 @!p0 $0xF7A, s2;
	p2 =	seq.s32 @!p0 s5, $0x0  }
0x1f: {  	s9 =	smul.u32 $0xF7A, s1;
	s8 =	simm.s32 @!p0 $0x1BF5;
	p2 =	por !p2, p0  }
0x20: {  	[sflag:s8] =	ssyncset.s32 @!p0 $0xFFFFF086;
	s6 =	sadd.s32 @!p0 s3, s7;
	s7 =	simm.s32 @!p0 $0x108  }
0x21: {  	s3 =	sadd.s32 s3, s9;
	s6 =	sadd.s32 @!p0 $0x88, s6;
	s7 =	simm.s32 @p2 $0x1082  }
0x22: {  	[simem:s7], [sflag:s8] =	dma.local @!p0 [hbm:s6], $0xF7A  }
0x23: {  	s9 =	sor.u32 $0xD0000000, s2;
	s6 =	simm.s32 $0x108;
	_ =	swait.ge @!p0 [sflag:s8], $0x0  }
0x24: {  	s3 =	sadd.s32 $0x88, s3;
	s6 =	simm.s32 @!p1 $0x1082;
	[sflag:s4] =	ssyncset.s32 $0xFFFFF086  }
0x25: {  	[simem:s6], [sflag:s4] =	dma.local [hbm:s3], $0xF7A  }
0x26: {  	[smem:$0x3F9B] =	sst s1;
	(tag) =	ssettag s2;
	_ =	strace s9  }
0x27: {  	s1 =	sld [smem:$0x3FAB]  }
0x28: {  	s2 =	sld [smem:$0x3FAC]  }
0x29: {  	s4 =	sld [smem:$0x3FAE]  }
0x2a: {  	p0 =	seq.s32 s5, $0x0;
	s5 =	sld [smem:$0x3FAF]  }
0x2b: {  	s6 =	sld [smem:$0x3FB0]  }
0x2c: {  	s7 =	sld [smem:$0x3FB1]  }
0x2d: {  	s3 =	simm.s32 $0x108;
	s8 =	sld [smem:$0x3FB2]  }
0x2e: {  	s3 =	simm.s32 @!p0 $0x1082;
	s9 =	sld [smem:$0x3FB3]  }
0x2f: {  	lr =	sadd.s32 s0, s3;
	s0 =	sld [smem:$0x3FAA]  }
0x30: {  	s3 =	sld [smem:$0x3FAD]  }
0x31: {  	[smem:$0x3FB6] =	sst s10  }
0x32: {  	s10 =	sld [smem:$0x3FB4];
	_ =	sdelay $0x3  }
0x33: {  	p0 =	seq.s32 s10, $0x1;
	s10 =	sld [smem:$0x3FB6];
	_ =	sdelay $0x3  }
0x34: {  	[smem:$0x3FB6] =	sst s10  }
0x35: {  	s10 =	sld [smem:$0x3FB5];
	_ =	sdelay $0x3  }
0x36: {  	p1 =	seq.s32 s10, $0x1;
	s10 =	sld [smem:$0x3FB6];
	_ =	sdelay $0x3  }
0x37: {  	[smem:$0x3FB6] =	sst s10  }
0x38: {  	s10 =	sld [smem:$0x3FB7]  }
0x39: {  	_ = 	snop;
	(pc) =	sbr.ind lr, $3  }
0x3a: {  	_ = 	snop  }
0x3b: {  	_ = 	snop  }
0x3c: {  	p2 =	seq.s32 s10, $0x1;
	s10 =	sld [smem:$0x3FB6]  }
0x3d: {  	_ =	shalt  }
0x3e: {  	_ =	shalt  }
0x3f: {  	_ =	shalt  }
0x40: {  	_ =	shalt  }
0x41: {  	_ =	shalt  }
0x42: {  	_ =	shalt  }
0x43: {  	_ =	shalt  }
0x44: {  	_ =	shalt  }
0x45: {  	_ =	shalt  }
0x46: {  	_ =	shalt  }
0x47: {  	_ =	shalt  }
0x48: {  	_ =	shalt  }
0x49: {  	_ =	shalt  }
0x4a: {  	_ =	shalt  }
0x4b: {  	_ =	shalt  }
0x4c: {  	_ =	shalt  }
0x4d: {  	_ =	shalt  }
0x4e: {  	_ =	shalt  }
0x4f: {  	_ =	shalt  }
0x50: {  	_ =	shalt  }
0x51: {  	_ =	shalt  }
0x52: {  	_ =	shalt  }
0x53: {  	_ =	shalt  }
0x54: {  	_ =	shalt  }
0x55: {  	_ =	shalt  }
0x56: {  	_ =	shalt  }
0x57: {  	_ =	shalt  }
0x58: {  	_ =	shalt  }
0x59: {  	_ =	shalt  }
0x5a: {  	_ =	shalt  }
0x5b: {  	_ =	shalt  }
0x5c: {  	_ =	shalt  }
0x5d: {  	_ =	shalt  }
0x5e: {  	_ =	shalt  }
0x5f: {  	_ =	shalt  }
0x60: {  	_ =	shalt  }
0x61: {  	_ =	shalt  }
0x62: {  	_ =	shalt  }
0x63: {  	_ =	shalt  }
0x64: {  	_ =	shalt  }
0x65: {  	_ =	shalt  }
0x66: {  	_ =	shalt  }
0x67: {  	_ =	shalt  }
0x68: {  	_ =	shalt  }
0x69: {  	_ =	shalt  }
0x6a: {  	_ =	shalt  }
0x6b: {  	_ =	shalt  }
0x6c: {  	_ =	shalt  }
0x6d: {  	_ =	shalt  }
0x6e: {  	_ =	shalt  }
0x6f: {  	_ =	shalt  }
0x70: {  	_ =	shalt  }
0x71: {  	_ =	shalt  }
0x72: {  	_ =	shalt  }
0x73: {  	_ =	shalt  }
0x74: {  	_ =	shalt  }
0x75: {  	_ =	shalt  }
0x76: {  	_ =	shalt  }
0x77: {  	_ =	shalt  }
0x78: {  	_ =	shalt  }
0x79: {  	_ =	shalt  }
0x7a: {  	_ =	shalt  }
0x7b: {  	_ =	shalt  }
0x7c: {  	_ =	shalt  }
0x7d: {  	_ =	shalt  }
0x7e: {  	_ =	shalt  }
0x7f: {  	_ =	shalt  }
0x80: {  	_ =	shalt  }
0x81: {  	_ =	shalt  }
0x82: {  	_ =	shalt  }
0x83: {  	_ =	shalt  }
0x84: {  	_ =	shalt  }
0x85: {  	_ =	shalt  }
0x86: {  	_ =	shalt  }
0x87: {  	_ =	shalt  }
.Lfunc_end0:
.L_simem_size_0:
called_computation.1_lowered:
.L_overlay_start_0:
0x88: {  	s2 =	sld [smem:$0x3FD9]  }
0x89: {  	s3 =	sld [smem:$0x3FFE];
	_ =	sdelay $0x1  }
0x8a: {  	s1 =	srdreg.scid  }
0x8b: {  	s0 =	sand.u32 $0x1, s1  }
0x8c: {  	s16 =	sshll.u32 s0, $0xA;
	s2 =	sadd.s32 s3, s2  }
0x8d: {  	s2 =	sadd.s32 s2, s16  }
0x8e: {  	[smem:$0x3FC2] =	sst s2  }
0x8f: {  	_ = 	snop  }
0x90: {  	(tm) =	ssettm $0x1  }
0x91: {  	s17 =	sld [smem:$0x3FFB];
	_ =	sdelay $0x3  }
0x92: {  	_ =	strace s17  }
0x93: {  	s2 =	sld [smem:$0x3FFC];
	_ =	sdelay $0x3  }
0x94: {  	_ =	strace s2  }
0x95: {  	s2 =	sld [smem:$0x3FFD];
	_ =	sdelay $0x3  }
0x96: {  	_ =	strace s2  }
0x97: {  	_ =	strace $0x8FFFFFFF  }
0x98: {  	s18 =	sld [smem:$0x3FDB];
	_ =	sdelay $0x1  }
0x99: {  	s19 =	simm.s32 $_scs_section_size  }
0x9a: {  	s4 =	simm.s32 $_size__tile_overlayer_lowered;
	s5 =	simm.s32 $_tile_overlayer_lowered  }
0x9b: {  	s22 =	simm.s32 $0x1BFF;
	s21 =	sshll.u32 s5, $0x1;
	s2 =	sadd.s32 s19, s18  }
0x9c: {  	s6 =	simm.s32 $0x0;
	s20 =	sshll.u32 s4, $0x1;
	s4 =	sadd.s32 s21, s2  }
0x9d: {  	[timem:s6], [sflag:s22] =	dma.local [hbm:s4], s20  }
0x9e: {  	_ =	swait.ge [sflag:s22], s20  }
0x9f: {  	s3 =	ssub.s32 $0x0, s20;
	[sflag:s22] =	ssyncset.done $0x0  }
0xa0: {  	[sflag:s22] =	ssyncadd.s32 s3;
	_ =	sdelay $0x1  }
0xa1: {  	s23 =	simm.s32 $0x1B8B  }
0xa2: {  	_ =	swait.ge [sflag:s23], $0x1  }
0xa3: {  	[sflag:s23] =	ssyncset.done $0x0  }
0xa4: {  	s25 =	simm.s32 $0x1B8E;
	s24 =	sld [smem:$0x3FFE];
	[sflag:s23] =	ssyncadd.s32 $0xFFFFFFFF  }
0xa5: {  	s26 =	simm.s32 $execute0_lowered;
	[smem:$0x3FD2] =	sst s25  }
0xa6: {  	s4 =	sshll.u32 s26, $0x1;
	_ =	strace $0x80000049;
	[dreg:$0x1] =	wrdreg $0xFFFFFFFF  }
0xa7: {  	s28 =	simm.s32 $_size_execute0_lowered;
	s2 =	sadd.s32 s2, s4;
	[dreg:$0x0] =	wrdreg $0x0  }
0xa8: {  	s4 =	sshll.u32 s28, $0x1;
	[dreg:$0x2] =	wrdreg s2  }
0xa9: {  	[dreg:$0x3] =	wrdreg s4  }
0xaa: {  	[dreg:$0x4] =	wrdreg $0xC0  }
0xab: {  	_ =	task [dreg:s6], $0x5FFFF  }
0xac: {  	[dreg:$0x1] =	wrdreg $0xFFFFFFFF  }
0xad: {  	[dreg:$0x0] =	wrdreg $0x60  }
0xae: {  	[dreg:$0x2] =	wrdreg s24  }
0xaf: {  	[dreg:$0x3] =	wrdreg $0xB6800  }
0xb0: {  	[dreg:$0x4] =	wrdreg $0x9  }
0xb1: {  	_ =	task.clear_ibuf [dreg:s6], $0x5FFFF;
	_ =	strace $0x90000049  }
0xb2: {  	s29 =	simm.s32 $0x9;
	_ =	strace $0x8000004B  }
0xb3: {  	_ =	swait.ge [sflag:s29], $0x1  }
0xb4: {  	[sflag:s29] =	ssyncadd.s32 $0xFFFFFFFF  }
0xb5: {  	_ =	strace $0x9000004B  }
0xb6: {  	_ =	sfence  }
0xb7: {  	s30 =	sld [smem:$0x0];
	_ =	sdelay $0x2  }
0xb8: {  	s31 =	sshll.u32 s1, $0xD;
	s1 =	sshrl.u32 s1, $0x2  }
0xb9: {  	s3 =	sand.u32 $0x4000, s31;
	s1 =	sadd.s32 s1, s30  }
0xba: {  	s0 =	sor.u32 s3, s0;
	s1 =	sshll.u32 s1, $0x11  }
0xbb: {  	s0 =	sor.u32 s1, s0  }
0xbc: {  	s0 =	sadd.s32 $0x8F2B, s0  }
0xbd: {  	[sflag:s0] =	ssyncadd.remote.s32 $0x1  }
0xbe: {  	_ =	sfence.sel $0xFFFF  }
0xbf: {  	[dreg:$0x0] =	wrdreg $0xFFFFFFFF;
	(pc) =	sbr.abs _section_cstart, $3  }
0xc0: {  	[dreg:$0x1] =	wrdreg $0xFFFFFFFF  }
0xc1: {  	_ =	task.clear_ibuf [dreg:s6], $0x2FFFF;
	_ =	strace $0x9FFFFFFF  }
0xc2: {  	(tm) =	ssettm $0x7FFFFFFF  }
0xc3: {  	_ =	shalt  }
tec
execute0_lowered:
.L_overlay_start_1:
0x0: {  	(tag) =	ssettag $0x1  }
0x1: {  	s0 =	rddreg [dreg:$0x0]  }
0x2: {  	s2 =	rddreg [dreg:$0x1];
	s1 =	srdreg.scid  }
0x3: {  	s6 =	stileid.u32;
	s3 =	simm.s32 $0x0;
	s10 =	simm.s32 $0x11  }
0x4: {  	s9 =	simm.s32 $0x8E80;
	s13 =	simm.s32 $0x7D;
	s17 =	simm.s32 $0x100  }
0x5: {  	s18 =	simm.s32 $0x5FA0;
	s19 =	simm.s32 $0x180;
	s20 =	simm.s32 $0x6770  }
0x6: {  	s21 =	simm.s32 $0x6F40;
	s22 =	simm.s32 $0x86B0;
	s28 =	simm.s32 $0xA  }
0x7: {  	s29 =	simm.s32 $0x6;
	s30 =	simm.s32 $0xB;
	s31 =	simm.s32 $0x7  }
0x8: {  	s11 =	simm.s32 $0xD;
	s1 =	sand.u32 $0x1, s1;
	s5 =	smul.u32 $0x2800, s6  }
0x9: {  	[smem:$0x7FF] =	sst s3;
	s4 =	sshll.u32 s1, $0x4;
	s23 =	smul.u32 $0x28000, s1  }
0xa: {  	_ =	strace $0x8000004A;
	s1 =	ssub.s32 $0x2, s1;
	s4 =	sor.u32 s6, s4  }
0xb: {  	s8 =	sshrl.u32 s1, $0x1;
	s7 =	smul.u32 $0x2800, s4;
	s4 =	sadd.s32 $0x2C00, s0  }
0xc: {  	s6 =	sadd.s32 s5, s23;
	s1 =	ssub.s32 s1, s8;
	s8 =	sadd.s32 s5, s2  }
0xd: {  	s23 =	simm.s32 $0x7EE0;
	s6 =	sshrl.u32 s6, $0x3;
	s7 =	sshrl.u32 s7, $0x3  }
0xe: {  	s26 =	smax.u32 s1, $0x1;
	[dreg:$0x5] =	wrdreg s8;
	s7 =	sadd.s32 s7, s0  }
.Ltmp0:
0xf: {  	[dreg:$0x7] =	wrdreg s26;
	s24 =	sadd.s32 $0x20600, s7;
	(pc) =	sbr.rel .LBB2_1-.Ltmp0, $4  }
0x10: {  	s0 =	sadd.s32 s6, s0;
	s25 =	sadd.s32 $0x2A600, s7;
	[dreg:$0x3] =	wrdreg s24  }
0x11: {  	s5 =	simm.s32 $0x0;
	s0 =	sadd.s32 $0x7C00, s0;
	[dreg:$0x4] =	wrdreg s25  }
0x12: {  	s1 =	simm.s32 $0x8;
	s26 =	simm.s32 $0x5;
	[dreg:$0x6] =	wrdreg s0  }
0x13: {  	v0 =	vimm.f32 $0.0e+00;
	s24 =	simm.s32 $0x7710;
	s25 =	simm.s32 $0x9;
	s0 =	simm.s32 $0xC  }
.LBB2_8:
0x14: {  	[bflag:$0x0] =	sbarrier.arrive $0xFFFF  }
0x15: {  	s9 =	simm.s32 $0x8E80;
	s8 =	rddreg [dreg:$0x5]  }
0x16: {  	[tilespmem:s9], [sflag:$0x11] =	stream.linear.gather [spmem:s8], $0x2800, $0x38;
	[tilespmem:$0xDE80] =	vst v63  }
0x17: {  	_ =	swait.ge [sflag:s10], $0x2800  }
0x18: {  	[sflag:s10] =	ssyncset.done $0x0  }
0x19: {  	s6 =	rddreg [dreg:$0x6];
	[sflag:s10] =	ssyncadd.s32 $0xFFFFD800  }
0x1a: {  	[hbm4b:s6+s3] =	stream.linear.scatter [tilespmem:s9], [sflag:$0x11], $0x2800, $0x38;
	[tilespmem:$0xDE80] =	vst v63  }
0x1b: {  	_ =	swait.ge [sflag:s10], $0x2800  }
0x1c: {  	s5 =	sadd.s32 $0x1, s5;
	s16 =	rddreg [dreg:$0x7]  }
0x1d: {  	p0 =	sne.s32 s5, s16  }
.Ltmp1:
0x1e: {  	_ = 	snop;
	(pc) =	sbr.rel @!p0 .LBB2_9-.Ltmp1, $3  }
0x1f: {  	_ =	sdelay $0x1  }
0x20: {  	[sflag:s10] =	ssyncset.done $0x0  }
0x21: {  	[sflag:s10] =	ssyncadd.s32 $0xFFFFD800  }
.LBB2_1:
0x22: {  	s6 =	rddreg [dreg:$0x3]  }
0x23: {  	[tilespmem:s3], [sflag:$0x11] =	stream.linear.gather [hbm4b:s6+s3], $0x2800, $0x38;
	[tilespmem:$0xDE80] =	vst v63  }
0x24: {  	_ =	swait.ge [sflag:s10], $0x2800  }
0x25: {  	[sflag:s10] =	ssyncset.done $0x0  }
0x26: {  	s7 =	simm.s32 $0x2800;
	s16 =	rddreg [dreg:$0x4];
	[sflag:s10] =	ssyncadd.s32 $0xFFFFD800  }
0x27: {  	[tilespmem:s7], [sflag:$0x11] =	stream.linear.gather [hbm4b:s16+s3], $0x2800, $0x38;
	[tilespmem:$0xDE80] =	vst v63  }
0x28: {  	_ =	swait.ge [sflag:s10], $0x2800  }
0x29: {  	[sflag:s10] =	ssyncset.done $0x0  }
0x2a: {  	s6 =	simm.s32 $0x40;
	s7 =	simm.s32 $0x0;
	[sflag:s10] =	ssyncadd.s32 $0xFFFFD800  }
.LBB2_2:
0x2b: {  	p0 =	sne.s32 s6, $0x9FC0;
	[tilespmem:s7+$0x8E80] =	vst v0;
	s7 =	smov.u32 s6;
	s6 =	sadd.s32 $0x40, s6  }
.Ltmp2:
0x2c: {  	(pc) =	sbr.rel @p0 .LBB2_2-.Ltmp2, $2  }
0x2d: {  	_ =	sdelay $0x2  }
0x2e: {  	s7 =	sshra.s32 s7, $0x2  }
0x2f: {  	[tilespmem:s7+$0x8E80] =	vst v0  }
0x30: {  	[spmem:s8] =	stream.linear.scatter [tilespmem:s9], [sflag:$0x11], $0x2800, $0x38;
	[tilespmem:$0xDE80] =	vst v63  }
.Ltmp3:
0x31: {  	_ =	swait.ge [sflag:s10], $0x2800;
	(pc) =	sbr.rel .LBB2_4-.Ltmp3, $4  }
0x32: {  	[sflag:s10] =	ssyncset.done $0x0  }
0x33: {  	[sflag:s10] =	ssyncadd.s32 $0xFFFFD800  }
0x34: {  	[bflag:$0x0] =	sbarrier.arrive $0xFFFF  }
0x35: {  	s6 =	simm.s32 $0x0;
	s8 =	simm.s32 $0x7  }
.LBB2_10:
0x36: {  	s7 =	simm.s32 $0x5000  }
0x37: {  	[tilespmem:s7], [sflag:$0x1] =	stream.indirect.gather [hbm4b:s4+s13], $0x10, s3, s13, $0xb8;
	[tilespmem:$0xDE80] =	vst v63  }
0x38: {  	s16 =	simm.s32 $0x80;
	s9 =	simm.s32 $0x57D0  }
0x39: {  	[tilespmem:s9], [sflag:$0x2] =	stream.indirect.gather [hbm4b:s4+s13], $0x10, s16, s13, $0xb8;
	[tilespmem:$0xDE80] =	vst v63  }
0x3a: {  	s12 =	simm.s32 $0x1  }
0x3b: {  	[tilespmem:s18], [sflag:$0x3] =	stream.indirect.gather [hbm4b:s4+s13], $0x10, s17, s13, $0xb8;
	[tilespmem:$0xDE80] =	vst v63  }
0x3c: {  	s14 =	simm.s32 $0x4;
	s7 =	simm.s32 $0x2;
	s9 =	simm.s32 $0x3  }
0x3d: {  	[tilespmem:s20], [sflag:$0x4] =	stream.indirect.gather [hbm4b:s4+s13], $0x10, s19, s13, $0xb8;
	[tilespmem:$0xDE80] =	vst v63  }
.LBB2_6:
0x3e: {  	s15 =	sshll.u32 s14, $0x7  }
0x3f: {  	s15 =	sand.u32 $0x3FFFFF80, s15  }
0x40: {  	[tilespmem:s21], [sflag:$0x5] =	stream.indirect.gather [hbm4b:s4+s13], $0x10, s15, s13, $0xb8;
	[tilespmem:$0xDE80] =	vst v63  }
.LBB2_7:
0x41: {  	p1 =	sgt.u32 s14, $0x53  }
0x42: {  	s14 =	simm.s32 @!p1 $0x1  }
0x43: {  	_ =	swait.ge @!p1 [sflag:s14], $0x7D0  }
0x44: {  	[sflag:s14] =	ssyncset.done @!p1 $0x0  }
0x45: {  	[sflag:s14] =	ssyncadd.s32 @!p1 $0xFFFFF830;
	s14 =	sshra.s32 @!p1 s6, $0x2  }
0x46: {  	s15 =	simm.s32 @!p1 $0x7D;
	s16 =	simm.s32 @!p1 $0x5000;
	s14 =	sadd.s32 @!p1 $0x2800, s14  }
0x47: {  	[spmem:s2] =	stream.indirect.scatter.add.f32 @!p1 [tilespmem:s16], [sflag:$0x9], $0x10, s14, s15, $0xb8;
	[tilespmem:$0xDE80] =	vst v63  }
0x48: {  	s14 =	simm.s32 @!p0 $0xE  }
0x49: {  	p1 =	seq.s32 @!p0 s6, $0xA000;
	_ =	swait.ge @!p0 [sflag:s14], $0x7D0  }
0x4a: {  	p1 =	por p0, !p1;
	[sflag:s14] =	ssyncset.done @!p0 $0x0  }
0x4b: {  	s15 =	sadd.s32 $0xFFFFFFFE, s8;
	[sflag:s14] =	ssyncadd.s32 @!p0 $0xFFFFF830;
	s14 =	sshra.s32 @p1 s6, $0x2  }
0x4c: {  	p2 =	sgt.u32 s15, $0x53;
	s14 =	sadd.s32 @p1 $0x280, s14  }
0x4d: {  	[tilespmem:s24], [sflag:$0x6] =	stream.indirect.gather @p1 [hbm4b:s4+s13], $0x10, s14, s13, $0xb8;
	[tilespmem:$0xDE80] =	vst v63  }
0x4e: {  	s14 =	simm.s32 @!p2 $0x2  }
0x4f: {  	s12 =	sshll.u32 @!p2 s12, $0x7;
	_ =	swait.ge @!p2 [sflag:s14], $0x7D0  }
0x50: {  	s15 =	simm.s32 @!p2 $0x57D0;
	s12 =	sand.u32 @!p2 $0x3FFFFF80, s12;
	[sflag:s14] =	ssyncset.done @!p2 $0x0  }
0x51: {  	s12 =	sadd.s32 @!p2 $0x2800, s12;
	[sflag:s14] =	ssyncadd.s32 @!p2 $0xFFFFF830;
	s14 =	simm.s32 @!p2 $0x7D  }
0x52: {  	[spmem:s2] =	stream.indirect.scatter.add.f32 @!p2 [tilespmem:s15], [sflag:$0xA], $0x10, s12, s14, $0xb8;
	[tilespmem:$0xDE80] =	vst v63  }
0x53: {  	s12 =	simm.s32 @!p0 $0xF  }
0x54: {  	_ =	swait.ge @!p0 [sflag:s12], $0x7D0  }
0x55: {  	[sflag:s12] =	ssyncset.done @!p0 $0x0  }
0x56: {  	s16 =	sadd.s32 $0xFFFFFFFF, s8;
	[sflag:s12] =	ssyncadd.s32 @!p0 $0xFFFFF830;
	s12 =	sshra.s32 @p1 s6, $0x2  }
0x57: {  	p2 =	sgt.u32 s16, $0x53;
	s12 =	sadd.s32 @p1 $0x300, s12  }
0x58: {  	[tilespmem:s23], [sflag:$0x7] =	stream.indirect.gather @p1 [hbm4b:s4+s13], $0x10, s12, s13, $0xb8;
	[tilespmem:$0xDE80] =	vst v63  }
0x59: {  	s12 =	simm.s32 @!p2 $0x3  }
0x5a: {  	s7 =	sshll.u32 @!p2 s7, $0x7;
	_ =	swait.ge @!p2 [sflag:s12], $0x7D0  }
0x5b: {  	s14 =	simm.s32 @!p2 $0x5FA0;
	s7 =	sand.u32 @!p2 $0x3FFFFF80, s7;
	[sflag:s12] =	ssyncset.done @!p2 $0x0  }
0x5c: {  	s7 =	sadd.s32 @!p2 $0x2800, s7;
	[sflag:s12] =	ssyncadd.s32 @!p2 $0xFFFFF830;
	s12 =	simm.s32 @!p2 $0x7D  }
0x5d: {  	[spmem:s2] =	stream.indirect.scatter.add.f32 @!p2 [tilespmem:s14], [sflag:$0xB], $0x10, s7, s12, $0xb8;
	[tilespmem:$0xDE80] =	vst v63  }
0x5e: {  	s7 =	simm.s32 @!p0 $0x10  }
0x5f: {  	_ =	swait.ge @!p0 [sflag:s7], $0x7D0  }
0x60: {  	[sflag:s7] =	ssyncset.done @!p0 $0x0  }
0x61: {  	[sflag:s7] =	ssyncadd.s32 @!p0 $0xFFFFF830;
	s7 =	sshra.s32 @p1 s6, $0x2  }
0x62: {  	p0 =	sgt.u32 s8, $0x53;
	s7 =	sadd.s32 @p1 $0x380, s7  }
0x63: {  	[tilespmem:s22], [sflag:$0x8] =	stream.indirect.gather @p1 [hbm4b:s4+s13], $0x10, s7, s13, $0xb8;
	[tilespmem:$0xDE80] =	vst v63  }
0x64: {  	s7 =	simm.s32 @!p0 $0x4  }
0x65: {  	_ =	swait.ge @!p0 [sflag:s7], $0x7D0  }
0x66: {  	s9 =	sshll.u32 @!p0 s9, $0x7;
	[sflag:s7] =	ssyncset.done @!p0 $0x0  }
0x67: {  	s6 =	sadd.s32 $0x1000, s6;
	[sflag:s7] =	ssyncadd.s32 @!p0 $0xFFFFF830;
	s7 =	sand.u32 @!p0 $0x3FFFFF80, s9  }
0x68: {  	s12 =	simm.s32 @!p0 $0x6770;
	s9 =	simm.s32 @!p0 $0x7D;
	s7 =	sadd.s32 @!p0 $0x2800, s7  }
0x69: {  	[spmem:s2] =	stream.indirect.scatter.add.f32 @!p0 [tilespmem:s12], [sflag:$0xC], $0x10, s7, s9, $0xb8;
	[tilespmem:$0xDE80] =	vst v63  }
0x6a: {  	p0 =	sne.s32 s6, $0xB000  }
.Ltmp4:
0x6b: {  	_ = 	snop;
	(pc) =	sbr.rel @!p0 .LBB2_8-.Ltmp4, $2  }
0x6c: {  	_ =	sdelay $0x2  }
0x6d: {  	s8 =	sadd.s32 $0x8, s8  }
.LBB2_4:
0x6e: {  	p0 =	seq.s32 s6, $0x0  }
.Ltmp5:
0x6f: {  	_ = 	snop;
	(pc) =	sbr.rel @p0 .LBB2_10-.Ltmp5, $1  }
0x70: {  	_ =	sdelay $0x3  }
0x71: {  	_ =	swait.ge [sflag:s25], $0x7D0;
	p1 =	seq.s32 s6, $0xA000  }
0x72: {  	[sflag:s25] =	ssyncset.done $0x0;
	s9 =	sshra.s32 @!p1 s6, $0x2  }
0x73: {  	s7 =	simm.s32 @!p1 $0x7D;
	s12 =	simm.s32 @!p1 $0x5000;
	[sflag:s25] =	ssyncadd.s32 $0xFFFFF830  }
0x74: {  	[tilespmem:s12], [sflag:$0x1] =	stream.indirect.gather @!p1 [hbm4b:s4+s7], $0x10, s9, s7, $0xb8;
	[tilespmem:$0xDE80] =	vst v63  }
0x75: {  	s12 =	smov.u32 s6  }
0x76: {  	s12 =	simm.s32 @p1 $0xA000;
	_ =	swait.ge [sflag:s26], $0x7D0  }
0x77: {  	[sflag:s26] =	ssyncset.done $0x0;
	s14 =	sshra.s32 s12, $0x2  }
0x78: {  	[sflag:s26] =	ssyncadd.s32 $0xFFFFF830;
	s12 =	sadd.s32 $0x2600, s14  }
0x79: {  	[spmem:s2] =	stream.indirect.scatter.add.f32 [tilespmem:s21], [sflag:$0xD], $0x10, s12, s13, $0xb8;
	[tilespmem:$0xDE80] =	vst v63  }
0x7a: {  	_ =	swait.ge [sflag:s28], $0x7D0  }
0x7b: {  	[sflag:s28] =	ssyncset.done $0x0  }
0x7c: {  	s15 =	simm.s32 @!p1 $0x57D0;
	s12 =	sadd.s32 @!p1 $0x80, s9;
	[sflag:s28] =	ssyncadd.s32 $0xFFFFF830  }
0x7d: {  	[tilespmem:s15], [sflag:$0x2] =	stream.indirect.gather @!p1 [hbm4b:s4+s7], $0x10, s12, s7, $0xb8;
	[tilespmem:$0xDE80] =	vst v63  }
0x7e: {  	_ =	swait.ge [sflag:s29], $0x7D0  }
0x7f: {  	[sflag:s29] =	ssyncset.done $0x0  }
0x80: {  	s16 =	sadd.s32 $0x2680, s14;
	[sflag:s29] =	ssyncadd.s32 $0xFFFFF830  }
0x81: {  	[spmem:s2] =	stream.indirect.scatter.add.f32 [tilespmem:s24], [sflag:$0xE], $0x10, s16, s13, $0xb8;
	[tilespmem:$0xDE80] =	vst v63  }
0x82: {  	_ =	swait.ge [sflag:s30], $0x7D0  }
0x83: {  	[sflag:s30] =	ssyncset.done $0x0  }
0x84: {  	s15 =	sadd.s32 @!p1 $0x100, s9;
	s16 =	simm.s32 @!p1 $0x5FA0;
	[sflag:s30] =	ssyncadd.s32 $0xFFFFF830  }
0x85: {  	[tilespmem:s16], [sflag:$0x3] =	stream.indirect.gather @!p1 [hbm4b:s4+s7], $0x10, s15, s7, $0xb8;
	[tilespmem:$0xDE80] =	vst v63  }
0x86: {  	_ =	swait.ge [sflag:s31], $0x7D0  }
0x87: {  	[sflag:s31] =	ssyncset.done $0x0  }
0x88: {  	s16 =	sadd.s32 $0x2700, s14;
	[sflag:s31] =	ssyncadd.s32 $0xFFFFF830  }
0x89: {  	[spmem:s2] =	stream.indirect.scatter.add.f32 [tilespmem:s23], [sflag:$0xF], $0x10, s16, s13, $0xb8;
	[tilespmem:$0xDE80] =	vst v63  }
0x8a: {  	_ =	swait.ge [sflag:s0], $0x7D0  }
0x8b: {  	[sflag:s0] =	ssyncset.done $0x0  }
0x8c: {  	s9 =	sadd.s32 @!p1 $0x180, s9;
	s15 =	simm.s32 @!p1 $0x6770;
	[sflag:s0] =	ssyncadd.s32 $0xFFFFF830  }
0x8d: {  	[tilespmem:s15], [sflag:$0x4] =	stream.indirect.gather @!p1 [hbm4b:s4+s7], $0x10, s9, s7, $0xb8;
	[tilespmem:$0xDE80] =	vst v63  }
0x8e: {  	_ =	swait.ge [sflag:s1], $0x7D0  }
0x8f: {  	[sflag:s1] =	ssyncset.done $0x0  }
0x90: {  	s16 =	sadd.s32 $0x2780, s14;
	[sflag:s1] =	ssyncadd.s32 $0xFFFFF830  }
0x91: {  	[spmem:s2] =	stream.indirect.scatter.add.f32 [tilespmem:s22], [sflag:$0x10], $0x10, s16, s13, $0xb8;
	[tilespmem:$0xDE80] =	vst v63  }
.Ltmp6:
0x92: {  	_ = 	snop;
	(pc) =	sbr.rel @p1 .LBB2_7-.Ltmp6, $4  }
.Ltmp7:
0x93: {  	_ = 	snop;
	(pc) =	sbr.rel @!p1 .LBB2_6-.Ltmp7, $4  }
0x94: {  	_ =	swait.ge [sflag:s11], $0x7D0  }
0x95: {  	s12 =	sadd.s32 $0xFFFFFFFA, s8;
	s14 =	sadd.s32 $0xFFFFFFFD, s8;
	[sflag:s11] =	ssyncset.done $0x0  }
0x96: {  	s7 =	sadd.s32 $0xFFFFFFFB, s8;
	s9 =	sadd.s32 $0xFFFFFFFC, s8;
	[sflag:s11] =	ssyncadd.s32 $0xFFFFF830  }
0x97: {  	_ = 	snop  }
.LBB2_9:
0x98: {  	_ =	sfence.sel $0x180000  }
0x99: {  	[bflag:$0x0] =	sbarrier.arrive $0xFFFF  }
0x9a: {  	_ =	strace $0x9000004A  }
0x9b: {  	s0 =	stileid.u32;
	[bflag:$0x2] =	sbarrier.arrive $0xFFFF  }
0x9c: {  	p0 =	sne.s32 s0, $0x0;
	s0 =	rddreg [dreg:$0x2]  }
0x9d: {  	s0 =	sadd.s32 @!p0 $0x100000, s0  }
0x9e: {  	[sflag:s0] =	ssyncadd.tile.s32 @!p0 $0x1;
	_ =	shalt  }
.Lfunc_end2:
_tile_overlayer_lowered:
.L_overlay_start_2:
0x9f: {  	(tag) =	ssettag $0x2  }
0xa0: {  	s0 =	rddreg [dreg:$0x0];
	s2 =	stileid.u32  }
0xa1: {  	s1 =	rddreg [dreg:$0x1];
	p0 =	sne.s32 s2, $0x0  }
0xa2: {  	s3 =	rddreg [dreg:$0x2];
	[bflag:$0x3] =	sbarrier.arrive $0xFFFF;
	s2 =	simm.s32 @!p0 $0x1C11  }
0xa3: {  	[timem:s3], [sflag:s2] =	dma.local @!p0 [hbm:s0], s1  }
0xa4: {  	s0 =	simm.s32 @!p0 $0x11  }
0xa5: {  	_ =	swait.ge @!p0 [sflag:s0], s1  }
0xa6: {  	s1 =	ssub.s32 @!p0 $0x0, s1;
	[sflag:s0] =	ssyncset.done @!p0 $0x0  }
0xa7: {  	[sflag:s0] =	ssyncadd.s32 @!p0 s1  }
0xa8: {  	[bflag:$0x3] =	sbarrier.arrive $0xFFFF  }
0xa9: {  	_ =	shalt  }

// kernel: kernel.14.cloned.1.call-start
scs
__scs_entry_jumppad:
0x0: {  	(pc) =	sbr.rel $0x88, $3  }
0x1: {  	(tag) =	ssettag $0x0;
	lr =	simm.s32 $0x1  }
0x2: {  	[smem:$0x3F9B] =	sst lr;
	_ =	strace $0xD0000000  }
0x3: {  	_ = 	snop  }
0x4: {  	_ = 	snop  }
0x5: {  	_ = 	snop  }
0x6: {  	_ = 	snop  }
0x7: {  	_ = 	snop  }
__scs_overlays_trampoline_lowered:
0x8: {  	[smem:$0x3FAA] =	sst s0  }
0x9: {  	[smem:$0x3FAB] =	sst s1  }
0xa: {  	[smem:$0x3FAC] =	sst s2  }
0xb: {  	[smem:$0x3FAD] =	sst s3  }
0xc: {  	[smem:$0x3FAE] =	sst s4  }
0xd: {  	[smem:$0x3FAF] =	sst s5  }
0xe: {  	[smem:$0x3FB0] =	sst s6  }
0xf: {  	[smem:$0x3FB1] =	sst s7  }
0x10: {  	[smem:$0x3FB2] =	sst s8  }
0x11: {  	[smem:$0x3FB3] =	sst s9;
	s0 =	simm.s32 @!p0 $0x0  }
0x12: {  	s1 =	sld [smem:$0x3F99];
	s0 =	simm.s32 @p0 $0x1  }
0x13: {  	[smem:$0x3FB4] =	sst s0;
	s0 =	simm.s32 @!p1 $0x0  }
0x14: {  	s2 =	sld [smem:$0x3F98];
	s0 =	simm.s32 @p1 $0x1  }
0x15: {  	[smem:$0x3FB5] =	sst s0;
	s0 =	simm.s32 @!p2 $0x0  }
0x16: {  	s3 =	sld [smem:$0x3FDB];
	s0 =	simm.s32 @p2 $0x1  }
0x17: {  	s4 =	simm.s32 $0x1BF5;
	[smem:$0x3FB7] =	sst s0  }
0x18: {  	s0 =	sld [smem:$0x3F9A];
	_ =	swait.ge [sflag:s4], $0x0  }
0x19: {  	s7 =	sld [smem:$0x3F9B]  }
0x1a: {  	s8 =	sadd.s32 $0xFFFFE003, lr  }
0x1b: {  	s9 =	sadd.s32 $0xFFFFFEF7, lr;
	s5 =	simm.s32 $0xFFFFFFFF;
	p2 =	slt.u32 s8, $0xFFFFF086  }
0x1c: {  	p1 =	slt.u32 s9, $0xF7A;
	s5 =	simm.s32 @!p2 $0x0  }
0x1d: {  	s5 =	simm.s32 @p1 $0x1;
	p0 =	seq.s32 s7, s2  }
0x1e: {  	s7 =	smul.u32 @!p0 $0xF7A, s2;
	p2 =	seq.s32 @!p0 s5, $0x0  }
0x1f: {  	s9 =	smul.u32 $0xF7A, s1;
	s8 =	simm.s32 @!p0 $0x1BF5;
	p2 =	por !p2, p0  }
0x20: {  	[sflag:s8] =	ssyncset.s32 @!p0 $0xFFFFF086;
	s6 =	sadd.s32 @!p0 s3, s7;
	s7 =	simm.s32 @!p0 $0x108  }
0x21: {  	s3 =	sadd.s32 s3, s9;
	s6 =	sadd.s32 @!p0 $0x88, s6;
	s7 =	simm.s32 @p2 $0x1082  }
0x22: {  	[simem:s7], [sflag:s8] =	dma.local @!p0 [hbm:s6], $0xF7A  }
0x23: {  	s9 =	sor.u32 $0xD0000000, s2;
	s6 =	simm.s32 $0x108;
	_ =	swait.ge @!p0 [sflag:s8], $0x0  }
0x24: {  	s3 =	sadd.s32 $0x88, s3;
	s6 =	simm.s32 @!p1 $0x1082;
	[sflag:s4] =	ssyncset.s32 $0xFFFFF086  }
0x25: {  	[simem:s6], [sflag:s4] =	dma.local [hbm:s3], $0xF7A  }
0x26: {  	[smem:$0x3F9B] =	sst s1;
	(tag) =	ssettag s2;
	_ =	strace s9  }
0x27: {  	s1 =	sld [smem:$0x3FAB]  }
0x28: {  	s2 =	sld [smem:$0x3FAC]  }
0x29: {  	s4 =	sld [smem:$0x3FAE]  }
0x2a: {  	p0 =	seq.s32 s5, $0x0;
	s5 =	sld [smem:$0x3FAF]  }
0x2b: {  	s6 =	sld [smem:$0x3FB0]  }
0x2c: {  	s7 =	sld [smem:$0x3FB1]  }
0x2d: {  	s3 =	simm.s32 $0x108;
	s8 =	sld [smem:$0x3FB2]  }
0x2e: {  	s3 =	simm.s32 @!p0 $0x1082;
	s9 =	sld [smem:$0x3FB3]  }
0x2f: {  	lr =	sadd.s32 s0, s3;
	s0 =	sld [smem:$0x3FAA]  }
0x30: {  	s3 =	sld [smem:$0x3FAD]  }
0x31: {  	[smem:$0x3FB6] =	sst s10  }
0x32: {  	s10 =	sld [smem:$0x3FB4];
	_ =	sdelay $0x3  }
0x33: {  	p0 =	seq.s32 s10, $0x1;
	s10 =	sld [smem:$0x3FB6];
	_ =	sdelay $0x3  }
0x34: {  	[smem:$0x3FB6] =	sst s10  }
0x35: {  	s10 =	sld [smem:$0x3FB5];
	_ =	sdelay $0x3  }
0x36: {  	p1 =	seq.s32 s10, $0x1;
	s10 =	sld [smem:$0x3FB6];
	_ =	sdelay $0x3  }
0x37: {  	[smem:$0x3FB6] =	sst s10  }
0x38: {  	s10 =	sld [smem:$0x3FB7]  }
0x39: {  	_ = 	snop;
	(pc) =	sbr.ind lr, $3  }
0x3a: {  	_ = 	snop  }
0x3b: {  	_ = 	snop  }
0x3c: {  	p2 =	seq.s32 s10, $0x1;
	s10 =	sld [smem:$0x3FB6]  }
0x3d: {  	_ =	shalt  }
0x3e: {  	_ =	shalt  }
0x3f: {  	_ =	shalt  }
0x40: {  	_ =	shalt  }
0x41: {  	_ =	shalt  }
0x42: {  	_ =	shalt  }
0x43: {  	_ =	shalt  }
0x44: {  	_ =	shalt  }
0x45: {  	_ =	shalt  }
0x46: {  	_ =	shalt  }
0x47: {  	_ =	shalt  }
0x48: {  	_ =	shalt  }
0x49: {  	_ =	shalt  }
0x4a: {  	_ =	shalt  }
0x4b: {  	_ =	shalt  }
0x4c: {  	_ =	shalt  }
0x4d: {  	_ =	shalt  }
0x4e: {  	_ =	shalt  }
0x4f: {  	_ =	shalt  }
0x50: {  	_ =	shalt  }
0x51: {  	_ =	shalt  }
0x52: {  	_ =	shalt  }
0x53: {  	_ =	shalt  }
0x54: {  	_ =	shalt  }
0x55: {  	_ =	shalt  }
0x56: {  	_ =	shalt  }
0x57: {  	_ =	shalt  }
0x58: {  	_ =	shalt  }
0x59: {  	_ =	shalt  }
0x5a: {  	_ =	shalt  }
0x5b: {  	_ =	shalt  }
0x5c: {  	_ =	shalt  }
0x5d: {  	_ =	shalt  }
0x5e: {  	_ =	shalt  }
0x5f: {  	_ =	shalt  }
0x60: {  	_ =	shalt  }
0x61: {  	_ =	shalt  }
0x62: {  	_ =	shalt  }
0x63: {  	_ =	shalt  }
0x64: {  	_ =	shalt  }
0x65: {  	_ =	shalt  }
0x66: {  	_ =	shalt  }
0x67: {  	_ =	shalt  }
0x68: {  	_ =	shalt  }
0x69: {  	_ =	shalt  }
0x6a: {  	_ =	shalt  }
0x6b: {  	_ =	shalt  }
0x6c: {  	_ =	shalt  }
0x6d: {  	_ =	shalt  }
0x6e: {  	_ =	shalt  }
0x6f: {  	_ =	shalt  }
0x70: {  	_ =	shalt  }
0x71: {  	_ =	shalt  }
0x72: {  	_ =	shalt  }
0x73: {  	_ =	shalt  }
0x74: {  	_ =	shalt  }
0x75: {  	_ =	shalt  }
0x76: {  	_ =	shalt  }
0x77: {  	_ =	shalt  }
0x78: {  	_ =	shalt  }
0x79: {  	_ =	shalt  }
0x7a: {  	_ =	shalt  }
0x7b: {  	_ =	shalt  }
0x7c: {  	_ =	shalt  }
0x7d: {  	_ =	shalt  }
0x7e: {  	_ =	shalt  }
0x7f: {  	_ =	shalt  }
0x80: {  	_ =	shalt  }
0x81: {  	_ =	shalt  }
0x82: {  	_ =	shalt  }
0x83: {  	_ =	shalt  }
0x84: {  	_ =	shalt  }
0x85: {  	_ =	shalt  }
0x86: {  	_ =	shalt  }
0x87: {  	_ =	shalt  }
.Lfunc_end0:
.L_simem_size_0:
called_computation.2_lowered:
.L_overlay_start_0:
0x88: {  	s2 =	sld [smem:$0x3FD9]  }
0x89: {  	s3 =	sld [smem:$0x3FFE];
	_ =	sdelay $0x1  }
0x8a: {  	s1 =	srdreg.scid  }
0x8b: {  	s0 =	sand.u32 $0x1, s1  }
0x8c: {  	s16 =	sshll.u32 s0, $0xA;
	s2 =	sadd.s32 s3, s2  }
0x8d: {  	s2 =	sadd.s32 s2, s16  }
0x8e: {  	[smem:$0x3FC2] =	sst s2  }
0x8f: {  	_ = 	snop  }
0x90: {  	(tm) =	ssettm $0x1  }
0x91: {  	s17 =	sld [smem:$0x3FFB];
	_ =	sdelay $0x3  }
0x92: {  	_ =	strace s17  }
0x93: {  	s2 =	sld [smem:$0x3FFC];
	_ =	sdelay $0x3  }
0x94: {  	_ =	strace s2  }
0x95: {  	s2 =	sld [smem:$0x3FFD];
	_ =	sdelay $0x3  }
0x96: {  	_ =	strace s2  }
0x97: {  	_ =	strace $0x8FFFFFFF  }
0x98: {  	s18 =	sld [smem:$0x3FDB];
	_ =	sdelay $0x1  }
0x99: {  	s19 =	simm.s32 $_scs_section_size  }
0x9a: {  	s4 =	simm.s32 $_size__tile_overlayer_lowered;
	s5 =	simm.s32 $_tile_overlayer_lowered  }
0x9b: {  	s22 =	simm.s32 $0x1BFF;
	s21 =	sshll.u32 s5, $0x1;
	s2 =	sadd.s32 s19, s18  }
0x9c: {  	s6 =	simm.s32 $0x0;
	s20 =	sshll.u32 s4, $0x1;
	s4 =	sadd.s32 s21, s2  }
0x9d: {  	[timem:s6], [sflag:s22] =	dma.local [hbm:s4], s20  }
0x9e: {  	_ =	swait.ge [sflag:s22], s20  }
0x9f: {  	s3 =	ssub.s32 $0x0, s20;
	[sflag:s22] =	ssyncset.done $0x0  }
0xa0: {  	[sflag:s22] =	ssyncadd.s32 s3;
	_ =	sdelay $0x1  }
0xa1: {  	s23 =	simm.s32 $0x1B8B  }
0xa2: {  	_ =	swait.ge [sflag:s23], $0x1  }
0xa3: {  	[sflag:s23] =	ssyncset.done $0x0  }
0xa4: {  	s25 =	simm.s32 $0x1B8E;
	s24 =	sld [smem:$0x3FFE];
	[sflag:s23] =	ssyncadd.s32 $0xFFFFFFFF  }
0xa5: {  	s26 =	simm.s32 $execute0_lowered;
	[smem:$0x3FD2] =	sst s25  }
0xa6: {  	s4 =	sshll.u32 s26, $0x1;
	_ =	strace $0x8000004C;
	[dreg:$0x1] =	wrdreg $0xFFFFFFFF  }
0xa7: {  	s28 =	simm.s32 $_size_execute0_lowered;
	s2 =	sadd.s32 s2, s4;
	[dreg:$0x0] =	wrdreg $0x0  }
0xa8: {  	s4 =	sshll.u32 s28, $0x1;
	[dreg:$0x2] =	wrdreg s2  }
0xa9: {  	[dreg:$0x3] =	wrdreg s4  }
0xaa: {  	[dreg:$0x4] =	wrdreg $0xC0  }
0xab: {  	_ =	task [dreg:s6], $0x5FFFF  }
0xac: {  	[dreg:$0x1] =	wrdreg $0xFFFFFFFF  }
0xad: {  	[dreg:$0x0] =	wrdreg $0x60  }
0xae: {  	[dreg:$0x2] =	wrdreg s24  }
0xaf: {  	[dreg:$0x3] =	wrdreg $0xB6800  }
0xb0: {  	[dreg:$0x4] =	wrdreg $0x9  }
0xb1: {  	_ =	task.clear_ibuf [dreg:s6], $0x5FFFF;
	_ =	strace $0x9000004C  }
0xb2: {  	s29 =	simm.s32 $0x9;
	_ =	strace $0x8000004E  }
0xb3: {  	_ =	swait.ge [sflag:s29], $0x1  }
0xb4: {  	[sflag:s29] =	ssyncadd.s32 $0xFFFFFFFF  }
0xb5: {  	_ =	strace $0x9000004E  }
0xb6: {  	_ =	sfence  }
0xb7: {  	s30 =	sld [smem:$0x0];
	_ =	sdelay $0x2  }
0xb8: {  	s31 =	sshll.u32 s1, $0xD;
	s1 =	sshrl.u32 s1, $0x2  }
0xb9: {  	s3 =	sand.u32 $0x4000, s31;
	s1 =	sadd.s32 s1, s30  }
0xba: {  	s0 =	sor.u32 s3, s0;
	s1 =	sshll.u32 s1, $0x11  }
0xbb: {  	s0 =	sor.u32 s1, s0  }
0xbc: {  	s0 =	sadd.s32 $0x8F2B, s0  }
0xbd: {  	[sflag:s0] =	ssyncadd.remote.s32 $0x1  }
0xbe: {  	_ =	sfence.sel $0xFFFF  }
0xbf: {  	[dreg:$0x0] =	wrdreg $0xFFFFFFFF;
	(pc) =	sbr.abs _section_cstart, $3  }
0xc0: {  	[dreg:$0x1] =	wrdreg $0xFFFFFFFF  }
0xc1: {  	_ =	task.clear_ibuf [dreg:s6], $0x2FFFF;
	_ =	strace $0x9FFFFFFF  }
0xc2: {  	(tm) =	ssettm $0x7FFFFFFF  }
0xc3: {  	_ =	shalt  }
tec
execute0_lowered:
.L_overlay_start_1:
0x0: {  	(tag) =	ssettag $0x1  }
0x1: {  	s0 =	rddreg [dreg:$0x0]  }
0x2: {  	s2 =	rddreg [dreg:$0x1];
	s1 =	srdreg.scid  }
0x3: {  	s6 =	stileid.u32;
	s3 =	simm.s32 $0x0;
	s10 =	simm.s32 $0x11  }
0x4: {  	s9 =	simm.s32 $0x8E80;
	s13 =	simm.s32 $0x7D;
	s17 =	simm.s32 $0x100  }
0x5: {  	s18 =	simm.s32 $0x5FA0;
	s19 =	simm.s32 $0x180;
	s20 =	simm.s32 $0x6770  }
0x6: {  	s21 =	simm.s32 $0x6F40;
	s22 =	simm.s32 $0x86B0;
	s28 =	simm.s32 $0xA  }
0x7: {  	s29 =	simm.s32 $0x6;
	s30 =	simm.s32 $0xB;
	s31 =	simm.s32 $0x7  }
0x8: {  	s11 =	simm.s32 $0xD;
	s1 =	sand.u32 $0x1, s1;
	s5 =	smul.u32 $0x2800, s6  }
0x9: {  	[smem:$0x7FF] =	sst s3;
	s4 =	sshll.u32 s1, $0x4;
	s23 =	smul.u32 $0x28000, s1  }
0xa: {  	_ =	strace $0x8000004D;
	s1 =	ssub.s32 $0x2, s1;
	s4 =	sor.u32 s6, s4  }
0xb: {  	s8 =	sshrl.u32 s1, $0x1;
	s7 =	smul.u32 $0x2800, s4;
	s4 =	sadd.s32 $0x2C00, s0  }
0xc: {  	s6 =	sadd.s32 s5, s23;
	s1 =	ssub.s32 s1, s8;
	s8 =	sadd.s32 s5, s2  }
0xd: {  	s23 =	simm.s32 $0x7EE0;
	s6 =	sshrl.u32 s6, $0x3;
	s7 =	sshrl.u32 s7, $0x3  }
0xe: {  	s26 =	smax.u32 s1, $0x1;
	[dreg:$0x5] =	wrdreg s8;
	s7 =	sadd.s32 s7, s0  }
.Ltmp0:
0xf: {  	[dreg:$0x7] =	wrdreg s26;
	s24 =	sadd.s32 $0x20600, s7;
	(pc) =	sbr.rel .LBB2_1-.Ltmp0, $4  }
0x10: {  	s0 =	sadd.s32 s6, s0;
	s25 =	sadd.s32 $0x2A600, s7;
	[dreg:$0x3] =	wrdreg s24  }
0x11: {  	s5 =	simm.s32 $0x0;
	s0 =	sadd.s32 $0x7C00, s0;
	[dreg:$0x4] =	wrdreg s25  }
0x12: {  	s1 =	simm.s32 $0x8;
	s26 =	simm.s32 $0x5;
	[dreg:$0x6] =	wrdreg s0  }
0x13: {  	v0 =	vimm.f32 $0.0e+00;
	s24 =	simm.s32 $0x7710;
	s25 =	simm.s32 $0x9;
	s0 =	simm.s32 $0xC  }
.LBB2_8:
0x14: {  	[bflag:$0x0] =	sbarrier.arrive $0xFFFF  }
0x15: {  	s9 =	simm.s32 $0x8E80;
	s8 =	rddreg [dreg:$0x5]  }
0x16: {  	[tilespmem:s9], [sflag:$0x11] =	stream.linear.gather [spmem:s8], $0x2800, $0x38;
	[tilespmem:$0xDE80] =	vst v63  }
0x17: {  	_ =	swait.ge [sflag:s10], $0x2800  }
0x18: {  	[sflag:s10] =	ssyncset.done $0x0  }
0x19: {  	s6 =	rddreg [dreg:$0x6];
	[sflag:s10] =	ssyncadd.s32 $0xFFFFD800  }
0x1a: {  	[hbm4b:s6+s3] =	stream.linear.scatter [tilespmem:s9], [sflag:$0x11], $0x2800, $0x38;
	[tilespmem:$0xDE80] =	vst v63  }
0x1b: {  	_ =	swait.ge [sflag:s10], $0x2800  }
0x1c: {  	s5 =	sadd.s32 $0x1, s5;
	s16 =	rddreg [dreg:$0x7]  }
0x1d: {  	p0 =	sne.s32 s5, s16  }
.Ltmp1:
0x1e: {  	_ = 	snop;
	(pc) =	sbr.rel @!p0 .LBB2_9-.Ltmp1, $3  }
0x1f: {  	_ =	sdelay $0x1  }
0x20: {  	[sflag:s10] =	ssyncset.done $0x0  }
0x21: {  	[sflag:s10] =	ssyncadd.s32 $0xFFFFD800  }
.LBB2_1:
0x22: {  	s6 =	rddreg [dreg:$0x3]  }
0x23: {  	[tilespmem:s3], [sflag:$0x11] =	stream.linear.gather [hbm4b:s6+s3], $0x2800, $0x38;
	[tilespmem:$0xDE80] =	vst v63  }
0x24: {  	_ =	swait.ge [sflag:s10], $0x2800  }
0x25: {  	[sflag:s10] =	ssyncset.done $0x0  }
0x26: {  	s7 =	simm.s32 $0x2800;
	s16 =	rddreg [dreg:$0x4];
	[sflag:s10] =	ssyncadd.s32 $0xFFFFD800  }
0x27: {  	[tilespmem:s7], [sflag:$0x11] =	stream.linear.gather [hbm4b:s16+s3], $0x2800, $0x38;
	[tilespmem:$0xDE80] =	vst v63  }
0x28: {  	_ =	swait.ge [sflag:s10], $0x2800  }
0x29: {  	[sflag:s10] =	ssyncset.done $0x0  }
0x2a: {  	s6 =	simm.s32 $0x40;
	s7 =	simm.s32 $0x0;
	[sflag:s10] =	ssyncadd.s32 $0xFFFFD800  }
.LBB2_2:
0x2b: {  	p0 =	sne.s32 s6, $0x9FC0;
	[tilespmem:s7+$0x8E80] =	vst v0;
	s7 =	smov.u32 s6;
	s6 =	sadd.s32 $0x40, s6  }
.Ltmp2:
0x2c: {  	(pc) =	sbr.rel @p0 .LBB2_2-.Ltmp2, $2  }
0x2d: {  	_ =	sdelay $0x2  }
0x2e: {  	s7 =	sshra.s32 s7, $0x2  }
0x2f: {  	[tilespmem:s7+$0x8E80] =	vst v0  }
0x30: {  	[spmem:s8] =	stream.linear.scatter [tilespmem:s9], [sflag:$0x11], $0x2800, $0x38;
	[tilespmem:$0xDE80] =	vst v63  }
.Ltmp3:
0x31: {  	_ =	swait.ge [sflag:s10], $0x2800;
	(pc) =	sbr.rel .LBB2_4-.Ltmp3, $4  }
0x32: {  	[sflag:s10] =	ssyncset.done $0x0  }
0x33: {  	[sflag:s10] =	ssyncadd.s32 $0xFFFFD800  }
0x34: {  	[bflag:$0x0] =	sbarrier.arrive $0xFFFF  }
0x35: {  	s6 =	simm.s32 $0x0;
	s8 =	simm.s32 $0x7  }
.LBB2_10:
0x36: {  	s7 =	simm.s32 $0x5000  }
0x37: {  	[tilespmem:s7], [sflag:$0x1] =	stream.indirect.gather [hbm4b:s4+s13], $0x10, s3, s13, $0xb8;
	[tilespmem:$0xDE80] =	vst v63  }
0x38: {  	s16 =	simm.s32 $0x80;
	s9 =	simm.s32 $0x57D0  }
0x39: {  	[tilespmem:s9], [sflag:$0x2] =	stream.indirect.gather [hbm4b:s4+s13], $0x10, s16, s13, $0xb8;
	[tilespmem:$0xDE80] =	vst v63  }
0x3a: {  	s12 =	simm.s32 $0x1  }
0x3b: {  	[tilespmem:s18], [sflag:$0x3] =	stream.indirect.gather [hbm4b:s4+s13], $0x10, s17, s13, $0xb8;
	[tilespmem:$0xDE80] =	vst v63  }
0x3c: {  	s14 =	simm.s32 $0x4;
	s7 =	simm.s32 $0x2;
	s9 =	simm.s32 $0x3  }
0x3d: {  	[tilespmem:s20], [sflag:$0x4] =	stream.indirect.gather [hbm4b:s4+s13], $0x10, s19, s13, $0xb8;
	[tilespmem:$0xDE80] =	vst v63  }
.LBB2_6:
0x3e: {  	s15 =	sshll.u32 s14, $0x7  }
0x3f: {  	s15 =	sand.u32 $0x3FFFFF80, s15  }
0x40: {  	[tilespmem:s21], [sflag:$0x5] =	stream.indirect.gather [hbm4b:s4+s13], $0x10, s15, s13, $0xb8;
	[tilespmem:$0xDE80] =	vst v63  }
.LBB2_7:
0x41: {  	p1 =	sgt.u32 s14, $0x53  }
0x42: {  	s14 =	simm.s32 @!p1 $0x1  }
0x43: {  	_ =	swait.ge @!p1 [sflag:s14], $0x7D0  }
0x44: {  	[sflag:s14] =	ssyncset.done @!p1 $0x0  }
0x45: {  	[sflag:s14] =	ssyncadd.s32 @!p1 $0xFFFFF830;
	s14 =	sshra.s32 @!p1 s6, $0x2  }
0x46: {  	s15 =	simm.s32 @!p1 $0x7D;
	s16 =	simm.s32 @!p1 $0x5000;
	s14 =	sadd.s32 @!p1 $0x2800, s14  }
0x47: {  	[spmem:s2] =	stream.indirect.scatter.add.f32 @!p1 [tilespmem:s16], [sflag:$0x9], $0x10, s14, s15, $0xb8;
	[tilespmem:$0xDE80] =	vst v63  }
0x48: {  	s14 =	simm.s32 @!p0 $0xE  }
0x49: {  	p1 =	seq.s32 @!p0 s6, $0xA000;
	_ =	swait.ge @!p0 [sflag:s14], $0x7D0  }
0x4a: {  	p1 =	por p0, !p1;
	[sflag:s14] =	ssyncset.done @!p0 $0x0  }
0x4b: {  	s15 =	sadd.s32 $0xFFFFFFFE, s8;
	[sflag:s14] =	ssyncadd.s32 @!p0 $0xFFFFF830;
	s14 =	sshra.s32 @p1 s6, $0x2  }
0x4c: {  	p2 =	sgt.u32 s15, $0x53;
	s14 =	sadd.s32 @p1 $0x280, s14  }
0x4d: {  	[tilespmem:s24], [sflag:$0x6] =	stream.indirect.gather @p1 [hbm4b:s4+s13], $0x10, s14, s13, $0xb8;
	[tilespmem:$0xDE80] =	vst v63  }
0x4e: {  	s14 =	simm.s32 @!p2 $0x2  }
0x4f: {  	s12 =	sshll.u32 @!p2 s12, $0x7;
	_ =	swait.ge @!p2 [sflag:s14], $0x7D0  }
0x50: {  	s15 =	simm.s32 @!p2 $0x57D0;
	s12 =	sand.u32 @!p2 $0x3FFFFF80, s12;
	[sflag:s14] =	ssyncset.done @!p2 $0x0  }
0x51: {  	s12 =	sadd.s32 @!p2 $0x2800, s12;
	[sflag:s14] =	ssyncadd.s32 @!p2 $0xFFFFF830;
	s14 =	simm.s32 @!p2 $0x7D  }
0x52: {  	[spmem:s2] =	stream.indirect.scatter.add.f32 @!p2 [tilespmem:s15], [sflag:$0xA], $0x10, s12, s14, $0xb8;
	[tilespmem:$0xDE80] =	vst v63  }
0x53: {  	s12 =	simm.s32 @!p0 $0xF  }
0x54: {  	_ =	swait.ge @!p0 [sflag:s12], $0x7D0  }
0x55: {  	[sflag:s12] =	ssyncset.done @!p0 $0x0  }
0x56: {  	s16 =	sadd.s32 $0xFFFFFFFF, s8;
	[sflag:s12] =	ssyncadd.s32 @!p0 $0xFFFFF830;
	s12 =	sshra.s32 @p1 s6, $0x2  }
0x57: {  	p2 =	sgt.u32 s16, $0x53;
	s12 =	sadd.s32 @p1 $0x300, s12  }
0x58: {  	[tilespmem:s23], [sflag:$0x7] =	stream.indirect.gather @p1 [hbm4b:s4+s13], $0x10, s12, s13, $0xb8;
	[tilespmem:$0xDE80] =	vst v63  }
0x59: {  	s12 =	simm.s32 @!p2 $0x3  }
0x5a: {  	s7 =	sshll.u32 @!p2 s7, $0x7;
	_ =	swait.ge @!p2 [sflag:s12], $0x7D0  }
0x5b: {  	s14 =	simm.s32 @!p2 $0x5FA0;
	s7 =	sand.u32 @!p2 $0x3FFFFF80, s7;
	[sflag:s12] =	ssyncset.done @!p2 $0x0  }
0x5c: {  	s7 =	sadd.s32 @!p2 $0x2800, s7;
	[sflag:s12] =	ssyncadd.s32 @!p2 $0xFFFFF830;
	s12 =	simm.s32 @!p2 $0x7D  }
0x5d: {  	[spmem:s2] =	stream.indirect.scatter.add.f32 @!p2 [tilespmem:s14], [sflag:$0xB], $0x10, s7, s12, $0xb8;
	[tilespmem:$0xDE80] =	vst v63  }
0x5e: {  	s7 =	simm.s32 @!p0 $0x10  }
0x5f: {  	_ =	swait.ge @!p0 [sflag:s7], $0x7D0  }
0x60: {  	[sflag:s7] =	ssyncset.done @!p0 $0x0  }
0x61: {  	[sflag:s7] =	ssyncadd.s32 @!p0 $0xFFFFF830;
	s7 =	sshra.s32 @p1 s6, $0x2  }
0x62: {  	p0 =	sgt.u32 s8, $0x53;
	s7 =	sadd.s32 @p1 $0x380, s7  }
0x63: {  	[tilespmem:s22], [sflag:$0x8] =	stream.indirect.gather @p1 [hbm4b:s4+s13], $0x10, s7, s13, $0xb8;
	[tilespmem:$0xDE80] =	vst v63  }
0x64: {  	s7 =	simm.s32 @!p0 $0x4  }
0x65: {  	_ =	swait.ge @!p0 [sflag:s7], $0x7D0  }
0x66: {  	s9 =	sshll.u32 @!p0 s9, $0x7;
	[sflag:s7] =	ssyncset.done @!p0 $0x0  }
0x67: {  	s6 =	sadd.s32 $0x1000, s6;
	[sflag:s7] =	ssyncadd.s32 @!p0 $0xFFFFF830;
	s7 =	sand.u32 @!p0 $0x3FFFFF80, s9  }
0x68: {  	s12 =	simm.s32 @!p0 $0x6770;
	s9 =	simm.s32 @!p0 $0x7D;
	s7 =	sadd.s32 @!p0 $0x2800, s7  }
0x69: {  	[spmem:s2] =	stream.indirect.scatter.add.f32 @!p0 [tilespmem:s12], [sflag:$0xC], $0x10, s7, s9, $0xb8;
	[tilespmem:$0xDE80] =	vst v63  }
0x6a: {  	p0 =	sne.s32 s6, $0xB000  }
.Ltmp4:
0x6b: {  	_ = 	snop;
	(pc) =	sbr.rel @!p0 .LBB2_8-.Ltmp4, $2  }
0x6c: {  	_ =	sdelay $0x2  }
0x6d: {  	s8 =	sadd.s32 $0x8, s8  }
.LBB2_4:
0x6e: {  	p0 =	seq.s32 s6, $0x0  }
.Ltmp5:
0x6f: {  	_ = 	snop;
	(pc) =	sbr.rel @p0 .LBB2_10-.Ltmp5, $1  }
0x70: {  	_ =	sdelay $0x3  }
0x71: {  	_ =	swait.ge [sflag:s25], $0x7D0;
	p1 =	seq.s32 s6, $0xA000  }
0x72: {  	[sflag:s25] =	ssyncset.done $0x0;
	s9 =	sshra.s32 @!p1 s6, $0x2  }
0x73: {  	s7 =	simm.s32 @!p1 $0x7D;
	s12 =	simm.s32 @!p1 $0x5000;
	[sflag:s25] =	ssyncadd.s32 $0xFFFFF830  }
0x74: {  	[tilespmem:s12], [sflag:$0x1] =	stream.indirect.gather @!p1 [hbm4b:s4+s7], $0x10, s9, s7, $0xb8;
	[tilespmem:$0xDE80] =	vst v63  }
0x75: {  	s12 =	smov.u32 s6  }
0x76: {  	s12 =	simm.s32 @p1 $0xA000;
	_ =	swait.ge [sflag:s26], $0x7D0  }
0x77: {  	[sflag:s26] =	ssyncset.done $0x0;
	s14 =	sshra.s32 s12, $0x2  }
0x78: {  	[sflag:s26] =	ssyncadd.s32 $0xFFFFF830;
	s12 =	sadd.s32 $0x2600, s14  }
0x79: {  	[spmem:s2] =	stream.indirect.scatter.add.f32 [tilespmem:s21], [sflag:$0xD], $0x10, s12, s13, $0xb8;
	[tilespmem:$0xDE80] =	vst v63  }
0x7a: {  	_ =	swait.ge [sflag:s28], $0x7D0  }
0x7b: {  	[sflag:s28] =	ssyncset.done $0x0  }
0x7c: {  	s15 =	simm.s32 @!p1 $0x57D0;
	s12 =	sadd.s32 @!p1 $0x80, s9;
	[sflag:s28] =	ssyncadd.s32 $0xFFFFF830  }
0x7d: {  	[tilespmem:s15], [sflag:$0x2] =	stream.indirect.gather @!p1 [hbm4b:s4+s7], $0x10, s12, s7, $0xb8;
	[tilespmem:$0xDE80] =	vst v63  }
0x7e: {  	_ =	swait.ge [sflag:s29], $0x7D0  }
0x7f: {  	[sflag:s29] =	ssyncset.done $0x0  }
0x80: {  	s16 =	sadd.s32 $0x2680, s14;
	[sflag:s29] =	ssyncadd.s32 $0xFFFFF830  }
0x81: {  	[spmem:s2] =	stream.indirect.scatter.add.f32 [tilespmem:s24], [sflag:$0xE], $0x10, s16, s13, $0xb8;
	[tilespmem:$0xDE80] =	vst v63  }
0x82: {  	_ =	swait.ge [sflag:s30], $0x7D0  }
0x83: {  	[sflag:s30] =	ssyncset.done $0x0  }
0x84: {  	s15 =	sadd.s32 @!p1 $0x100, s9;
	s16 =	simm.s32 @!p1 $0x5FA0;
	[sflag:s30] =	ssyncadd.s32 $0xFFFFF830  }
0x85: {  	[tilespmem:s16], [sflag:$0x3] =	stream.indirect.gather @!p1 [hbm4b:s4+s7], $0x10, s15, s7, $0xb8;
	[tilespmem:$0xDE80] =	vst v63  }
0x86: {  	_ =	swait.ge [sflag:s31], $0x7D0  }
0x87: {  	[sflag:s31] =	ssyncset.done $0x0  }
0x88: {  	s16 =	sadd.s32 $0x2700, s14;
	[sflag:s31] =	ssyncadd.s32 $0xFFFFF830  }
0x89: {  	[spmem:s2] =	stream.indirect.scatter.add.f32 [tilespmem:s23], [sflag:$0xF], $0x10, s16, s13, $0xb8;
	[tilespmem:$0xDE80] =	vst v63  }
0x8a: {  	_ =	swait.ge [sflag:s0], $0x7D0  }
0x8b: {  	[sflag:s0] =	ssyncset.done $0x0  }
0x8c: {  	s9 =	sadd.s32 @!p1 $0x180, s9;
	s15 =	simm.s32 @!p1 $0x6770;
	[sflag:s0] =	ssyncadd.s32 $0xFFFFF830  }
0x8d: {  	[tilespmem:s15], [sflag:$0x4] =	stream.indirect.gather @!p1 [hbm4b:s4+s7], $0x10, s9, s7, $0xb8;
	[tilespmem:$0xDE80] =	vst v63  }
0x8e: {  	_ =	swait.ge [sflag:s1], $0x7D0  }
0x8f: {  	[sflag:s1] =	ssyncset.done $0x0  }
0x90: {  	s16 =	sadd.s32 $0x2780, s14;
	[sflag:s1] =	ssyncadd.s32 $0xFFFFF830  }
0x91: {  	[spmem:s2] =	stream.indirect.scatter.add.f32 [tilespmem:s22], [sflag:$0x10], $0x10, s16, s13, $0xb8;
	[tilespmem:$0xDE80] =	vst v63  }
.Ltmp6:
0x92: {  	_ = 	snop;
	(pc) =	sbr.rel @p1 .LBB2_7-.Ltmp6, $4  }
.Ltmp7:
0x93: {  	_ = 	snop;
	(pc) =	sbr.rel @!p1 .LBB2_6-.Ltmp7, $4  }
0x94: {  	_ =	swait.ge [sflag:s11], $0x7D0  }
0x95: {  	s12 =	sadd.s32 $0xFFFFFFFA, s8;
	s14 =	sadd.s32 $0xFFFFFFFD, s8;
	[sflag:s11] =	ssyncset.done $0x0  }
0x96: {  	s7 =	sadd.s32 $0xFFFFFFFB, s8;
	s9 =	sadd.s32 $0xFFFFFFFC, s8;
	[sflag:s11] =	ssyncadd.s32 $0xFFFFF830  }
0x97: {  	_ = 	snop  }
.LBB2_9:
0x98: {  	_ =	sfence.sel $0x180000  }
0x99: {  	[bflag:$0x0] =	sbarrier.arrive $0xFFFF  }
0x9a: {  	_ =	strace $0x9000004D  }
0x9b: {  	s0 =	stileid.u32;
	[bflag:$0x2] =	sbarrier.arrive $0xFFFF  }
0x9c: {  	p0 =	sne.s32 s0, $0x0;
	s0 =	rddreg [dreg:$0x2]  }
0x9d: {  	s0 =	sadd.s32 @!p0 $0x100000, s0  }
0x9e: {  	[sflag:s0] =	ssyncadd.tile.s32 @!p0 $0x1;
	_ =	shalt  }
.Lfunc_end2:
_tile_overlayer_lowered:
.L_overlay_start_2:
0x9f: {  	(tag) =	ssettag $0x2  }
0xa0: {  	s0 =	rddreg [dreg:$0x0];
	s2 =	stileid.u32  }
0xa1: {  	s1 =	rddreg [dreg:$0x1];
	p0 =	sne.s32 s2, $0x0  }
0xa2: {  	s3 =	rddreg [dreg:$0x2];
	[bflag:$0x3] =	sbarrier.arrive $0xFFFF;
	s2 =	simm.s32 @!p0 $0x1C11  }
0xa3: {  	[timem:s3], [sflag:s2] =	dma.local @!p0 [hbm:s0], s1  }
0xa4: {  	s0 =	simm.s32 @!p0 $0x11  }
0xa5: {  	_ =	swait.ge @!p0 [sflag:s0], s1  }
0xa6: {  	s1 =	ssub.s32 @!p0 $0x0, s1;
	[sflag:s0] =	ssyncset.done @!p0 $0x0  }
0xa7: {  	[sflag:s0] =	ssyncadd.s32 @!p0 s1  }
0xa8: {  	[bflag:$0x3] =	sbarrier.arrive $0xFFFF  }
0xa9: {  	_ =	shalt  }

// kernel: kernel.8.cloned.1.call-start
scs
__scs_entry_jumppad:
0x0: {  	(pc) =	sbr.rel $0x88, $3  }
0x1: {  	(tag) =	ssettag $0x0;
	lr =	simm.s32 $0x1  }
0x2: {  	[smem:$0x3F9B] =	sst lr;
	_ =	strace $0xD0000000  }
0x3: {  	_ = 	snop  }
0x4: {  	_ = 	snop  }
0x5: {  	_ = 	snop  }
0x6: {  	_ = 	snop  }
0x7: {  	_ = 	snop  }
__scs_overlays_trampoline_lowered:
0x8: {  	[smem:$0x3FAA] =	sst s0  }
0x9: {  	[smem:$0x3FAB] =	sst s1  }
0xa: {  	[smem:$0x3FAC] =	sst s2  }
0xb: {  	[smem:$0x3FAD] =	sst s3  }
0xc: {  	[smem:$0x3FAE] =	sst s4  }
0xd: {  	[smem:$0x3FAF] =	sst s5  }
0xe: {  	[smem:$0x3FB0] =	sst s6  }
0xf: {  	[smem:$0x3FB1] =	sst s7  }
0x10: {  	[smem:$0x3FB2] =	sst s8  }
0x11: {  	[smem:$0x3FB3] =	sst s9;
	s0 =	simm.s32 @!p0 $0x0  }
0x12: {  	s1 =	sld [smem:$0x3F99];
	s0 =	simm.s32 @p0 $0x1  }
0x13: {  	[smem:$0x3FB4] =	sst s0;
	s0 =	simm.s32 @!p1 $0x0  }
0x14: {  	s2 =	sld [smem:$0x3F98];
	s0 =	simm.s32 @p1 $0x1  }
0x15: {  	[smem:$0x3FB5] =	sst s0;
	s0 =	simm.s32 @!p2 $0x0  }
0x16: {  	s3 =	sld [smem:$0x3FDB];
	s0 =	simm.s32 @p2 $0x1  }
0x17: {  	s4 =	simm.s32 $0x1BF5;
	[smem:$0x3FB7] =	sst s0  }
0x18: {  	s0 =	sld [smem:$0x3F9A];
	_ =	swait.ge [sflag:s4], $0x0  }
0x19: {  	s7 =	sld [smem:$0x3F9B]  }
0x1a: {  	s8 =	sadd.s32 $0xFFFFE003, lr  }
0x1b: {  	s9 =	sadd.s32 $0xFFFFFEF7, lr;
	s5 =	simm.s32 $0xFFFFFFFF;
	p2 =	slt.u32 s8, $0xFFFFF086  }
0x1c: {  	p1 =	slt.u32 s9, $0xF7A;
	s5 =	simm.s32 @!p2 $0x0  }
0x1d: {  	s5 =	simm.s32 @p1 $0x1;
	p0 =	seq.s32 s7, s2  }
0x1e: {  	s7 =	smul.u32 @!p0 $0xF7A, s2;
	p2 =	seq.s32 @!p0 s5, $0x0  }
0x1f: {  	s9 =	smul.u32 $0xF7A, s1;
	s8 =	simm.s32 @!p0 $0x1BF5;
	p2 =	por !p2, p0  }
0x20: {  	[sflag:s8] =	ssyncset.s32 @!p0 $0xFFFFF086;
	s6 =	sadd.s32 @!p0 s3, s7;
	s7 =	simm.s32 @!p0 $0x108  }
0x21: {  	s3 =	sadd.s32 s3, s9;
	s6 =	sadd.s32 @!p0 $0x88, s6;
	s7 =	simm.s32 @p2 $0x1082  }
0x22: {  	[simem:s7], [sflag:s8] =	dma.local @!p0 [hbm:s6], $0xF7A  }
0x23: {  	s9 =	sor.u32 $0xD0000000, s2;
	s6 =	simm.s32 $0x108;
	_ =	swait.ge @!p0 [sflag:s8], $0x0  }
0x24: {  	s3 =	sadd.s32 $0x88, s3;
	s6 =	simm.s32 @!p1 $0x1082;
	[sflag:s4] =	ssyncset.s32 $0xFFFFF086  }
0x25: {  	[simem:s6], [sflag:s4] =	dma.local [hbm:s3], $0xF7A  }
0x26: {  	[smem:$0x3F9B] =	sst s1;
	(tag) =	ssettag s2;
	_ =	strace s9  }
0x27: {  	s1 =	sld [smem:$0x3FAB]  }
0x28: {  	s2 =	sld [smem:$0x3FAC]  }
0x29: {  	s4 =	sld [smem:$0x3FAE]  }
0x2a: {  	p0 =	seq.s32 s5, $0x0;
	s5 =	sld [smem:$0x3FAF]  }
0x2b: {  	s6 =	sld [smem:$0x3FB0]  }
0x2c: {  	s7 =	sld [smem:$0x3FB1]  }
0x2d: {  	s3 =	simm.s32 $0x108;
	s8 =	sld [smem:$0x3FB2]  }
0x2e: {  	s3 =	simm.s32 @!p0 $0x1082;
	s9 =	sld [smem:$0x3FB3]  }
0x2f: {  	lr =	sadd.s32 s0, s3;
	s0 =	sld [smem:$0x3FAA]  }
0x30: {  	s3 =	sld [smem:$0x3FAD]  }
0x31: {  	[smem:$0x3FB6] =	sst s10  }
0x32: {  	s10 =	sld [smem:$0x3FB4];
	_ =	sdelay $0x3  }
0x33: {  	p0 =	seq.s32 s10, $0x1;
	s10 =	sld [smem:$0x3FB6];
	_ =	sdelay $0x3  }
0x34: {  	[smem:$0x3FB6] =	sst s10  }
0x35: {  	s10 =	sld [smem:$0x3FB5];
	_ =	sdelay $0x3  }
0x36: {  	p1 =	seq.s32 s10, $0x1;
	s10 =	sld [smem:$0x3FB6];
	_ =	sdelay $0x3  }
0x37: {  	[smem:$0x3FB6] =	sst s10  }
0x38: {  	s10 =	sld [smem:$0x3FB7]  }
0x39: {  	_ = 	snop;
	(pc) =	sbr.ind lr, $3  }
0x3a: {  	_ = 	snop  }
0x3b: {  	_ = 	snop  }
0x3c: {  	p2 =	seq.s32 s10, $0x1;
	s10 =	sld [smem:$0x3FB6]  }
0x3d: {  	_ =	shalt  }
0x3e: {  	_ =	shalt  }
0x3f: {  	_ =	shalt  }
0x40: {  	_ =	shalt  }
0x41: {  	_ =	shalt  }
0x42: {  	_ =	shalt  }
0x43: {  	_ =	shalt  }
0x44: {  	_ =	shalt  }
0x45: {  	_ =	shalt  }
0x46: {  	_ =	shalt  }
0x47: {  	_ =	shalt  }
0x48: {  	_ =	shalt  }
0x49: {  	_ =	shalt  }
0x4a: {  	_ =	shalt  }
0x4b: {  	_ =	shalt  }
0x4c: {  	_ =	shalt  }
0x4d: {  	_ =	shalt  }
0x4e: {  	_ =	shalt  }
0x4f: {  	_ =	shalt  }
0x50: {  	_ =	shalt  }
0x51: {  	_ =	shalt  }
0x52: {  	_ =	shalt  }
0x53: {  	_ =	shalt  }
0x54: {  	_ =	shalt  }
0x55: {  	_ =	shalt  }
0x56: {  	_ =	shalt  }
0x57: {  	_ =	shalt  }
0x58: {  	_ =	shalt  }
0x59: {  	_ =	shalt  }
0x5a: {  	_ =	shalt  }
0x5b: {  	_ =	shalt  }
0x5c: {  	_ =	shalt  }
0x5d: {  	_ =	shalt  }
0x5e: {  	_ =	shalt  }
0x5f: {  	_ =	shalt  }
0x60: {  	_ =	shalt  }
0x61: {  	_ =	shalt  }
0x62: {  	_ =	shalt  }
0x63: {  	_ =	shalt  }
0x64: {  	_ =	shalt  }
0x65: {  	_ =	shalt  }
0x66: {  	_ =	shalt  }
0x67: {  	_ =	shalt  }
0x68: {  	_ =	shalt  }
0x69: {  	_ =	shalt  }
0x6a: {  	_ =	shalt  }
0x6b: {  	_ =	shalt  }
0x6c: {  	_ =	shalt  }
0x6d: {  	_ =	shalt  }
0x6e: {  	_ =	shalt  }
0x6f: {  	_ =	shalt  }
0x70: {  	_ =	shalt  }
0x71: {  	_ =	shalt  }
0x72: {  	_ =	shalt  }
0x73: {  	_ =	shalt  }
0x74: {  	_ =	shalt  }
0x75: {  	_ =	shalt  }
0x76: {  	_ =	shalt  }
0x77: {  	_ =	shalt  }
0x78: {  	_ =	shalt  }
0x79: {  	_ =	shalt  }
0x7a: {  	_ =	shalt  }
0x7b: {  	_ =	shalt  }
0x7c: {  	_ =	shalt  }
0x7d: {  	_ =	shalt  }
0x7e: {  	_ =	shalt  }
0x7f: {  	_ =	shalt  }
0x80: {  	_ =	shalt  }
0x81: {  	_ =	shalt  }
0x82: {  	_ =	shalt  }
0x83: {  	_ =	shalt  }
0x84: {  	_ =	shalt  }
0x85: {  	_ =	shalt  }
0x86: {  	_ =	shalt  }
0x87: {  	_ =	shalt  }
.Lfunc_end0:
.L_simem_size_0:
called_computation_lowered:
.L_overlay_start_0:
0x88: {  	s2 =	sld [smem:$0x3FD9]  }
0x89: {  	s3 =	sld [smem:$0x3FFE];
	_ =	sdelay $0x1  }
0x8a: {  	s1 =	srdreg.scid  }
0x8b: {  	s0 =	sand.u32 $0x1, s1  }
0x8c: {  	s16 =	sshll.u32 s0, $0xA;
	s2 =	sadd.s32 s3, s2  }
0x8d: {  	s2 =	sadd.s32 s2, s16  }
0x8e: {  	[smem:$0x3FC2] =	sst s2  }
0x8f: {  	_ = 	snop  }
0x90: {  	(tm) =	ssettm $0x1  }
0x91: {  	s17 =	sld [smem:$0x3FFB];
	_ =	sdelay $0x3  }
0x92: {  	_ =	strace s17  }
0x93: {  	s2 =	sld [smem:$0x3FFC];
	_ =	sdelay $0x3  }
0x94: {  	_ =	strace s2  }
0x95: {  	s2 =	sld [smem:$0x3FFD];
	_ =	sdelay $0x3  }
0x96: {  	_ =	strace s2  }
0x97: {  	_ =	strace $0x8FFFFFFF  }
0x98: {  	s18 =	sld [smem:$0x3FDB];
	_ =	sdelay $0x1  }
0x99: {  	s19 =	simm.s32 $_scs_section_size  }
0x9a: {  	s4 =	simm.s32 $_size__tile_overlayer_lowered;
	s5 =	simm.s32 $_tile_overlayer_lowered  }
0x9b: {  	s22 =	simm.s32 $0x1BFF;
	s21 =	sshll.u32 s5, $0x1;
	s2 =	sadd.s32 s19, s18  }
0x9c: {  	s6 =	simm.s32 $0x0;
	s20 =	sshll.u32 s4, $0x1;
	s4 =	sadd.s32 s21, s2  }
0x9d: {  	[timem:s6], [sflag:s22] =	dma.local [hbm:s4], s20  }
0x9e: {  	_ =	swait.ge [sflag:s22], s20  }
0x9f: {  	s3 =	ssub.s32 $0x0, s20;
	[sflag:s22] =	ssyncset.done $0x0  }
0xa0: {  	[sflag:s22] =	ssyncadd.s32 s3;
	_ =	sdelay $0x1  }
0xa1: {  	s23 =	simm.s32 $0x1B8B  }
0xa2: {  	_ =	swait.ge [sflag:s23], $0x1  }
0xa3: {  	[sflag:s23] =	ssyncset.done $0x0  }
0xa4: {  	s25 =	simm.s32 $0x1B8E;
	s24 =	sld [smem:$0x3FFE];
	[sflag:s23] =	ssyncadd.s32 $0xFFFFFFFF  }
0xa5: {  	s26 =	simm.s32 $execute0_lowered;
	[smem:$0x3FD2] =	sst s25  }
0xa6: {  	s4 =	sshll.u32 s26, $0x1;
	_ =	strace $0x80000046;
	[dreg:$0x1] =	wrdreg $0xFFFFFFFF  }
0xa7: {  	s28 =	simm.s32 $_size_execute0_lowered;
	s2 =	sadd.s32 s2, s4;
	[dreg:$0x0] =	wrdreg $0x0  }
0xa8: {  	s4 =	sshll.u32 s28, $0x1;
	[dreg:$0x2] =	wrdreg s2  }
0xa9: {  	[dreg:$0x3] =	wrdreg s4  }
0xaa: {  	[dreg:$0x4] =	wrdreg $0xC0  }
0xab: {  	_ =	task [dreg:s6], $0x5FFFF  }
0xac: {  	[dreg:$0x1] =	wrdreg $0xFFFFFFFF  }
0xad: {  	[dreg:$0x0] =	wrdreg $0x60  }
0xae: {  	[dreg:$0x2] =	wrdreg s24  }
0xaf: {  	[dreg:$0x3] =	wrdreg $0x9  }
0xb0: {  	_ =	task.clear_ibuf [dreg:s6], $0x4FFFF;
	_ =	strace $0x90000046  }
0xb1: {  	s29 =	simm.s32 $0x9;
	_ =	strace $0x80000048  }
0xb2: {  	_ =	swait.ge [sflag:s29], $0x1  }
0xb3: {  	[sflag:s29] =	ssyncadd.s32 $0xFFFFFFFF  }
0xb4: {  	_ =	strace $0x90000048  }
0xb5: {  	_ =	sfence  }
0xb6: {  	s30 =	sld [smem:$0x0];
	_ =	sdelay $0x2  }
0xb7: {  	s31 =	sshll.u32 s1, $0xD;
	s1 =	sshrl.u32 s1, $0x2  }
0xb8: {  	s3 =	sand.u32 $0x4000, s31;
	s1 =	sadd.s32 s1, s30  }
0xb9: {  	s0 =	sor.u32 s3, s0;
	s1 =	sshll.u32 s1, $0x11  }
0xba: {  	s0 =	sor.u32 s1, s0  }
0xbb: {  	s0 =	sadd.s32 $0x8F2B, s0  }
0xbc: {  	[sflag:s0] =	ssyncadd.remote.s32 $0x1  }
0xbd: {  	_ =	sfence.sel $0xFFFF  }
0xbe: {  	[dreg:$0x0] =	wrdreg $0xFFFFFFFF;
	(pc) =	sbr.abs _section_cstart, $3  }
0xbf: {  	[dreg:$0x1] =	wrdreg $0xFFFFFFFF  }
0xc0: {  	_ =	task.clear_ibuf [dreg:s6], $0x2FFFF;
	_ =	strace $0x9FFFFFFF  }
0xc1: {  	(tm) =	ssettm $0x7FFFFFFF  }
tec
execute0_lowered:
.L_overlay_start_1:
0x0: {  	(tag) =	ssettag $0x1  }
0x1: {  	s0 =	srdreg.scid  }
0x2: {  	s3 =	sand.u32 $0x1, s0  }
0x3: {  	s0 =	stileid.u32;
	s1 =	sshll.u32 s3, $0x4  }
0x4: {  	s4 =	rddreg [dreg:$0x0];
	s5 =	sor.u32 s0, s1  }
0x5: {  	s2 =	simm.s32 $0x0;
	s8 =	simm.s32 $0x0;
	s6 =	smul.u32 $0x2710, s5  }
0x6: {  	[smem:$0x7FF] =	sst s2;
	s3 =	ssub.s32 $0x2, s3;
	s5 =	smul.u32 $0x500, s5  }
0x7: {  	s1 =	rddreg [dreg:$0x1];
	_ =	strace $0x80000047;
	s7 =	sshrl.u32 s3, $0x1  }
0x8: {  	s7 =	ssub.s32 s3, s7;
	s6 =	sshrl.u32 s6, $0x3;
	s5 =	sadd.s32 s5, s4  }
0x9: {  	s31 =	sadd.s32 s4, s6;
	s4 =	sadd.s32 $0x16600, s5;
	s5 =	smax.u32 s7, $0x1  }
0xa: {  	v0 =	vimm.f32 $0.0e+00;
	v1 =	vimm.f32 $1.000000000e+00;
	s6 =	simm.s32 $0x1;
	s7 =	simm.s32 $0x2710;
	s3 =	sadd.s32 $0xC840, s31  }
.LBB2_1:
0xb: {  	[tilespmem:s2], [sflag:$0x1] =	stream.linear.gather [hbm4b:s3+s2], $0x2710, $0x38;
	[tilespmem:$0x4F10] =	vst v63  }
0xc: {  	_ =	swait.ge [sflag:s6], $0x2710  }
0xd: {  	[sflag:s6] =	ssyncset.done $0x0  }
0xe: {  	s9 =	simm.s32 $0x0;
	[sflag:s6] =	ssyncadd.s32 $0xFFFFD8F0  }
.LBB2_2:
0xf: {  	p0 =	sne.s32 s9, $0x9FC0  }
.Ltmp0:
0x10: {  	_ = 	snop;
	(pc) =	sbr.rel @p0 .LBB2_2-.Ltmp0, $3  }
0x11: {  	_ =	sdelay $0x1  }
0x12: {  	s10 =	sshra.s32 s9, $0x2  }
0x13: {  	s9 =	sadd.s32 $0x40, s9;
	[tilespmem:s10+$0x2710] =	vst v0  }
0x14: {  	s10 =	simm.s32 $0x0;
	s9 =	simm.s32 $0x40  }
.LBB2_4:
0x15: {  	p0 =	sne.s32 s9, $0x9C00;
	v2 =	vld [tilespmem:s10+$0x0];
	_ =	sdelay $0x3  }
.Ltmp1:
0x16: {  	(pc) =	sbr.rel @p0 .LBB2_4-.Ltmp1, $2  }
0x17: {  	_ =	sdelay $0x2  }
0x18: {  	s10 =	sshra.s32 s9, $0x2;
	s9 =	sadd.s32 $0x40, s9;
	[tilespmem:v2+s7+$0x0] =	vst.idx.add.f32.msk $0xffff, v1  }
0x19: {  	v2 =	vld [tilespmem:s10+$0x0];
	_ =	sdelay $0x5  }
0x1a: {  	s8 =	sadd.s32 $0x1, s8  }
0x1b: {  	p0 =	sne.s32 s8, s5  }
.Ltmp2:
0x1c: {  	[tilespmem:v2+s7+$0x0] =	vst.idx.add.f32.msk $0xffff, v1;
	(pc) =	sbr.rel @p0 .LBB2_1-.Ltmp2, $4  }
0x1d: {  	[hbm4b:s4+s2] =	stream.linear.scatter [tilespmem:s7], [sflag:$0x1], $0x2800, $0x38;
	[tilespmem:$0x4F10] =	vst v63  }
0x1e: {  	_ =	swait.ge [sflag:s6], $0x2800  }
0x1f: {  	[sflag:s6] =	ssyncset.done $0x0  }
0x20: {  	[sflag:s6] =	ssyncadd.s32 $0xFFFFD800  }
0x21: {  	_ =	sfence.sel $0x180000  }
0x22: {  	[bflag:$0x0] =	sbarrier.arrive $0xFFFF  }
0x23: {  	p0 =	sne.s32 s0, $0x0;
	_ =	strace $0x90000047  }
0x24: {  	s0 =	sadd.s32 @!p0 $0x100000, s1;
	[bflag:$0x2] =	sbarrier.arrive $0xFFFF  }
0x25: {  	[sflag:s0] =	ssyncadd.tile.s32 @!p0 $0x1;
	_ =	shalt  }
.Lfunc_end2:
_tile_overlayer_lowered:
.L_overlay_start_2:
0x26: {  	(tag) =	ssettag $0x2  }
0x27: {  	s0 =	rddreg [dreg:$0x0];
	s2 =	stileid.u32  }
0x28: {  	s1 =	rddreg [dreg:$0x1];
	p0 =	sne.s32 s2, $0x0  }
0x29: {  	s3 =	rddreg [dreg:$0x2];
	[bflag:$0x3] =	sbarrier.arrive $0xFFFF;
	s2 =	simm.s32 @!p0 $0x1C01  }
0x2a: {  	[timem:s3], [sflag:s2] =	dma.local @!p0 [hbm:s0], s1  }
0x2b: {  	s0 =	simm.s32 @!p0 $0x1  }
0x2c: {  	_ =	swait.ge @!p0 [sflag:s0], s1  }
0x2d: {  	s1 =	ssub.s32 @!p0 $0x0, s1;
	[sflag:s0] =	ssyncset.done @!p0 $0x0  }
0x2e: {  	[sflag:s0] =	ssyncadd.s32 @!p0 s1  }
0x2f: {  	[bflag:$0x3] =	sbarrier.arrive $0xFFFF  }
0x30: {  	_ =	shalt  }

</sc_bundles>
